<compile_context>
chip_gen: v7x
topology: tpu7x:2x2x1
jax: 0.10.2.dev20260603
libtpu: 0.0.44.dev20260713+nightly
codegen_flags: <defaults>
</compile_context>

<pallas_src>
import jax
import jax.numpy as jnp
import numpy as np
from jax import lax
from jax.experimental import pallas as pl
from jax.experimental.pallas import tpu as pltpu
from jax.experimental.pallas import tpu_sc as plsc

W = 2048
H = 64
N = 131072
NPIX = H * W
FOV_UP = 3.0 * np.pi / 180.0
FOV_DOWN = -25.0 * np.pi / 180.0
FOV = abs(FOV_UP) + abs(FOV_DOWN)

NW = 32
PPT = NPIX // NW
QPT = NPIX // 128 // NW
PTS = N // NW
GPS = PTS // 16
CAP = 512
SENT = np.int32(2147483647)
PAD = 8


def _tc_project(x_ref, y_ref, z_ref, lab_ref, mi_ref, pid_ref, dep_ref, lm_ref):
  x = x_ref[...]
  y = y_ref[...]
  z = z_ref[...]
  d = jnp.sqrt(x * x + y * y + z * z)
  yaw = -jnp.arctan2(y, x)
  t = jnp.clip(z / jnp.maximum(d, 1e-8), -1.0, 1.0)
  pitch = 2.0 * jnp.arctan2(t, 1.0 + jnp.sqrt(jnp.maximum(1.0 - t * t, 0.0)))
  proj_x = 0.5 * (yaw / np.pi + 1.0) * W
  proj_y = (1.0 - (pitch + abs(FOV_DOWN)) / FOV) * H
  px = jnp.clip(jnp.floor(proj_x), 0, W - 1).astype(jnp.int32)
  py = jnp.clip(jnp.floor(proj_y), 0, H - 1).astype(jnp.int32)
  pid_ref[...] = py * W + px
  dep_ref[...] = d
  lm_ref[...] = lab_ref[...] + 32 * mi_ref[...]


def _sc_bin(pid_hbm, dep_hbm,
            pidb_out, depb_out, idxb_out, cnts_out, spid_out, sdep_out,
            sidx_out, scnt_out,
            pid_c, dep_c, pidb_v, depb_v, idxb_v, cnt_v,
            spid_v, sdep_v, sidx_v, scnt_v):
  wid = lax.axis_index("s") * 2 + lax.axis_index("c")
  lanes = lax.iota(jnp.int32, 16)
  zeros16 = jnp.zeros((16,), jnp.int32)
  cnt_v[pl.ds(0, 16)] = zeros16
  cnt_v[pl.ds(16, 16)] = zeros16

  base_pt = wid * PTS
  pltpu.sync_copy(pid_hbm.at[pl.ds(base_pt, PTS)], pid_c)
  pltpu.sync_copy(dep_hbm.at[pl.ds(base_pt, PTS)], dep_c)

  def g_body(g, scnt):
    pidv = pid_c[pl.ds(g * 16, 16)]
    dv = dep_c[pl.ds(g * 16, 16)]
    idxv = base_pt + g * 16 + lanes
    owner = lax.shift_right_logical(pidv, 7) & 31
    rank, lastm = plsc.scan_count(owner)
    base = plsc.load_gather(cnt_v, [owner])
    offs = base + rank - 1
    okm = offs < CAP
    plsc.store_scatter(pidb_v, [owner, offs], pidv, mask=okm)
    plsc.store_scatter(depb_v, [owner, offs], dv, mask=okm)
    plsc.store_scatter(idxb_v, [owner, offs], idxv, mask=okm)
    plsc.store_scatter(cnt_v, [owner], offs + 1, mask=lastm)
    spm = ~okm
    plsc.store_compressed(spid_v.at[pl.ds(scnt, 16)], pidv, mask=spm)
    plsc.store_compressed(sdep_v.at[pl.ds(scnt, 16)], dv, mask=spm)
    plsc.store_compressed(sidx_v.at[pl.ds(scnt, 16)], idxv, mask=spm)
    nsp = plsc.all_reduce_population_count(spm)
    return scnt + nsp[0]

  scnt = lax.fori_loop(0, GPS, g_body, jnp.int32(0), unroll=8)

  scnt_v[pl.ds(0, 16)] = jnp.broadcast_to(scnt, (16,))
  pltpu.sync_copy(pidb_v, pidb_out.at[wid])
  pltpu.sync_copy(depb_v, depb_out.at[wid])
  pltpu.sync_copy(idxb_v, idxb_out.at[wid])
  pltpu.sync_copy(cnt_v, cnts_out.at[wid])
  pltpu.sync_copy(scnt_v, scnt_out.at[wid])

  @pl.when(scnt > 0)
  def _():
    pltpu.sync_copy(spid_v, spid_out.at[wid])
    pltpu.sync_copy(sdep_v, sdep_out.at[wid])
    pltpu.sync_copy(sidx_v, sidx_out.at[wid])


def _sc_apply(pidb_hbm, depb_hbm, idxb_hbm, cnts_hbm, spid_hbm, sdep_hbm,
              sidx_hbm, scnt_hbm, x_hbm, y_hbm, z_hbm, lm_hbm,
              ximg_out, yimg_out, zimg_out, dimg_out, lm_out,
              dbuf, ibuf, lanebuf, seg_pid, seg_dep, seg_idx, cnt_v, scnt_v,
              rloc, rdep, ridx, sp_pid, sp_dep, sp_idx,
              idx1d, xg1, yg1, zg1, lmg1, depfix,
              sem):
  wid = lax.axis_index("s") * 2 + lax.axis_index("c")
  lanes = lax.iota(jnp.int32, 16)
  inf16 = jnp.full((16,), jnp.inf, jnp.float32)
  sent16 = jnp.full((16,), SENT, jnp.int32)

  def init_body(i, _):
    dbuf[pl.ds(i * 16, 16)] = inf16
    ibuf[pl.ds(i * 16, 16)] = sent16
    return _

  lax.fori_loop(0, PPT // 16, init_body, None)

  pltpu.sync_copy(pidb_hbm.at[:, wid], seg_pid)
  pltpu.sync_copy(depb_hbm.at[:, wid], seg_dep)
  pltpu.sync_copy(idxb_hbm.at[:, wid], seg_idx)
  pltpu.sync_copy(cnts_hbm, cnt_v)
  pltpu.sync_copy(scnt_hbm, scnt_v)

  def attempt(local, dv, idxv, rem):
    plsc.store_scatter(lanebuf, [local], lanes, mask=rem)
    got = plsc.load_gather(lanebuf, [local], mask=rem)
    winner = rem & (got == lanes)
    curd = plsc.load_gather(dbuf, [local], mask=winner)
    curi = plsc.load_gather(ibuf, [local], mask=winner)
    better = winner & ((dv < curd) | ((dv == curd) & (idxv < curi)))
    plsc.store_scatter(dbuf, [local], dv, mask=better)
    plsc.store_scatter(ibuf, [local], idxv, mask=better)
    return rem & ~winner

  def to_local(pidv):
    blk = lax.shift_right_logical(pidv, 7)
    loc = lax.shift_left(lax.shift_right_logical(blk, 5), 7) | (pidv & 127)
    return loc & (PPT - 1)

  def drain_retries(cnt):
    ngroups = lax.shift_right_logical(cnt + 15, 4)

    def r_body(rg, _):
      valid = (rg * 16 + lanes) < cnt
      local = rloc[pl.ds(rg * 16, 16)]
      dv = rdep[pl.ds(rg * 16, 16)]
      idxv = ridx[pl.ds(rg * 16, 16)]
      rem = attempt(local, dv, idxv, valid)

      @pl.when(jnp.any(rem))
      def _():
        def cond(r):
          return jnp.any(r)

        lax.while_loop(cond, lambda r: attempt(local, dv, idxv, r), rem)

      return _

    lax.fori_loop(0, ngroups, r_body, None)

  def s_body(s, _):
    s16 = jnp.broadcast_to(s, (16,))
    w16 = jnp.broadcast_to(wid, (16,))
    cs = jnp.minimum(plsc.load_gather(cnt_v, [s16, w16])[0], CAP)
    ngroups = lax.shift_right_logical(cs + 15, 4)

    def rg_body(rg, cnt):
      valid = (rg * 16 + lanes) < cs
      pidv = seg_pid[s, pl.ds(rg * 16, 16)]
      dv = seg_dep[s, pl.ds(rg * 16, 16)]
      idxv = seg_idx[s, pl.ds(rg * 16, 16)]
      local = to_local(pidv)
      rem = attempt(local, dv, idxv, valid)
      plsc.store_compressed(rloc.at[pl.ds(cnt, 16)], local, mask=rem)
      plsc.store_compressed(rdep.at[pl.ds(cnt, 16)], dv, mask=rem)
      plsc.store_compressed(ridx.at[pl.ds(cnt, 16)], idxv, mask=rem)
      nrem = plsc.all_reduce_population_count(rem)
      return cnt + nrem[0]

    cnt = lax.fori_loop(0, ngroups, rg_body, jnp.int32(0))

    @pl.when(cnt > 0)
    def _():
      drain_retries(cnt)

    return _

  lax.fori_loop(0, NW, s_body, None)

  zl = jnp.zeros((16,), jnp.int32)
  sc0 = plsc.load_gather(scnt_v, [lanes, zl])
  sc1 = plsc.load_gather(scnt_v, [lanes + 16, zl])
  any_spill = jnp.any((sc0 > 0) | (sc1 > 0))

  @pl.when(any_spill)
  def _():
    def sp_body(s, _):
      ssc = scnt_v[s, pl.ds(0, 16)][0]

      @pl.when(ssc > 0)
      def _():
        pltpu.sync_copy(spid_hbm.at[s], sp_pid)
        pltpu.sync_copy(sdep_hbm.at[s], sp_dep)
        pltpu.sync_copy(sidx_hbm.at[s], sp_idx)
        ng = lax.shift_right_logical(ssc + 15, 4)

        def spg_body(rg, _):
          valid = (rg * 16 + lanes) < ssc
          pidv = sp_pid[pl.ds(rg * 16, 16)]
          dv = sp_dep[pl.ds(rg * 16, 16)]
          idxv = sp_idx[pl.ds(rg * 16, 16)]
          own = valid & ((lax.shift_right_logical(pidv, 7) & 31) == wid)
          local = to_local(pidv)
          rem = attempt(local, dv, idxv, own)

          @pl.when(jnp.any(rem))
          def _():
            def cond(r):
              return jnp.any(r)

            lax.while_loop(cond, lambda r: attempt(local, dv, idxv, r), rem)

          return _

        lax.fori_loop(0, ng, spg_body, None)

      return _

    lax.fori_loop(0, NW, sp_body, None)

  def fix_body(j, _):
    def k_body(k, carry):
      iv = ibuf[pl.ds(j * 128 + k * 16, 16)]
      dvv = dbuf[pl.ds(j * 128 + k * 16, 16)]
      touched = iv != SENT
      idx1d[pl.ds(j * 128 + k * 16, 16)] = jnp.where(touched, iv, N)
      depfix[pl.ds(j * 128 + k * 16, 16)] = jnp.where(touched, dvv, 0.0)
      return carry

    lax.fori_loop(0, 8, k_body, None)
    return _

  lax.fori_loop(0, QPT, fix_body, None)

  cps = [
      pltpu.async_copy(x_hbm.at[idx1d], xg1, sem),
      pltpu.async_copy(y_hbm.at[idx1d], yg1, sem),
      pltpu.async_copy(z_hbm.at[idx1d], zg1, sem),
      pltpu.async_copy(lm_hbm.at[idx1d], lmg1, sem),
  ]
  for cp in cps:
    cp.wait()

  pltpu.sync_copy(xg1, ximg_out.at[wid])
  pltpu.sync_copy(yg1, yimg_out.at[wid])
  pltpu.sync_copy(zg1, zimg_out.at[wid])
  pltpu.sync_copy(depfix, dimg_out.at[wid])
  pltpu.sync_copy(lmg1, lm_out.at[wid])


@jax.jit
def kernel(frame, label, mask):
  xs = frame[:, 0].reshape(1024, 128)
  ys = frame[:, 1].reshape(1024, 128)
  zs = frame[:, 2].reshape(1024, 128)
  lab = label.reshape(1024, 128)
  mi = mask.astype(jnp.int32).reshape(1024, 128)

  pid2, dep2, lm2 = pl.pallas_call(
      _tc_project,
      out_shape=(
          jax.ShapeDtypeStruct((1024, 128), jnp.int32),
          jax.ShapeDtypeStruct((1024, 128), jnp.float32),
          jax.ShapeDtypeStruct((1024, 128), jnp.int32),
      ),
  )(xs, ys, zs, lab, mi)

  pid = pid2.reshape(N)
  dep = dep2.reshape(N)
  lm = jnp.concatenate([lm2.reshape(N), jnp.full((PAD,), -1, jnp.int32)])
  zpad = jnp.zeros((PAD,), jnp.float32)
  xp = jnp.concatenate([frame[:, 0], zpad])
  yp = jnp.concatenate([frame[:, 1], zpad])
  zp = jnp.concatenate([frame[:, 2], zpad])

  mesh = plsc.VectorSubcoreMesh(core_axis_name="c", subcore_axis_name="s")
  params = pltpu.CompilerParams(needs_layout_passes=False)

  binned = pl.kernel(
      _sc_bin,
      out_type=(
          jax.ShapeDtypeStruct((NW, NW, CAP), jnp.int32),
          jax.ShapeDtypeStruct((NW, NW, CAP), jnp.float32),
          jax.ShapeDtypeStruct((NW, NW, CAP), jnp.int32),
          jax.ShapeDtypeStruct((NW, NW), jnp.int32),
          jax.ShapeDtypeStruct((NW, PTS), jnp.int32),
          jax.ShapeDtypeStruct((NW, PTS), jnp.float32),
          jax.ShapeDtypeStruct((NW, PTS), jnp.int32),
          jax.ShapeDtypeStruct((NW, 16), jnp.int32),
      ),
      mesh=mesh,
      compiler_params=params,
      scratch_types=[
          pltpu.VMEM((PTS,), jnp.int32),
          pltpu.VMEM((PTS,), jnp.float32),
          pltpu.VMEM((NW, CAP), jnp.int32),
          pltpu.VMEM((NW, CAP), jnp.float32),
          pltpu.VMEM((NW, CAP), jnp.int32),
          pltpu.VMEM((NW,), jnp.int32),
          pltpu.VMEM((PTS,), jnp.int32),
          pltpu.VMEM((PTS,), jnp.float32),
          pltpu.VMEM((PTS,), jnp.int32),
          pltpu.VMEM((16,), jnp.int32),
      ],
  )
  pidb, depb, idxb, cnts, spid, sdep, sidx, scnt = binned(pid, dep)

  sc = pl.kernel(
      _sc_apply,
      out_type=(
          jax.ShapeDtypeStruct((NW, PPT), jnp.float32),
          jax.ShapeDtypeStruct((NW, PPT), jnp.float32),
          jax.ShapeDtypeStruct((NW, PPT), jnp.float32),
          jax.ShapeDtypeStruct((NW, PPT), jnp.float32),
          jax.ShapeDtypeStruct((NW, PPT), jnp.int32),
      ),
      mesh=mesh,
      compiler_params=params,
      scratch_types=[
          pltpu.VMEM((PPT,), jnp.float32),
          pltpu.VMEM((PPT,), jnp.int32),
          pltpu.VMEM((PPT,), jnp.int32),
          pltpu.VMEM((NW, CAP), jnp.int32),
          pltpu.VMEM((NW, CAP), jnp.float32),
          pltpu.VMEM((NW, CAP), jnp.int32),
          pltpu.VMEM((NW, NW), jnp.int32),
          pltpu.VMEM((NW, 16), jnp.int32),
          pltpu.VMEM((1024,), jnp.int32),
          pltpu.VMEM((1024,), jnp.float32),
          pltpu.VMEM((1024,), jnp.int32),
          pltpu.VMEM((PTS,), jnp.int32),
          pltpu.VMEM((PTS,), jnp.float32),
          pltpu.VMEM((PTS,), jnp.int32),
          pltpu.VMEM((QPT * 128,), jnp.int32),
          pltpu.VMEM((QPT * 128,), jnp.float32),
          pltpu.VMEM((QPT * 128,), jnp.float32),
          pltpu.VMEM((QPT * 128,), jnp.float32),
          pltpu.VMEM((QPT * 128,), jnp.int32),
          pltpu.VMEM((QPT * 128,), jnp.float32),
          pltpu.SemaphoreType.DMA,
      ],
  )
  ximg, yimg, zimg, dimg, lmimg = sc(
      pidb, depb, idxb, cnts, spid, sdep, sidx, scnt, xp, yp, zp, lm)

  def untile(a):
    return a.reshape(NW, QPT, 128).transpose(1, 0, 2).reshape(H, W)

  frame_img = jnp.stack(
      [untile(ximg), untile(yimg), untile(zimg), untile(dimg)], axis=-1)
  lmimg = untile(lmimg)
  label_img = jnp.where(lmimg >= 0, lmimg & 31, -1)
  mask_img = lmimg >= 32
  return (frame_img, label_img, mask_img)

# --- scband reference (transcript-rebuilt; emitter-appended) ---
"""Pipeline reference for scband-projection-sim-transform-67242007987059 (READ-ONLY COPY).

The authoritative reference and input builder live on the scoring server;
editing this copy changes nothing except your own understanding.
"""

import jax, jax.numpy as jnp
import numpy as np

W = 2048
H = 64
N = 131072
FOV_UP = 3.0 * np.pi / 180.0
FOV_DOWN = -25.0 * np.pi / 180.0
FOV = abs(FOV_UP) + abs(FOV_DOWN)


def get_xy_projections(scan_xyz, depth):
    yaw = -jnp.arctan2(scan_xyz[:, 1], scan_xyz[:, 0])
    pitch = jnp.arcsin(jnp.clip(scan_xyz[:, 2] / jnp.maximum(depth, 1e-8), -1.0, 1.0))
    proj_x = 0.5 * (yaw / np.pi + 1.0) * W
    proj_y = (1.0 - (pitch + abs(FOV_DOWN)) / FOV) * H
    proj_x = jnp.clip(jnp.floor(proj_x), 0, W - 1).astype(jnp.int32)
    proj_y = jnp.clip(jnp.floor(proj_y), 0, H - 1).astype(jnp.int32)
    return proj_x, proj_y


def setup_inputs(seed: int = 0):
    key = jax.random.key(seed)
    k1, k2, k3 = jax.random.split(key, 3)
    frame = jax.random.normal(k1, (N, 4), dtype=jnp.float32) * 20.0
    label = jax.random.randint(k2, (N,), 0, 20, dtype=jnp.int32)
    mask = jax.random.randint(k3, (N,), 0, 2, dtype=jnp.int32).astype(bool)
    return {"frame": frame, "label": label, "mask": mask}


def reference(frame, label, mask):
    scan_xyz = frame[:, :3]
    depth = jnp.linalg.norm(scan_xyz, ord=2, axis=1)
    proj_x, proj_y = get_xy_projections(scan_xyz, depth)
    order = jnp.argsort(depth)[::-1]
    info_list = [scan_xyz, depth[:, None], mask.astype(jnp.float32)[:, None], label.astype(jnp.float32)[:, None]]
    scan_info = jnp.concatenate(info_list, axis=-1)
    scan_info = scan_info[order]
    py = proj_y[order]
    px = proj_x[order]
    projections_img = jnp.zeros((H, W, 2 + len(info_list)), dtype=jnp.float32)
    projections_img = projections_img.at[:, :, -1].add(-1.0)
    projections_img = projections_img.at[py, px].set(scan_info)
    frame_img = projections_img[:, :, :-2]
    label_img = projections_img[:, :, -1].astype(jnp.int32)
    mask_img = projections_img[:, :, -2].astype(bool) & (label_img > -1)
    return (frame_img, label_img, mask_img)

if __name__ == "__main__":
    import jax
    _d = setup_inputs()
    print(jax.jit(kernel)(*tuple(_d.values())))

</pallas_src>

<mosaic_0001>
#map = affine_map<(d0, d1) -> (0, 0, 0)>
#map1 = affine_map<(d0, d1) -> (0, 0)>
#map2 = affine_map<(d0, d1) -> (0)>
module attributes {stable_mosaic.version = 14 : i64} {
  func.func @_sc_apply(%arg0: i32, %arg1: i32, %arg2: memref<32x32x512xi32, #tpu.memory_space<hbm>>, %arg3: memref<32x32x512xf32, #tpu.memory_space<hbm>>, %arg4: memref<32x32x512xi32, #tpu.memory_space<hbm>>, %arg5: memref<32x32xi32, #tpu.memory_space<hbm>>, %arg6: memref<32x4096xi32, #tpu.memory_space<hbm>>, %arg7: memref<32x4096xf32, #tpu.memory_space<hbm>>, %arg8: memref<32x4096xi32, #tpu.memory_space<hbm>>, %arg9: memref<32x16xi32, #tpu.memory_space<hbm>>, %arg10: memref<131080xf32, #tpu.memory_space<hbm>>, %arg11: memref<131080xf32, #tpu.memory_space<hbm>>, %arg12: memref<131080xf32, #tpu.memory_space<hbm>>, %arg13: memref<131080xi32, #tpu.memory_space<hbm>>, %arg14: memref<32x4096xf32, #tpu.memory_space<hbm>>, %arg15: memref<32x4096xf32, #tpu.memory_space<hbm>>, %arg16: memref<32x4096xf32, #tpu.memory_space<hbm>>, %arg17: memref<32x4096xf32, #tpu.memory_space<hbm>>, %arg18: memref<32x4096xi32, #tpu.memory_space<hbm>>, %arg19: memref<4096xf32, #tpu.memory_space<vmem>>, %arg20: memref<4096xi32, #tpu.memory_space<vmem>>, %arg21: memref<4096xi32, #tpu.memory_space<vmem>>, %arg22: memref<32x512xi32, #tpu.memory_space<vmem>>, %arg23: memref<32x512xf32, #tpu.memory_space<vmem>>, %arg24: memref<32x512xi32, #tpu.memory_space<vmem>>, %arg25: memref<32x32xi32, #tpu.memory_space<vmem>>, %arg26: memref<32x16xi32, #tpu.memory_space<vmem>>, %arg27: memref<1024xi32, #tpu.memory_space<vmem>>, %arg28: memref<1024xf32, #tpu.memory_space<vmem>>, %arg29: memref<1024xi32, #tpu.memory_space<vmem>>, %arg30: memref<4096xi32, #tpu.memory_space<vmem>>, %arg31: memref<4096xf32, #tpu.memory_space<vmem>>, %arg32: memref<4096xi32, #tpu.memory_space<vmem>>, %arg33: memref<4096xi32, #tpu.memory_space<vmem>>, %arg34: memref<4096xf32, #tpu.memory_space<vmem>>, %arg35: memref<4096xf32, #tpu.memory_space<vmem>>, %arg36: memref<4096xf32, #tpu.memory_space<vmem>>, %arg37: memref<4096xi32, #tpu.memory_space<vmem>>, %arg38: memref<4096xf32, #tpu.memory_space<vmem>>, %arg39: memref<!tpu.dma_semaphore, #tpu.memory_space<semaphore_mem>>) attributes {dimension_semantics = [#tpu.dimension_semantics<core_parallel>, #tpu.dimension_semantics<subcore_parallel>], iteration_bounds = array<i64: 2, 16>, scalar_prefetch = 0 : i64, scratch_operands = 21 : i64, tpu.core_type = #tpu.core_type<sc_vector_subcore>, window_params = [{transform_indices = #map}, {transform_indices = #map}, {transform_indices = #map}, {transform_indices = #map1}, {transform_indices = #map1}, {transform_indices = #map1}, {transform_indices = #map1}, {transform_indices = #map1}, {transform_indices = #map2}, {transform_indices = #map2}, {transform_indices = #map2}, {transform_indices = #map2}, {transform_indices = #map1}, {transform_indices = #map1}, {transform_indices = #map1}, {transform_indices = #map1}, {transform_indices = #map1}]} {
    %mul3A = arith.constant 2 : i32
    %mul3A_0 = arith.muli %arg1, %mul3A : i32
    %add3A = arith.addi %mul3A_0, %arg0 : i32
    %iota3A = tpu.iota {dimensions = array<i32: 0>} : vector<16xi32>
    %broadcast_in_dim3A = arith.constant 0x7F800000 : f32
    %broadcast_in_dim3A_1 = vector.broadcast %broadcast_in_dim3A : f32 to vector<16xf32>
    %broadcast_in_dim3A_2 = arith.constant 2147483647 : i32
    %broadcast_in_dim3A_3 = vector.broadcast %broadcast_in_dim3A_2 : i32 to vector<16xi32>
    %scan3A = arith.constant 0 : i32
    %scan3A_4 = arith.constant 256 : i32
    %scan3A_5 = arith.addi %scan3A, %scan3A_4 : i32
    %scan3A_6 = arith.constant 1 : i32
    scf.for %scan3A_54 = %scan3A to %scan3A_5 step %scan3A_6  : i32 {
      %mul3A_55 = arith.constant 16 : i32
      %mul3A_56 = arith.muli %scan3A_54, %mul3A_55 : i32
      %swap3A = arith.index_cast %mul3A_56 : i32 to index
      %swap3A_57 = tpu.vector_load %arg19[%swap3A] {strides = array<i32>} : memref<4096xf32, #tpu.memory_space<vmem>>, vector<16xf32>,
      tpu.vector_store %arg19[%swap3A], %broadcast_in_dim3A_1 {strides = array<i32>} : memref<4096xf32, #tpu.memory_space<vmem>>, vector<16xf32>,
      %mul3A_58 = arith.constant 16 : i32
      %mul3A_59 = arith.muli %scan3A_54, %mul3A_58 : i32
      %swap3A_60 = arith.index_cast %mul3A_59 : i32 to index
      %swap3A_61 = tpu.vector_load %arg20[%swap3A_60] {strides = array<i32>} : memref<4096xi32, #tpu.memory_space<vmem>>, vector<16xi32>,
      tpu.vector_store %arg20[%swap3A_60], %broadcast_in_dim3A_3 {strides = array<i32>} : memref<4096xi32, #tpu.memory_space<vmem>>, vector<16xi32>,
    }
    %scan3A_7 = arith.constant 256 : i32
    "tpu.region"() ({
      %run_scoped3A = tpu.sem_alloc : memref<!tpu.dma_semaphore, #tpu.memory_space<semaphore_mem>>
      %dma_start3A_54 = arith.constant 0 : i32
      %dma_start3A_55 = arith.constant 0 : i32
      %dma_start3A_56 = tpu.memref_slice %arg2[%dma_start3A_54, %add3A, %dma_start3A_55] : memref<32x32x512xi32, #tpu.memory_space<hbm>> -> memref<32x1x512xi32, #tpu.memory_space<hbm>>
      %dma_start3A_57 = tpu.memref_squeeze %dma_start3A_56 : memref<32x1x512xi32, #tpu.memory_space<hbm>> -> memref<32x512xi32, #tpu.memory_space<hbm>>
      %dma_start3A_58 = arith.constant 0 : i32
      %dma_start3A_59 = arith.constant 0 : i32
      %dma_start3A_60 = tpu.memref_slice %arg2[%dma_start3A_58, %add3A, %dma_start3A_59] : memref<32x32x512xi32, #tpu.memory_space<hbm>> -> memref<32x1x512xi32, #tpu.memory_space<hbm>>
      %dma_start3A_61 = tpu.memref_squeeze %dma_start3A_60 : memref<32x1x512xi32, #tpu.memory_space<hbm>> -> memref<32x512xi32, #tpu.memory_space<hbm>>
      tpu.enqueue_dma source(%dma_start3A_61 : memref<32x512xi32, #tpu.memory_space<hbm>>) target(%arg22 : memref<32x512xi32, #tpu.memory_space<vmem>>) target_semaphore(%run_scoped3A : memref<!tpu.dma_semaphore, #tpu.memory_space<semaphore_mem>>)
      %dma_wait3A_62 = arith.constant 0 : i32
      %dma_wait3A_63 = arith.constant 0 : i32
      %dma_wait3A_64 = tpu.memref_slice %arg2[%dma_wait3A_62, %add3A, %dma_wait3A_63] : memref<32x32x512xi32, #tpu.memory_space<hbm>> -> memref<32x1x512xi32, #tpu.memory_space<hbm>>
      %dma_wait3A_65 = tpu.memref_squeeze %dma_wait3A_64 : memref<32x1x512xi32, #tpu.memory_space<hbm>> -> memref<32x512xi32, #tpu.memory_space<hbm>>
      %dma_wait3A_66 = arith.constant 0 : i32
      %dma_wait3A_67 = arith.constant 0 : i32
      %dma_wait3A_68 = tpu.memref_slice %arg2[%dma_wait3A_66, %add3A, %dma_wait3A_67] : memref<32x32x512xi32, #tpu.memory_space<hbm>> -> memref<32x1x512xi32, #tpu.memory_space<hbm>>
      %dma_wait3A_69 = tpu.memref_squeeze %dma_wait3A_68 : memref<32x1x512xi32, #tpu.memory_space<hbm>> -> memref<32x512xi32, #tpu.memory_space<hbm>>
      tpu.wait_dma2 semaphore(%run_scoped3A : memref<!tpu.dma_semaphore, #tpu.memory_space<semaphore_mem>>) src(%dma_wait3A_69 : memref<32x512xi32, #tpu.memory_space<hbm>>) dst(%arg22 : memref<32x512xi32, #tpu.memory_space<vmem>>)
      tpu.yield
    }) : () -> ()
    "tpu.region"() ({
      %run_scoped3A = tpu.sem_alloc : memref<!tpu.dma_semaphore, #tpu.memory_space<semaphore_mem>>
      %dma_start3A_54 = arith.constant 0 : i32
      %dma_start3A_55 = arith.constant 0 : i32
      %dma_start3A_56 = tpu.memref_slice %arg3[%dma_start3A_54, %add3A, %dma_start3A_55] : memref<32x32x512xf32, #tpu.memory_space<hbm>> -> memref<32x1x512xf32, #tpu.memory_space<hbm>>
      %dma_start3A_57 = tpu.memref_squeeze %dma_start3A_56 : memref<32x1x512xf32, #tpu.memory_space<hbm>> -> memref<32x512xf32, #tpu.memory_space<hbm>>
      %dma_start3A_58 = arith.constant 0 : i32
      %dma_start3A_59 = arith.constant 0 : i32
      %dma_start3A_60 = tpu.memref_slice %arg3[%dma_start3A_58, %add3A, %dma_start3A_59] : memref<32x32x512xf32, #tpu.memory_space<hbm>> -> memref<32x1x512xf32, #tpu.memory_space<hbm>>
      %dma_start3A_61 = tpu.memref_squeeze %dma_start3A_60 : memref<32x1x512xf32, #tpu.memory_space<hbm>> -> memref<32x512xf32, #tpu.memory_space<hbm>>
      tpu.enqueue_dma source(%dma_start3A_61 : memref<32x512xf32, #tpu.memory_space<hbm>>) target(%arg23 : memref<32x512xf32, #tpu.memory_space<vmem>>) target_semaphore(%run_scoped3A : memref<!tpu.dma_semaphore, #tpu.memory_space<semaphore_mem>>)
      %dma_wait3A_62 = arith.constant 0 : i32
      %dma_wait3A_63 = arith.constant 0 : i32
      %dma_wait3A_64 = tpu.memref_slice %arg3[%dma_wait3A_62, %add3A, %dma_wait3A_63] : memref<32x32x512xf32, #tpu.memory_space<hbm>> -> memref<32x1x512xf32, #tpu.memory_space<hbm>>
      %dma_wait3A_65 = tpu.memref_squeeze %dma_wait3A_64 : memref<32x1x512xf32, #tpu.memory_space<hbm>> -> memref<32x512xf32, #tpu.memory_space<hbm>>
      %dma_wait3A_66 = arith.constant 0 : i32
      %dma_wait3A_67 = arith.constant 0 : i32
      %dma_wait3A_68 = tpu.memref_slice %arg3[%dma_wait3A_66, %add3A, %dma_wait3A_67] : memref<32x32x512xf32, #tpu.memory_space<hbm>> -> memref<32x1x512xf32, #tpu.memory_space<hbm>>
      %dma_wait3A_69 = tpu.memref_squeeze %dma_wait3A_68 : memref<32x1x512xf32, #tpu.memory_space<hbm>> -> memref<32x512xf32, #tpu.memory_space<hbm>>
      tpu.wait_dma2 semaphore(%run_scoped3A : memref<!tpu.dma_semaphore, #tpu.memory_space<semaphore_mem>>) src(%dma_wait3A_69 : memref<32x512xf32, #tpu.memory_space<hbm>>) dst(%arg23 : memref<32x512xf32, #tpu.memory_space<vmem>>)
      tpu.yield
    }) : () -> ()
    "tpu.region"() ({
      %run_scoped3A = tpu.sem_alloc : memref<!tpu.dma_semaphore, #tpu.memory_space<semaphore_mem>>
      %dma_start3A_54 = arith.constant 0 : i32
      %dma_start3A_55 = arith.constant 0 : i32
      %dma_start3A_56 = tpu.memref_slice %arg4[%dma_start3A_54, %add3A, %dma_start3A_55] : memref<32x32x512xi32, #tpu.memory_space<hbm>> -> memref<32x1x512xi32, #tpu.memory_space<hbm>>
      %dma_start3A_57 = tpu.memref_squeeze %dma_start3A_56 : memref<32x1x512xi32, #tpu.memory_space<hbm>> -> memref<32x512xi32, #tpu.memory_space<hbm>>
      %dma_start3A_58 = arith.constant 0 : i32
      %dma_start3A_59 = arith.constant 0 : i32
      %dma_start3A_60 = tpu.memref_slice %arg4[%dma_start3A_58, %add3A, %dma_start3A_59] : memref<32x32x512xi32, #tpu.memory_space<hbm>> -> memref<32x1x512xi32, #tpu.memory_space<hbm>>
      %dma_start3A_61 = tpu.memref_squeeze %dma_start3A_60 : memref<32x1x512xi32, #tpu.memory_space<hbm>> -> memref<32x512xi32, #tpu.memory_space<hbm>>
      tpu.enqueue_dma source(%dma_start3A_61 : memref<32x512xi32, #tpu.memory_space<hbm>>) target(%arg24 : memref<32x512xi32, #tpu.memory_space<vmem>>) target_semaphore(%run_scoped3A : memref<!tpu.dma_semaphore, #tpu.memory_space<semaphore_mem>>)
      %dma_wait3A_62 = arith.constant 0 : i32
      %dma_wait3A_63 = arith.constant 0 : i32
      %dma_wait3A_64 = tpu.memref_slice %arg4[%dma_wait3A_62, %add3A, %dma_wait3A_63] : memref<32x32x512xi32, #tpu.memory_space<hbm>> -> memref<32x1x512xi32, #tpu.memory_space<hbm>>
      %dma_wait3A_65 = tpu.memref_squeeze %dma_wait3A_64 : memref<32x1x512xi32, #tpu.memory_space<hbm>> -> memref<32x512xi32, #tpu.memory_space<hbm>>
      %dma_wait3A_66 = arith.constant 0 : i32
      %dma_wait3A_67 = arith.constant 0 : i32
      %dma_wait3A_68 = tpu.memref_slice %arg4[%dma_wait3A_66, %add3A, %dma_wait3A_67] : memref<32x32x512xi32, #tpu.memory_space<hbm>> -> memref<32x1x512xi32, #tpu.memory_space<hbm>>
      %dma_wait3A_69 = tpu.memref_squeeze %dma_wait3A_68 : memref<32x1x512xi32, #tpu.memory_space<hbm>> -> memref<32x512xi32, #tpu.memory_space<hbm>>
      tpu.wait_dma2 semaphore(%run_scoped3A : memref<!tpu.dma_semaphore, #tpu.memory_space<semaphore_mem>>) src(%dma_wait3A_69 : memref<32x512xi32, #tpu.memory_space<hbm>>) dst(%arg24 : memref<32x512xi32, #tpu.memory_space<vmem>>)
      tpu.yield
    }) : () -> ()
    "tpu.region"() ({
      %run_scoped3A = tpu.sem_alloc : memref<!tpu.dma_semaphore, #tpu.memory_space<semaphore_mem>>
      tpu.enqueue_dma source(%arg5 : memref<32x32xi32, #tpu.memory_space<hbm>>) target(%arg25 : memref<32x32xi32, #tpu.memory_space<vmem>>) target_semaphore(%run_scoped3A : memref<!tpu.dma_semaphore, #tpu.memory_space<semaphore_mem>>)
      tpu.wait_dma2 semaphore(%run_scoped3A : memref<!tpu.dma_semaphore, #tpu.memory_space<semaphore_mem>>) src(%arg5 : memref<32x32xi32, #tpu.memory_space<hbm>>) dst(%arg25 : memref<32x32xi32, #tpu.memory_space<vmem>>)
      tpu.yield
    }) : () -> ()
    "tpu.region"() ({
      %run_scoped3A = tpu.sem_alloc : memref<!tpu.dma_semaphore, #tpu.memory_space<semaphore_mem>>
      tpu.enqueue_dma source(%arg9 : memref<32x16xi32, #tpu.memory_space<hbm>>) target(%arg26 : memref<32x16xi32, #tpu.memory_space<vmem>>) target_semaphore(%run_scoped3A : memref<!tpu.dma_semaphore, #tpu.memory_space<semaphore_mem>>)
      tpu.wait_dma2 semaphore(%run_scoped3A : memref<!tpu.dma_semaphore, #tpu.memory_space<semaphore_mem>>) src(%arg9 : memref<32x16xi32, #tpu.memory_space<hbm>>) dst(%arg26 : memref<32x16xi32, #tpu.memory_space<vmem>>)
      tpu.yield
    }) : () -> ()
    %scan3A_8 = arith.constant 0 : i32
    %scan3A_9 = arith.constant 32 : i32
    %scan3A_10 = arith.addi %scan3A_8, %scan3A_9 : i32
    %scan3A_11 = arith.constant 1 : i32
    scf.for %scan3A_54 = %scan3A_8 to %scan3A_10 step %scan3A_11  : i32 {
      %broadcast_in_dim3A_55 = vector.broadcast %scan3A_54 : i32 to vector<16xi32>
      %broadcast_in_dim3A_56 = vector.broadcast %add3A : i32 to vector<16xi32>
      %gather3A_57 = tpu.vector_load_idx %arg25[%broadcast_in_dim3A_55, %broadcast_in_dim3A_56] : memref<32x32xi32, #tpu.memory_space<vmem>>[vector<16xi32>, vector<16xi32>], vector<16xi32>,
      %slice3A = vector.extract_strided_slice %gather3A_57 {offsets = [0], sizes = [1], strides = [1]} : vector<16xi32> to vector<1xi32>
      %squeeze3A = vector.extract %slice3A[0] : i32 from vector<1xi32>
      %min3A = arith.constant 512 : i32
      %min3A_58 = arith.minsi %squeeze3A, %min3A : i32
      %add3A_59 = arith.constant 15 : i32
      %add3A_60 = arith.addi %min3A_58, %add3A_59 : i32
      %shift_right_logical3A = arith.constant 4 : i32
      %shift_right_logical3A_61 = arith.shrui %add3A_60, %shift_right_logical3A : i32
      %while3A = arith.constant 0 : i32
      %while3A_62 = arith.constant 0 : i32
      %while3A_63 = arith.subi %shift_right_logical3A_61, %while3A : i32
      %while3A_64 = arith.addi %while3A, %while3A_63 : i32
      %while3A_65 = arith.constant 1 : i32
      %while3A_66 = arith.divsi %while3A_63, %while3A_65 : i32
      %while3A_67 = arith.muli %while3A_66, %while3A_65 : i32
      %while3A_68 = arith.addi %while3A, %while3A_67 : i32
      %while3A_69 = arith.constant 1 : i32
      %while3A_70 = scf.for %while3A_78 = %while3A to %while3A_68 step %while3A_69 iter_args(%while3A_79 = %while3A_62) -> (i32)  : i32 {
        %mul3A_80 = arith.constant 16 : i32
        %mul3A_81 = arith.muli %while3A_78, %mul3A_80 : i32
        %add3A_82 = vector.broadcast %mul3A_81 : i32 to vector<16xi32>
        %add3A_83 = arith.addi %add3A_82, %iota3A : vector<16xi32>
        %lt3A = vector.broadcast %min3A_58 : i32 to vector<16xi32>
        %lt3A_84 = arith.cmpi slt, %add3A_83, %lt3A : vector<16xi32>
        %mul3A_85 = arith.constant 16 : i32
        %mul3A_86 = arith.muli %while3A_78, %mul3A_85 : i32
        %get3A = arith.index_cast %scan3A_54 : i32 to index
        %get3A_87 = arith.index_cast %mul3A_86 : i32 to index
        %get3A_88 = tpu.vector_load %arg22[%get3A, %get3A_87] {strides = array<i32>} : memref<32x512xi32, #tpu.memory_space<vmem>>, vector<16xi32>,
        %mul3A_89 = arith.constant 16 : i32
        %mul3A_90 = arith.muli %while3A_78, %mul3A_89 : i32
        %get3A_91 = arith.index_cast %scan3A_54 : i32 to index
        %get3A_92 = arith.index_cast %mul3A_90 : i32 to index
        %get3A_93 = tpu.vector_load %arg23[%get3A_91, %get3A_92] {strides = array<i32>} : memref<32x512xf32, #tpu.memory_space<vmem>>, vector<16xf32>,
        %mul3A_94 = arith.constant 16 : i32
        %mul3A_95 = arith.muli %while3A_78, %mul3A_94 : i32
        %get3A_96 = arith.index_cast %scan3A_54 : i32 to index
        %get3A_97 = arith.index_cast %mul3A_95 : i32 to index
        %get3A_98 = tpu.vector_load %arg24[%get3A_96, %get3A_97] {strides = array<i32>} : memref<32x512xi32, #tpu.memory_space<vmem>>, vector<16xi32>,
        %shift_right_logical3A_99 = arith.constant 7 : i32
        %shift_right_logical3A_100 = vector.broadcast %shift_right_logical3A_99 : i32 to vector<16xi32>
        %shift_right_logical3A_101 = arith.shrui %get3A_88, %shift_right_logical3A_100 : vector<16xi32>
        %shift_right_logical3A_102 = arith.constant 5 : i32
        %shift_right_logical3A_103 = vector.broadcast %shift_right_logical3A_102 : i32 to vector<16xi32>
        %shift_right_logical3A_104 = arith.shrui %shift_right_logical3A_101, %shift_right_logical3A_103 : vector<16xi32>
        %shift_left3A = arith.constant 7 : i32
        %shift_left3A_105 = vector.broadcast %shift_left3A : i32 to vector<16xi32>
        %shift_left3A_106 = arith.shli %shift_right_logical3A_104, %shift_left3A_105 : vector<16xi32>
        %and3A = arith.constant 127 : i32
        %and3A_107 = vector.broadcast %and3A : i32 to vector<16xi32>
        %and3A_108 = arith.andi %get3A_88, %and3A_107 : vector<16xi32>
        %or3A_109 = arith.ori %shift_left3A_106, %and3A_108 : vector<16xi32>
        %and3A_110 = arith.constant 4095 : i32
        %and3A_111 = vector.broadcast %and3A_110 : i32 to vector<16xi32>
        %and3A_112 = arith.andi %or3A_109, %and3A_111 : vector<16xi32>
        tpu.vector_store_idx %arg21[%and3A_112], %iota3A masked %lt3A_84 : memref<4096xi32, #tpu.memory_space<vmem>>[vector<16xi32>], vector<16xi32>, vector<16xi1>
        %gather3A_113 = tpu.vector_load_idx %arg21[%and3A_112] masked %lt3A_84 : memref<4096xi32, #tpu.memory_space<vmem>>[vector<16xi32>], vector<16xi32>, vector<16xi1>
        %eq3A = arith.cmpi eq, %gather3A_113, %iota3A : vector<16xi32>
        %and3A_114 = arith.andi %lt3A_84, %eq3A : vector<16xi1>
        %gather3A_115 = tpu.vector_load_idx %arg19[%and3A_112] masked %and3A_114 : memref<4096xf32, #tpu.memory_space<vmem>>[vector<16xi32>], vector<16xf32>, vector<16xi1>
        %gather3A_116 = tpu.vector_load_idx %arg20[%and3A_112] masked %and3A_114 : memref<4096xi32, #tpu.memory_space<vmem>>[vector<16xi32>], vector<16xi32>, vector<16xi1>
        %lt3A_117 = arith.cmpf olt, %get3A_93, %gather3A_115 : vector<16xf32>
        %eq3A_118 = arith.cmpf oeq, %get3A_93, %gather3A_115 : vector<16xf32>
        %lt3A_119 = arith.cmpi slt, %get3A_98, %gather3A_116 : vector<16xi32>
        %and3A_120 = arith.andi %eq3A_118, %lt3A_119 : vector<16xi1>
        %or3A_121 = arith.ori %lt3A_117, %and3A_120 : vector<16xi1>
        %and3A_122 = arith.andi %and3A_114, %or3A_121 : vector<16xi1>
        tpu.vector_store_idx %arg19[%and3A_112], %get3A_93 masked %and3A_122 : memref<4096xf32, #tpu.memory_space<vmem>>[vector<16xi32>], vector<16xf32>, vector<16xi1>
        tpu.vector_store_idx %arg20[%and3A_112], %get3A_98 masked %and3A_122 : memref<4096xi32, #tpu.memory_space<vmem>>[vector<16xi32>], vector<16xi32>, vector<16xi1>
        %not3A = arith.constant dense<true> : vector<16xi1>
        %not3A_123 = arith.xori %and3A_114, %not3A : vector<16xi1>
        %and3A_124 = arith.andi %lt3A_84, %not3A_123 : vector<16xi1>
        %swap3A = arith.index_cast %while3A_79 : i32 to index
        %swap3A_125 = tpu.vector_load %arg27[%swap3A] masked %and3A_124 {strides = array<i32>} : memref<1024xi32, #tpu.memory_space<vmem>>, vector<16xi32>, vector<16xi1>
        tpu.vector_store %arg27[%swap3A], %and3A_112 masked %and3A_124 {strides = array<i32>} : memref<1024xi32, #tpu.memory_space<vmem>>, vector<16xi32>, vector<16xi1>
        %swap3A_126 = arith.index_cast %while3A_79 : i32 to index
        %swap3A_127 = tpu.vector_load %arg28[%swap3A_126] masked %and3A_124 {strides = array<i32>} : memref<1024xf32, #tpu.memory_space<vmem>>, vector<16xf32>, vector<16xi1>
        tpu.vector_store %arg28[%swap3A_126], %get3A_93 masked %and3A_124 {strides = array<i32>} : memref<1024xf32, #tpu.memory_space<vmem>>, vector<16xf32>, vector<16xi1>
        %swap3A_128 = arith.index_cast %while3A_79 : i32 to index
        %swap3A_129 = tpu.vector_load %arg29[%swap3A_128] masked %and3A_124 {strides = array<i32>} : memref<1024xi32, #tpu.memory_space<vmem>>, vector<16xi32>, vector<16xi1>
        tpu.vector_store %arg29[%swap3A_128], %get3A_98 masked %and3A_124 {strides = array<i32>} : memref<1024xi32, #tpu.memory_space<vmem>>, vector<16xi32>, vector<16xi1>
        %all_reduce_population_count3A = tpu.all_reduce %and3A_124 {dim = 0 : i64, kind = #tpu.reduction_kind<sum>} : vector<16xi1> -> vector<16xi32>
        %slice3A_130 = vector.extract_strided_slice %all_reduce_population_count3A {offsets = [0], sizes = [1], strides = [1]} : vector<16xi32> to vector<1xi32>
        %squeeze3A_131 = vector.extract %slice3A_130[0] : i32 from vector<1xi32>
        %add3A_132 = arith.addi %while3A_79, %squeeze3A_131 : i32
        scf.yield %add3A_132 : i32
      }
      %while3A_71 = arith.constant 1 : i32
      %while3A_72 = scf.for %while3A_78 = %while3A_68 to %while3A_64 step %while3A_71 iter_args(%while3A_79 = %while3A_70) -> (i32)  : i32 {
        %mul3A_80 = arith.constant 16 : i32
        %mul3A_81 = arith.muli %while3A_78, %mul3A_80 : i32
        %add3A_82 = vector.broadcast %mul3A_81 : i32 to vector<16xi32>
        %add3A_83 = arith.addi %add3A_82, %iota3A : vector<16xi32>
        %lt3A = vector.broadcast %min3A_58 : i32 to vector<16xi32>
        %lt3A_84 = arith.cmpi slt, %add3A_83, %lt3A : vector<16xi32>
        %mul3A_85 = arith.constant 16 : i32
        %mul3A_86 = arith.muli %while3A_78, %mul3A_85 : i32
        %get3A = arith.index_cast %scan3A_54 : i32 to index
        %get3A_87 = arith.index_cast %mul3A_86 : i32 to index
        %get3A_88 = tpu.vector_load %arg22[%get3A, %get3A_87] {strides = array<i32>} : memref<32x512xi32, #tpu.memory_space<vmem>>, vector<16xi32>,
        %mul3A_89 = arith.constant 16 : i32
        %mul3A_90 = arith.muli %while3A_78, %mul3A_89 : i32
        %get3A_91 = arith.index_cast %scan3A_54 : i32 to index
        %get3A_92 = arith.index_cast %mul3A_90 : i32 to index
        %get3A_93 = tpu.vector_load %arg23[%get3A_91, %get3A_92] {strides = array<i32>} : memref<32x512xf32, #tpu.memory_space<vmem>>, vector<16xf32>,
        %mul3A_94 = arith.constant 16 : i32
        %mul3A_95 = arith.muli %while3A_78, %mul3A_94 : i32
        %get3A_96 = arith.index_cast %scan3A_54 : i32 to index
        %get3A_97 = arith.index_cast %mul3A_95 : i32 to index
        %get3A_98 = tpu.vector_load %arg24[%get3A_96, %get3A_97] {strides = array<i32>} : memref<32x512xi32, #tpu.memory_space<vmem>>, vector<16xi32>,
        %shift_right_logical3A_99 = arith.constant 7 : i32
        %shift_right_logical3A_100 = vector.broadcast %shift_right_logical3A_99 : i32 to vector<16xi32>
        %shift_right_logical3A_101 = arith.shrui %get3A_88, %shift_right_logical3A_100 : vector<16xi32>
        %shift_right_logical3A_102 = arith.constant 5 : i32
        %shift_right_logical3A_103 = vector.broadcast %shift_right_logical3A_102 : i32 to vector<16xi32>
        %shift_right_logical3A_104 = arith.shrui %shift_right_logical3A_101, %shift_right_logical3A_103 : vector<16xi32>
        %shift_left3A = arith.constant 7 : i32
        %shift_left3A_105 = vector.broadcast %shift_left3A : i32 to vector<16xi32>
        %shift_left3A_106 = arith.shli %shift_right_logical3A_104, %shift_left3A_105 : vector<16xi32>
        %and3A = arith.constant 127 : i32
        %and3A_107 = vector.broadcast %and3A : i32 to vector<16xi32>
        %and3A_108 = arith.andi %get3A_88, %and3A_107 : vector<16xi32>
        %or3A_109 = arith.ori %shift_left3A_106, %and3A_108 : vector<16xi32>
        %and3A_110 = arith.constant 4095 : i32
        %and3A_111 = vector.broadcast %and3A_110 : i32 to vector<16xi32>
        %and3A_112 = arith.andi %or3A_109, %and3A_111 : vector<16xi32>
        tpu.vector_store_idx %arg21[%and3A_112], %iota3A masked %lt3A_84 : memref<4096xi32, #tpu.memory_space<vmem>>[vector<16xi32>], vector<16xi32>, vector<16xi1>
        %gather3A_113 = tpu.vector_load_idx %arg21[%and3A_112] masked %lt3A_84 : memref<4096xi32, #tpu.memory_space<vmem>>[vector<16xi32>], vector<16xi32>, vector<16xi1>
        %eq3A = arith.cmpi eq, %gather3A_113, %iota3A : vector<16xi32>
        %and3A_114 = arith.andi %lt3A_84, %eq3A : vector<16xi1>
        %gather3A_115 = tpu.vector_load_idx %arg19[%and3A_112] masked %and3A_114 : memref<4096xf32, #tpu.memory_space<vmem>>[vector<16xi32>], vector<16xf32>, vector<16xi1>
        %gather3A_116 = tpu.vector_load_idx %arg20[%and3A_112] masked %and3A_114 : memref<4096xi32, #tpu.memory_space<vmem>>[vector<16xi32>], vector<16xi32>, vector<16xi1>
        %lt3A_117 = arith.cmpf olt, %get3A_93, %gather3A_115 : vector<16xf32>
        %eq3A_118 = arith.cmpf oeq, %get3A_93, %gather3A_115 : vector<16xf32>
        %lt3A_119 = arith.cmpi slt, %get3A_98, %gather3A_116 : vector<16xi32>
        %and3A_120 = arith.andi %eq3A_118, %lt3A_119 : vector<16xi1>
        %or3A_121 = arith.ori %lt3A_117, %and3A_120 : vector<16xi1>
        %and3A_122 = arith.andi %and3A_114, %or3A_121 : vector<16xi1>
        tpu.vector_store_idx %arg19[%and3A_112], %get3A_93 masked %and3A_122 : memref<4096xf32, #tpu.memory_space<vmem>>[vector<16xi32>], vector<16xf32>, vector<16xi1>
        tpu.vector_store_idx %arg20[%and3A_112], %get3A_98 masked %and3A_122 : memref<4096xi32, #tpu.memory_space<vmem>>[vector<16xi32>], vector<16xi32>, vector<16xi1>
        %not3A = arith.constant dense<true> : vector<16xi1>
        %not3A_123 = arith.xori %and3A_114, %not3A : vector<16xi1>
        %and3A_124 = arith.andi %lt3A_84, %not3A_123 : vector<16xi1>
        %swap3A = arith.index_cast %while3A_79 : i32 to index
        %swap3A_125 = tpu.vector_load %arg27[%swap3A] masked %and3A_124 {strides = array<i32>} : memref<1024xi32, #tpu.memory_space<vmem>>, vector<16xi32>, vector<16xi1>
        tpu.vector_store %arg27[%swap3A], %and3A_112 masked %and3A_124 {strides = array<i32>} : memref<1024xi32, #tpu.memory_space<vmem>>, vector<16xi32>, vector<16xi1>
        %swap3A_126 = arith.index_cast %while3A_79 : i32 to index
        %swap3A_127 = tpu.vector_load %arg28[%swap3A_126] masked %and3A_124 {strides = array<i32>} : memref<1024xf32, #tpu.memory_space<vmem>>, vector<16xf32>, vector<16xi1>
        tpu.vector_store %arg28[%swap3A_126], %get3A_93 masked %and3A_124 {strides = array<i32>} : memref<1024xf32, #tpu.memory_space<vmem>>, vector<16xf32>, vector<16xi1>
        %swap3A_128 = arith.index_cast %while3A_79 : i32 to index
        %swap3A_129 = tpu.vector_load %arg29[%swap3A_128] masked %and3A_124 {strides = array<i32>} : memref<1024xi32, #tpu.memory_space<vmem>>, vector<16xi32>, vector<16xi1>
        tpu.vector_store %arg29[%swap3A_128], %get3A_98 masked %and3A_124 {strides = array<i32>} : memref<1024xi32, #tpu.memory_space<vmem>>, vector<16xi32>, vector<16xi1>
        %all_reduce_population_count3A = tpu.all_reduce %and3A_124 {dim = 0 : i64, kind = #tpu.reduction_kind<sum>} : vector<16xi1> -> vector<16xi32>
        %slice3A_130 = vector.extract_strided_slice %all_reduce_population_count3A {offsets = [0], sizes = [1], strides = [1]} : vector<16xi32> to vector<1xi32>
        %squeeze3A_131 = vector.extract %slice3A_130[0] : i32 from vector<1xi32>
        %add3A_132 = arith.addi %while3A_79, %squeeze3A_131 : i32
        scf.yield %add3A_132 : i32
      }
      %gt3A_73 = arith.constant 0 : i32
      %gt3A_74 = arith.cmpi sgt, %while3A_72, %gt3A_73 : i32
      %convert_element_type3A_75 = arith.extui %gt3A_74 : i1 to i32
      %cond3A_76 = arith.constant 0 : i32
      %cond3A_77 = arith.cmpi ne, %convert_element_type3A_75, %cond3A_76 : i32
      scf.if %cond3A_77 {
        %add3A_78 = arith.constant 15 : i32
        %add3A_79 = arith.addi %while3A_72, %add3A_78 : i32
        %shift_right_logical3A_80 = arith.constant 4 : i32
        %shift_right_logical3A_81 = arith.shrui %add3A_79, %shift_right_logical3A_80 : i32
        %while3A_82 = arith.constant 0 : i32
        %while3A_83 = arith.subi %shift_right_logical3A_81, %while3A_82 : i32
        %while3A_84 = arith.addi %while3A_82, %while3A_83 : i32
        %while3A_85 = arith.constant 1 : i32
        %while3A_86 = arith.divsi %while3A_83, %while3A_85 : i32
        %while3A_87 = arith.muli %while3A_86, %while3A_85 : i32
        %while3A_88 = arith.addi %while3A_82, %while3A_87 : i32
        %while3A_89 = arith.constant 1 : i32
        scf.for %while3A_91 = %while3A_82 to %while3A_88 step %while3A_89  : i32 {
          %mul3A_92 = arith.constant 16 : i32
          %mul3A_93 = arith.muli %while3A_91, %mul3A_92 : i32
          %add3A_94 = vector.broadcast %mul3A_93 : i32 to vector<16xi32>
          %add3A_95 = arith.addi %add3A_94, %iota3A : vector<16xi32>
          %lt3A = vector.broadcast %while3A_72 : i32 to vector<16xi32>
          %lt3A_96 = arith.cmpi slt, %add3A_95, %lt3A : vector<16xi32>
          %mul3A_97 = arith.constant 16 : i32
          %mul3A_98 = arith.muli %while3A_91, %mul3A_97 : i32
          %get3A = arith.index_cast %mul3A_98 : i32 to index
          %get3A_99 = tpu.vector_load %arg27[%get3A] {strides = array<i32>} : memref<1024xi32, #tpu.memory_space<vmem>>, vector<16xi32>,
          %mul3A_100 = arith.constant 16 : i32
          %mul3A_101 = arith.muli %while3A_91, %mul3A_100 : i32
          %get3A_102 = arith.index_cast %mul3A_101 : i32 to index
          %get3A_103 = tpu.vector_load %arg28[%get3A_102] {strides = array<i32>} : memref<1024xf32, #tpu.memory_space<vmem>>, vector<16xf32>,
          %mul3A_104 = arith.constant 16 : i32
          %mul3A_105 = arith.muli %while3A_91, %mul3A_104 : i32
          %get3A_106 = arith.index_cast %mul3A_105 : i32 to index
          %get3A_107 = tpu.vector_load %arg29[%get3A_106] {strides = array<i32>} : memref<1024xi32, #tpu.memory_space<vmem>>, vector<16xi32>,
          tpu.vector_store_idx %arg21[%get3A_99], %iota3A masked %lt3A_96 : memref<4096xi32, #tpu.memory_space<vmem>>[vector<16xi32>], vector<16xi32>, vector<16xi1>
          %gather3A_108 = tpu.vector_load_idx %arg21[%get3A_99] masked %lt3A_96 : memref<4096xi32, #tpu.memory_space<vmem>>[vector<16xi32>], vector<16xi32>, vector<16xi1>
          %eq3A = arith.cmpi eq, %gather3A_108, %iota3A : vector<16xi32>
          %and3A = arith.andi %lt3A_96, %eq3A : vector<16xi1>
          %gather3A_109 = tpu.vector_load_idx %arg19[%get3A_99] masked %and3A : memref<4096xf32, #tpu.memory_space<vmem>>[vector<16xi32>], vector<16xf32>, vector<16xi1>
          %gather3A_110 = tpu.vector_load_idx %arg20[%get3A_99] masked %and3A : memref<4096xi32, #tpu.memory_space<vmem>>[vector<16xi32>], vector<16xi32>, vector<16xi1>
          %lt3A_111 = arith.cmpf olt, %get3A_103, %gather3A_109 : vector<16xf32>
          %eq3A_112 = arith.cmpf oeq, %get3A_103, %gather3A_109 : vector<16xf32>
          %lt3A_113 = arith.cmpi slt, %get3A_107, %gather3A_110 : vector<16xi32>
          %and3A_114 = arith.andi %eq3A_112, %lt3A_113 : vector<16xi1>
          %or3A_115 = arith.ori %lt3A_111, %and3A_114 : vector<16xi1>
          %and3A_116 = arith.andi %and3A, %or3A_115 : vector<16xi1>
          tpu.vector_store_idx %arg19[%get3A_99], %get3A_103 masked %and3A_116 : memref<4096xf32, #tpu.memory_space<vmem>>[vector<16xi32>], vector<16xf32>, vector<16xi1>
          tpu.vector_store_idx %arg20[%get3A_99], %get3A_107 masked %and3A_116 : memref<4096xi32, #tpu.memory_space<vmem>>[vector<16xi32>], vector<16xi32>, vector<16xi1>
          %not3A = arith.constant dense<true> : vector<16xi1>
          %not3A_117 = arith.xori %and3A, %not3A : vector<16xi1>
          %and3A_118 = arith.andi %lt3A_96, %not3A_117 : vector<16xi1>
          %reduce_or3A_119 = arith.constant 1.000000e+00 : f32
          %reduce_or3A_120 = arith.constant 0.000000e+00 : f32
          %reduce_or3A_121 = vector.broadcast %reduce_or3A_119 : f32 to vector<16xf32>
          %reduce_or3A_122 = vector.broadcast %reduce_or3A_120 : f32 to vector<16xf32>
          %reduce_or3A_123 = arith.select %and3A_118, %reduce_or3A_121, %reduce_or3A_122 : vector<16xi1>, vector<16xf32>
          %reduce_or3A_124 = arith.constant true
          %reduce_or3A_125 = vector.broadcast %reduce_or3A_124 : i1 to vector<16xi1>
          %reduce_or3A_126 = tpu.scan <max>, %reduce_or3A_123 masked %reduce_or3A_125 : vector<16xf32>, vector<16xi1> -> vector<16xf32>
          %reduce_or3A_127 = vector.extract %reduce_or3A_126[15] : f32 from vector<16xf32>
          %reduce_or3A_128 = arith.constant 0.000000e+00 : f32
          %reduce_or3A_129 = arith.cmpf ogt, %reduce_or3A_127, %reduce_or3A_128 : f32
          %convert_element_type3A_130 = arith.extui %reduce_or3A_129 : i1 to i32
          %cond3A_131 = arith.constant 0 : i32
          %cond3A_132 = arith.cmpi ne, %convert_element_type3A_130, %cond3A_131 : i32
          scf.if %cond3A_132 {
            %while3A_133 = scf.while (%while3A_134 = %and3A_118) : (vector<16xi1>) -> vector<16xi1> {
              %reduce_or3A_135 = arith.constant 1.000000e+00 : f32
              %reduce_or3A_136 = arith.constant 0.000000e+00 : f32
              %reduce_or3A_137 = vector.broadcast %reduce_or3A_135 : f32 to vector<16xf32>
              %reduce_or3A_138 = vector.broadcast %reduce_or3A_136 : f32 to vector<16xf32>
              %reduce_or3A_139 = arith.select %while3A_134, %reduce_or3A_137, %reduce_or3A_138 : vector<16xi1>, vector<16xf32>
              %reduce_or3A_140 = arith.constant true
              %reduce_or3A_141 = vector.broadcast %reduce_or3A_140 : i1 to vector<16xi1>
              %reduce_or3A_142 = tpu.scan <max>, %reduce_or3A_139 masked %reduce_or3A_141 : vector<16xf32>, vector<16xi1> -> vector<16xf32>
              %reduce_or3A_143 = vector.extract %reduce_or3A_142[15] : f32 from vector<16xf32>
              %reduce_or3A_144 = arith.constant 0.000000e+00 : f32
              %reduce_or3A_145 = arith.cmpf ogt, %reduce_or3A_143, %reduce_or3A_144 : f32
              scf.condition(%reduce_or3A_145) %while3A_134 : vector<16xi1>
            } do {
            ^bb0(%while3A_134: vector<16xi1>):
              tpu.vector_store_idx %arg21[%get3A_99], %iota3A masked %while3A_134 : memref<4096xi32, #tpu.memory_space<vmem>>[vector<16xi32>], vector<16xi32>, vector<16xi1>
              %gather3A_135 = tpu.vector_load_idx %arg21[%get3A_99] masked %while3A_134 : memref<4096xi32, #tpu.memory_space<vmem>>[vector<16xi32>], vector<16xi32>, vector<16xi1>
              %eq3A_136 = arith.cmpi eq, %gather3A_135, %iota3A : vector<16xi32>
              %and3A_137 = arith.andi %while3A_134, %eq3A_136 : vector<16xi1>
              %gather3A_138 = tpu.vector_load_idx %arg19[%get3A_99] masked %and3A_137 : memref<4096xf32, #tpu.memory_space<vmem>>[vector<16xi32>], vector<16xf32>, vector<16xi1>
              %gather3A_139 = tpu.vector_load_idx %arg20[%get3A_99] masked %and3A_137 : memref<4096xi32, #tpu.memory_space<vmem>>[vector<16xi32>], vector<16xi32>, vector<16xi1>
              %lt3A_140 = arith.cmpf olt, %get3A_103, %gather3A_138 : vector<16xf32>
              %eq3A_141 = arith.cmpf oeq, %get3A_103, %gather3A_138 : vector<16xf32>
              %lt3A_142 = arith.cmpi slt, %get3A_107, %gather3A_139 : vector<16xi32>
              %and3A_143 = arith.andi %eq3A_141, %lt3A_142 : vector<16xi1>
              %or3A_144 = arith.ori %lt3A_140, %and3A_143 : vector<16xi1>
              %and3A_145 = arith.andi %and3A_137, %or3A_144 : vector<16xi1>
              tpu.vector_store_idx %arg19[%get3A_99], %get3A_103 masked %and3A_145 : memref<4096xf32, #tpu.memory_space<vmem>>[vector<16xi32>], vector<16xf32>, vector<16xi1>
              tpu.vector_store_idx %arg20[%get3A_99], %get3A_107 masked %and3A_145 : memref<4096xi32, #tpu.memory_space<vmem>>[vector<16xi32>], vector<16xi32>, vector<16xi1>
              %not3A_146 = arith.constant dense<true> : vector<16xi1>
              %not3A_147 = arith.xori %and3A_137, %not3A_146 : vector<16xi1>
              %and3A_148 = arith.andi %while3A_134, %not3A_147 : vector<16xi1>
              scf.yield %and3A_148 : vector<16xi1>
            }
          } else {
          }
        }
        %while3A_90 = arith.constant 1 : i32
        scf.for %while3A_91 = %while3A_88 to %while3A_84 step %while3A_90  : i32 {
          %mul3A_92 = arith.constant 16 : i32
          %mul3A_93 = arith.muli %while3A_91, %mul3A_92 : i32
          %add3A_94 = vector.broadcast %mul3A_93 : i32 to vector<16xi32>
          %add3A_95 = arith.addi %add3A_94, %iota3A : vector<16xi32>
          %lt3A = vector.broadcast %while3A_72 : i32 to vector<16xi32>
          %lt3A_96 = arith.cmpi slt, %add3A_95, %lt3A : vector<16xi32>
          %mul3A_97 = arith.constant 16 : i32
          %mul3A_98 = arith.muli %while3A_91, %mul3A_97 : i32
          %get3A = arith.index_cast %mul3A_98 : i32 to index
          %get3A_99 = tpu.vector_load %arg27[%get3A] {strides = array<i32>} : memref<1024xi32, #tpu.memory_space<vmem>>, vector<16xi32>,
          %mul3A_100 = arith.constant 16 : i32
          %mul3A_101 = arith.muli %while3A_91, %mul3A_100 : i32
          %get3A_102 = arith.index_cast %mul3A_101 : i32 to index
          %get3A_103 = tpu.vector_load %arg28[%get3A_102] {strides = array<i32>} : memref<1024xf32, #tpu.memory_space<vmem>>, vector<16xf32>,
          %mul3A_104 = arith.constant 16 : i32
          %mul3A_105 = arith.muli %while3A_91, %mul3A_104 : i32
          %get3A_106 = arith.index_cast %mul3A_105 : i32 to index
          %get3A_107 = tpu.vector_load %arg29[%get3A_106] {strides = array<i32>} : memref<1024xi32, #tpu.memory_space<vmem>>, vector<16xi32>,
          tpu.vector_store_idx %arg21[%get3A_99], %iota3A masked %lt3A_96 : memref<4096xi32, #tpu.memory_space<vmem>>[vector<16xi32>], vector<16xi32>, vector<16xi1>
          %gather3A_108 = tpu.vector_load_idx %arg21[%get3A_99] masked %lt3A_96 : memref<4096xi32, #tpu.memory_space<vmem>>[vector<16xi32>], vector<16xi32>, vector<16xi1>
          %eq3A = arith.cmpi eq, %gather3A_108, %iota3A : vector<16xi32>
          %and3A = arith.andi %lt3A_96, %eq3A : vector<16xi1>
          %gather3A_109 = tpu.vector_load_idx %arg19[%get3A_99] masked %and3A : memref<4096xf32, #tpu.memory_space<vmem>>[vector<16xi32>], vector<16xf32>, vector<16xi1>
          %gather3A_110 = tpu.vector_load_idx %arg20[%get3A_99] masked %and3A : memref<4096xi32, #tpu.memory_space<vmem>>[vector<16xi32>], vector<16xi32>, vector<16xi1>
          %lt3A_111 = arith.cmpf olt, %get3A_103, %gather3A_109 : vector<16xf32>
          %eq3A_112 = arith.cmpf oeq, %get3A_103, %gather3A_109 : vector<16xf32>
          %lt3A_113 = arith.cmpi slt, %get3A_107, %gather3A_110 : vector<16xi32>
          %and3A_114 = arith.andi %eq3A_112, %lt3A_113 : vector<16xi1>
          %or3A_115 = arith.ori %lt3A_111, %and3A_114 : vector<16xi1>
          %and3A_116 = arith.andi %and3A, %or3A_115 : vector<16xi1>
          tpu.vector_store_idx %arg19[%get3A_99], %get3A_103 masked %and3A_116 : memref<4096xf32, #tpu.memory_space<vmem>>[vector<16xi32>], vector<16xf32>, vector<16xi1>
          tpu.vector_store_idx %arg20[%get3A_99], %get3A_107 masked %and3A_116 : memref<4096xi32, #tpu.memory_space<vmem>>[vector<16xi32>], vector<16xi32>, vector<16xi1>
          %not3A = arith.constant dense<true> : vector<16xi1>
          %not3A_117 = arith.xori %and3A, %not3A : vector<16xi1>
          %and3A_118 = arith.andi %lt3A_96, %not3A_117 : vector<16xi1>
          %reduce_or3A_119 = arith.constant 1.000000e+00 : f32
          %reduce_or3A_120 = arith.constant 0.000000e+00 : f32
          %reduce_or3A_121 = vector.broadcast %reduce_or3A_119 : f32 to vector<16xf32>
          %reduce_or3A_122 = vector.broadcast %reduce_or3A_120 : f32 to vector<16xf32>
          %reduce_or3A_123 = arith.select %and3A_118, %reduce_or3A_121, %reduce_or3A_122 : vector<16xi1>, vector<16xf32>
          %reduce_or3A_124 = arith.constant true
          %reduce_or3A_125 = vector.broadcast %reduce_or3A_124 : i1 to vector<16xi1>
          %reduce_or3A_126 = tpu.scan <max>, %reduce_or3A_123 masked %reduce_or3A_125 : vector<16xf32>, vector<16xi1> -> vector<16xf32>
          %reduce_or3A_127 = vector.extract %reduce_or3A_126[15] : f32 from vector<16xf32>
          %reduce_or3A_128 = arith.constant 0.000000e+00 : f32
          %reduce_or3A_129 = arith.cmpf ogt, %reduce_or3A_127, %reduce_or3A_128 : f32
          %convert_element_type3A_130 = arith.extui %reduce_or3A_129 : i1 to i32
          %cond3A_131 = arith.constant 0 : i32
          %cond3A_132 = arith.cmpi ne, %convert_element_type3A_130, %cond3A_131 : i32
          scf.if %cond3A_132 {
            %while3A_133 = scf.while (%while3A_134 = %and3A_118) : (vector<16xi1>) -> vector<16xi1> {
              %reduce_or3A_135 = arith.constant 1.000000e+00 : f32
              %reduce_or3A_136 = arith.constant 0.000000e+00 : f32
              %reduce_or3A_137 = vector.broadcast %reduce_or3A_135 : f32 to vector<16xf32>
              %reduce_or3A_138 = vector.broadcast %reduce_or3A_136 : f32 to vector<16xf32>
              %reduce_or3A_139 = arith.select %while3A_134, %reduce_or3A_137, %reduce_or3A_138 : vector<16xi1>, vector<16xf32>
              %reduce_or3A_140 = arith.constant true
              %reduce_or3A_141 = vector.broadcast %reduce_or3A_140 : i1 to vector<16xi1>
              %reduce_or3A_142 = tpu.scan <max>, %reduce_or3A_139 masked %reduce_or3A_141 : vector<16xf32>, vector<16xi1> -> vector<16xf32>
              %reduce_or3A_143 = vector.extract %reduce_or3A_142[15] : f32 from vector<16xf32>
              %reduce_or3A_144 = arith.constant 0.000000e+00 : f32
              %reduce_or3A_145 = arith.cmpf ogt, %reduce_or3A_143, %reduce_or3A_144 : f32
              scf.condition(%reduce_or3A_145) %while3A_134 : vector<16xi1>
            } do {
            ^bb0(%while3A_134: vector<16xi1>):
              tpu.vector_store_idx %arg21[%get3A_99], %iota3A masked %while3A_134 : memref<4096xi32, #tpu.memory_space<vmem>>[vector<16xi32>], vector<16xi32>, vector<16xi1>
              %gather3A_135 = tpu.vector_load_idx %arg21[%get3A_99] masked %while3A_134 : memref<4096xi32, #tpu.memory_space<vmem>>[vector<16xi32>], vector<16xi32>, vector<16xi1>
              %eq3A_136 = arith.cmpi eq, %gather3A_135, %iota3A : vector<16xi32>
              %and3A_137 = arith.andi %while3A_134, %eq3A_136 : vector<16xi1>
              %gather3A_138 = tpu.vector_load_idx %arg19[%get3A_99] masked %and3A_137 : memref<4096xf32, #tpu.memory_space<vmem>>[vector<16xi32>], vector<16xf32>, vector<16xi1>
              %gather3A_139 = tpu.vector_load_idx %arg20[%get3A_99] masked %and3A_137 : memref<4096xi32, #tpu.memory_space<vmem>>[vector<16xi32>], vector<16xi32>, vector<16xi1>
              %lt3A_140 = arith.cmpf olt, %get3A_103, %gather3A_138 : vector<16xf32>
              %eq3A_141 = arith.cmpf oeq, %get3A_103, %gather3A_138 : vector<16xf32>
              %lt3A_142 = arith.cmpi slt, %get3A_107, %gather3A_139 : vector<16xi32>
              %and3A_143 = arith.andi %eq3A_141, %lt3A_142 : vector<16xi1>
              %or3A_144 = arith.ori %lt3A_140, %and3A_143 : vector<16xi1>
              %and3A_145 = arith.andi %and3A_137, %or3A_144 : vector<16xi1>
              tpu.vector_store_idx %arg19[%get3A_99], %get3A_103 masked %and3A_145 : memref<4096xf32, #tpu.memory_space<vmem>>[vector<16xi32>], vector<16xf32>, vector<16xi1>
              tpu.vector_store_idx %arg20[%get3A_99], %get3A_107 masked %and3A_145 : memref<4096xi32, #tpu.memory_space<vmem>>[vector<16xi32>], vector<16xi32>, vector<16xi1>
              %not3A_146 = arith.constant dense<true> : vector<16xi1>
              %not3A_147 = arith.xori %and3A_137, %not3A_146 : vector<16xi1>
              %and3A_148 = arith.andi %while3A_134, %not3A_147 : vector<16xi1>
              scf.yield %and3A_148 : vector<16xi1>
            }
          } else {
          }
        }
      } else {
      }
    }
    %scan3A_12 = arith.constant 32 : i32
    %broadcast_in_dim3A_13 = arith.constant 0 : i32
    %broadcast_in_dim3A_14 = vector.broadcast %broadcast_in_dim3A_13 : i32 to vector<16xi32>
    %gather3A = tpu.vector_load_idx %arg26[%iota3A, %broadcast_in_dim3A_14] : memref<32x16xi32, #tpu.memory_space<vmem>>[vector<16xi32>, vector<16xi32>], vector<16xi32>,
    %add3A_15 = arith.constant 16 : i32
    %add3A_16 = vector.broadcast %add3A_15 : i32 to vector<16xi32>
    %add3A_17 = arith.addi %iota3A, %add3A_16 : vector<16xi32>
    %gather3A_18 = tpu.vector_load_idx %arg26[%add3A_17, %broadcast_in_dim3A_14] : memref<32x16xi32, #tpu.memory_space<vmem>>[vector<16xi32>, vector<16xi32>], vector<16xi32>,
    %gt3A = arith.constant 0 : i32
    %gt3A_19 = vector.broadcast %gt3A : i32 to vector<16xi32>
    %gt3A_20 = arith.cmpi sgt, %gather3A, %gt3A_19 : vector<16xi32>
    %gt3A_21 = arith.constant 0 : i32
    %gt3A_22 = vector.broadcast %gt3A_21 : i32 to vector<16xi32>
    %gt3A_23 = arith.cmpi sgt, %gather3A_18, %gt3A_22 : vector<16xi32>
    %or3A = arith.ori %gt3A_20, %gt3A_23 : vector<16xi1>
    %reduce_or3A = arith.constant 1.000000e+00 : f32
    %reduce_or3A_24 = arith.constant 0.000000e+00 : f32
    %reduce_or3A_25 = vector.broadcast %reduce_or3A : f32 to vector<16xf32>
    %reduce_or3A_26 = vector.broadcast %reduce_or3A_24 : f32 to vector<16xf32>
    %reduce_or3A_27 = arith.select %or3A, %reduce_or3A_25, %reduce_or3A_26 : vector<16xi1>, vector<16xf32>
    %reduce_or3A_28 = arith.constant true
    %reduce_or3A_29 = vector.broadcast %reduce_or3A_28 : i1 to vector<16xi1>
    %reduce_or3A_30 = tpu.scan <max>, %reduce_or3A_27 masked %reduce_or3A_29 : vector<16xf32>, vector<16xi1> -> vector<16xf32>
    %reduce_or3A_31 = vector.extract %reduce_or3A_30[15] : f32 from vector<16xf32>
    %reduce_or3A_32 = arith.constant 0.000000e+00 : f32
    %reduce_or3A_33 = arith.cmpf ogt, %reduce_or3A_31, %reduce_or3A_32 : f32
    %convert_element_type3A = arith.extui %reduce_or3A_33 : i1 to i32
    %cond3A = arith.constant 0 : i32
    %cond3A_34 = arith.cmpi ne, %convert_element_type3A, %cond3A : i32
    scf.if %cond3A_34 {
      %scan3A_54 = arith.constant 0 : i32
      %scan3A_55 = arith.constant 32 : i32
      %scan3A_56 = arith.addi %scan3A_54, %scan3A_55 : i32
      %scan3A_57 = arith.constant 1 : i32
      scf.for %scan3A_59 = %scan3A_54 to %scan3A_56 step %scan3A_57  : i32 {
        %get3A = arith.index_cast %scan3A_59 : i32 to index
        %get3A_60 = arith.constant 0 : index
        %get3A_61 = tpu.vector_load %arg26[%get3A, %get3A_60] {strides = array<i32>} : memref<32x16xi32, #tpu.memory_space<vmem>>, vector<16xi32>,
        %slice3A = vector.extract_strided_slice %get3A_61 {offsets = [0], sizes = [1], strides = [1]} : vector<16xi32> to vector<1xi32>
        %squeeze3A = vector.extract %slice3A[0] : i32 from vector<1xi32>
        %gt3A_62 = arith.constant 0 : i32
        %gt3A_63 = arith.cmpi sgt, %squeeze3A, %gt3A_62 : i32
        %convert_element_type3A_64 = arith.extui %gt3A_63 : i1 to i32
        %cond3A_65 = arith.constant 0 : i32
        %cond3A_66 = arith.cmpi ne, %convert_element_type3A_64, %cond3A_65 : i32
        scf.if %cond3A_66 {
          "tpu.region"() ({
            %run_scoped3A = tpu.sem_alloc : memref<!tpu.dma_semaphore, #tpu.memory_space<semaphore_mem>>
            %dma_start3A_78 = arith.constant 0 : i32
            %dma_start3A_79 = tpu.memref_slice %arg6[%scan3A_59, %dma_start3A_78] : memref<32x4096xi32, #tpu.memory_space<hbm>> -> memref<1x4096xi32, #tpu.memory_space<hbm>>
            %dma_start3A_80 = tpu.memref_squeeze %dma_start3A_79 : memref<1x4096xi32, #tpu.memory_space<hbm>> -> memref<4096xi32, #tpu.memory_space<hbm>>
            %dma_start3A_81 = arith.constant 0 : i32
            %dma_start3A_82 = tpu.memref_slice %arg6[%scan3A_59, %dma_start3A_81] : memref<32x4096xi32, #tpu.memory_space<hbm>> -> memref<1x4096xi32, #tpu.memory_space<hbm>>
            %dma_start3A_83 = tpu.memref_squeeze %dma_start3A_82 : memref<1x4096xi32, #tpu.memory_space<hbm>> -> memref<4096xi32, #tpu.memory_space<hbm>>
            tpu.enqueue_dma source(%dma_start3A_83 : memref<4096xi32, #tpu.memory_space<hbm>>) target(%arg30 : memref<4096xi32, #tpu.memory_space<vmem>>) target_semaphore(%run_scoped3A : memref<!tpu.dma_semaphore, #tpu.memory_space<semaphore_mem>>)
            %dma_wait3A_84 = arith.constant 0 : i32
            %dma_wait3A_85 = tpu.memref_slice %arg6[%scan3A_59, %dma_wait3A_84] : memref<32x4096xi32, #tpu.memory_space<hbm>> -> memref<1x4096xi32, #tpu.memory_space<hbm>>
            %dma_wait3A_86 = tpu.memref_squeeze %dma_wait3A_85 : memref<1x4096xi32, #tpu.memory_space<hbm>> -> memref<4096xi32, #tpu.memory_space<hbm>>
            %dma_wait3A_87 = arith.constant 0 : i32
            %dma_wait3A_88 = tpu.memref_slice %arg6[%scan3A_59, %dma_wait3A_87] : memref<32x4096xi32, #tpu.memory_space<hbm>> -> memref<1x4096xi32, #tpu.memory_space<hbm>>
            %dma_wait3A_89 = tpu.memref_squeeze %dma_wait3A_88 : memref<1x4096xi32, #tpu.memory_space<hbm>> -> memref<4096xi32, #tpu.memory_space<hbm>>
            tpu.wait_dma2 semaphore(%run_scoped3A : memref<!tpu.dma_semaphore, #tpu.memory_space<semaphore_mem>>) src(%dma_wait3A_89 : memref<4096xi32, #tpu.memory_space<hbm>>) dst(%arg30 : memref<4096xi32, #tpu.memory_space<vmem>>)
            tpu.yield
          }) : () -> ()
          "tpu.region"() ({
            %run_scoped3A = tpu.sem_alloc : memref<!tpu.dma_semaphore, #tpu.memory_space<semaphore_mem>>
            %dma_start3A_78 = arith.constant 0 : i32
            %dma_start3A_79 = tpu.memref_slice %arg7[%scan3A_59, %dma_start3A_78] : memref<32x4096xf32, #tpu.memory_space<hbm>> -> memref<1x4096xf32, #tpu.memory_space<hbm>>
            %dma_start3A_80 = tpu.memref_squeeze %dma_start3A_79 : memref<1x4096xf32, #tpu.memory_space<hbm>> -> memref<4096xf32, #tpu.memory_space<hbm>>
            %dma_start3A_81 = arith.constant 0 : i32
            %dma_start3A_82 = tpu.memref_slice %arg7[%scan3A_59, %dma_start3A_81] : memref<32x4096xf32, #tpu.memory_space<hbm>> -> memref<1x4096xf32, #tpu.memory_space<hbm>>
            %dma_start3A_83 = tpu.memref_squeeze %dma_start3A_82 : memref<1x4096xf32, #tpu.memory_space<hbm>> -> memref<4096xf32, #tpu.memory_space<hbm>>
            tpu.enqueue_dma source(%dma_start3A_83 : memref<4096xf32, #tpu.memory_space<hbm>>) target(%arg31 : memref<4096xf32, #tpu.memory_space<vmem>>) target_semaphore(%run_scoped3A : memref<!tpu.dma_semaphore, #tpu.memory_space<semaphore_mem>>)
            %dma_wait3A_84 = arith.constant 0 : i32
            %dma_wait3A_85 = tpu.memref_slice %arg7[%scan3A_59, %dma_wait3A_84] : memref<32x4096xf32, #tpu.memory_space<hbm>> -> memref<1x4096xf32, #tpu.memory_space<hbm>>
            %dma_wait3A_86 = tpu.memref_squeeze %dma_wait3A_85 : memref<1x4096xf32, #tpu.memory_space<hbm>> -> memref<4096xf32, #tpu.memory_space<hbm>>
            %dma_wait3A_87 = arith.constant 0 : i32
            %dma_wait3A_88 = tpu.memref_slice %arg7[%scan3A_59, %dma_wait3A_87] : memref<32x4096xf32, #tpu.memory_space<hbm>> -> memref<1x4096xf32, #tpu.memory_space<hbm>>
            %dma_wait3A_89 = tpu.memref_squeeze %dma_wait3A_88 : memref<1x4096xf32, #tpu.memory_space<hbm>> -> memref<4096xf32, #tpu.memory_space<hbm>>
            tpu.wait_dma2 semaphore(%run_scoped3A : memref<!tpu.dma_semaphore, #tpu.memory_space<semaphore_mem>>) src(%dma_wait3A_89 : memref<4096xf32, #tpu.memory_space<hbm>>) dst(%arg31 : memref<4096xf32, #tpu.memory_space<vmem>>)
            tpu.yield
          }) : () -> ()
          "tpu.region"() ({
            %run_scoped3A = tpu.sem_alloc : memref<!tpu.dma_semaphore, #tpu.memory_space<semaphore_mem>>
            %dma_start3A_78 = arith.constant 0 : i32
            %dma_start3A_79 = tpu.memref_slice %arg8[%scan3A_59, %dma_start3A_78] : memref<32x4096xi32, #tpu.memory_space<hbm>> -> memref<1x4096xi32, #tpu.memory_space<hbm>>
            %dma_start3A_80 = tpu.memref_squeeze %dma_start3A_79 : memref<1x4096xi32, #tpu.memory_space<hbm>> -> memref<4096xi32, #tpu.memory_space<hbm>>
            %dma_start3A_81 = arith.constant 0 : i32
            %dma_start3A_82 = tpu.memref_slice %arg8[%scan3A_59, %dma_start3A_81] : memref<32x4096xi32, #tpu.memory_space<hbm>> -> memref<1x4096xi32, #tpu.memory_space<hbm>>
            %dma_start3A_83 = tpu.memref_squeeze %dma_start3A_82 : memref<1x4096xi32, #tpu.memory_space<hbm>> -> memref<4096xi32, #tpu.memory_space<hbm>>
            tpu.enqueue_dma source(%dma_start3A_83 : memref<4096xi32, #tpu.memory_space<hbm>>) target(%arg32 : memref<4096xi32, #tpu.memory_space<vmem>>) target_semaphore(%run_scoped3A : memref<!tpu.dma_semaphore, #tpu.memory_space<semaphore_mem>>)
            %dma_wait3A_84 = arith.constant 0 : i32
            %dma_wait3A_85 = tpu.memref_slice %arg8[%scan3A_59, %dma_wait3A_84] : memref<32x4096xi32, #tpu.memory_space<hbm>> -> memref<1x4096xi32, #tpu.memory_space<hbm>>
            %dma_wait3A_86 = tpu.memref_squeeze %dma_wait3A_85 : memref<1x4096xi32, #tpu.memory_space<hbm>> -> memref<4096xi32, #tpu.memory_space<hbm>>
            %dma_wait3A_87 = arith.constant 0 : i32
            %dma_wait3A_88 = tpu.memref_slice %arg8[%scan3A_59, %dma_wait3A_87] : memref<32x4096xi32, #tpu.memory_space<hbm>> -> memref<1x4096xi32, #tpu.memory_space<hbm>>
            %dma_wait3A_89 = tpu.memref_squeeze %dma_wait3A_88 : memref<1x4096xi32, #tpu.memory_space<hbm>> -> memref<4096xi32, #tpu.memory_space<hbm>>
            tpu.wait_dma2 semaphore(%run_scoped3A : memref<!tpu.dma_semaphore, #tpu.memory_space<semaphore_mem>>) src(%dma_wait3A_89 : memref<4096xi32, #tpu.memory_space<hbm>>) dst(%arg32 : memref<4096xi32, #tpu.memory_space<vmem>>)
            tpu.yield
          }) : () -> ()
          %add3A_67 = arith.constant 15 : i32
          %add3A_68 = arith.addi %squeeze3A, %add3A_67 : i32
          %shift_right_logical3A = arith.constant 4 : i32
          %shift_right_logical3A_69 = arith.shrui %add3A_68, %shift_right_logical3A : i32
          %while3A = arith.constant 0 : i32
          %while3A_70 = arith.subi %shift_right_logical3A_69, %while3A : i32
          %while3A_71 = arith.addi %while3A, %while3A_70 : i32
          %while3A_72 = arith.constant 1 : i32
          %while3A_73 = arith.divsi %while3A_70, %while3A_72 : i32
          %while3A_74 = arith.muli %while3A_73, %while3A_72 : i32
          %while3A_75 = arith.addi %while3A, %while3A_74 : i32
          %while3A_76 = arith.constant 1 : i32
          scf.for %while3A_78 = %while3A to %while3A_75 step %while3A_76  : i32 {
            %mul3A_79 = arith.constant 16 : i32
            %mul3A_80 = arith.muli %while3A_78, %mul3A_79 : i32
            %add3A_81 = vector.broadcast %mul3A_80 : i32 to vector<16xi32>
            %add3A_82 = arith.addi %add3A_81, %iota3A : vector<16xi32>
            %lt3A = vector.broadcast %squeeze3A : i32 to vector<16xi32>
            %lt3A_83 = arith.cmpi slt, %add3A_82, %lt3A : vector<16xi32>
            %mul3A_84 = arith.constant 16 : i32
            %mul3A_85 = arith.muli %while3A_78, %mul3A_84 : i32
            %get3A_86 = arith.index_cast %mul3A_85 : i32 to index
            %get3A_87 = tpu.vector_load %arg30[%get3A_86] {strides = array<i32>} : memref<4096xi32, #tpu.memory_space<vmem>>, vector<16xi32>,
            %mul3A_88 = arith.constant 16 : i32
            %mul3A_89 = arith.muli %while3A_78, %mul3A_88 : i32
            %get3A_90 = arith.index_cast %mul3A_89 : i32 to index
            %get3A_91 = tpu.vector_load %arg31[%get3A_90] {strides = array<i32>} : memref<4096xf32, #tpu.memory_space<vmem>>, vector<16xf32>,
            %mul3A_92 = arith.constant 16 : i32
            %mul3A_93 = arith.muli %while3A_78, %mul3A_92 : i32
            %get3A_94 = arith.index_cast %mul3A_93 : i32 to index
            %get3A_95 = tpu.vector_load %arg32[%get3A_94] {strides = array<i32>} : memref<4096xi32, #tpu.memory_space<vmem>>, vector<16xi32>,
            %shift_right_logical3A_96 = arith.constant 7 : i32
            %shift_right_logical3A_97 = vector.broadcast %shift_right_logical3A_96 : i32 to vector<16xi32>
            %shift_right_logical3A_98 = arith.shrui %get3A_87, %shift_right_logical3A_97 : vector<16xi32>
            %and3A = arith.constant 31 : i32
            %and3A_99 = vector.broadcast %and3A : i32 to vector<16xi32>
            %and3A_100 = arith.andi %shift_right_logical3A_98, %and3A_99 : vector<16xi32>
            %eq3A = vector.broadcast %add3A : i32 to vector<16xi32>
            %eq3A_101 = arith.cmpi eq, %and3A_100, %eq3A : vector<16xi32>
            %and3A_102 = arith.andi %lt3A_83, %eq3A_101 : vector<16xi1>
            %shift_right_logical3A_103 = arith.constant 7 : i32
            %shift_right_logical3A_104 = vector.broadcast %shift_right_logical3A_103 : i32 to vector<16xi32>
            %shift_right_logical3A_105 = arith.shrui %get3A_87, %shift_right_logical3A_104 : vector<16xi32>
            %shift_right_logical3A_106 = arith.constant 5 : i32
            %shift_right_logical3A_107 = vector.broadcast %shift_right_logical3A_106 : i32 to vector<16xi32>
            %shift_right_logical3A_108 = arith.shrui %shift_right_logical3A_105, %shift_right_logical3A_107 : vector<16xi32>
            %shift_left3A = arith.constant 7 : i32
            %shift_left3A_109 = vector.broadcast %shift_left3A : i32 to vector<16xi32>
            %shift_left3A_110 = arith.shli %shift_right_logical3A_108, %shift_left3A_109 : vector<16xi32>
            %and3A_111 = arith.constant 127 : i32
            %and3A_112 = vector.broadcast %and3A_111 : i32 to vector<16xi32>
            %and3A_113 = arith.andi %get3A_87, %and3A_112 : vector<16xi32>
            %or3A_114 = arith.ori %shift_left3A_110, %and3A_113 : vector<16xi32>
            %and3A_115 = arith.constant 4095 : i32
            %and3A_116 = vector.broadcast %and3A_115 : i32 to vector<16xi32>
            %and3A_117 = arith.andi %or3A_114, %and3A_116 : vector<16xi32>
            tpu.vector_store_idx %arg21[%and3A_117], %iota3A masked %and3A_102 : memref<4096xi32, #tpu.memory_space<vmem>>[vector<16xi32>], vector<16xi32>, vector<16xi1>
            %gather3A_118 = tpu.vector_load_idx %arg21[%and3A_117] masked %and3A_102 : memref<4096xi32, #tpu.memory_space<vmem>>[vector<16xi32>], vector<16xi32>, vector<16xi1>
            %eq3A_119 = arith.cmpi eq, %gather3A_118, %iota3A : vector<16xi32>
            %and3A_120 = arith.andi %and3A_102, %eq3A_119 : vector<16xi1>
            %gather3A_121 = tpu.vector_load_idx %arg19[%and3A_117] masked %and3A_120 : memref<4096xf32, #tpu.memory_space<vmem>>[vector<16xi32>], vector<16xf32>, vector<16xi1>
            %gather3A_122 = tpu.vector_load_idx %arg20[%and3A_117] masked %and3A_120 : memref<4096xi32, #tpu.memory_space<vmem>>[vector<16xi32>], vector<16xi32>, vector<16xi1>
            %lt3A_123 = arith.cmpf olt, %get3A_91, %gather3A_121 : vector<16xf32>
            %eq3A_124 = arith.cmpf oeq, %get3A_91, %gather3A_121 : vector<16xf32>
            %lt3A_125 = arith.cmpi slt, %get3A_95, %gather3A_122 : vector<16xi32>
            %and3A_126 = arith.andi %eq3A_124, %lt3A_125 : vector<16xi1>
            %or3A_127 = arith.ori %lt3A_123, %and3A_126 : vector<16xi1>
            %and3A_128 = arith.andi %and3A_120, %or3A_127 : vector<16xi1>
            tpu.vector_store_idx %arg19[%and3A_117], %get3A_91 masked %and3A_128 : memref<4096xf32, #tpu.memory_space<vmem>>[vector<16xi32>], vector<16xf32>, vector<16xi1>
            tpu.vector_store_idx %arg20[%and3A_117], %get3A_95 masked %and3A_128 : memref<4096xi32, #tpu.memory_space<vmem>>[vector<16xi32>], vector<16xi32>, vector<16xi1>
            %not3A = arith.constant dense<true> : vector<16xi1>
            %not3A_129 = arith.xori %and3A_120, %not3A : vector<16xi1>
            %and3A_130 = arith.andi %and3A_102, %not3A_129 : vector<16xi1>
            %reduce_or3A_131 = arith.constant 1.000000e+00 : f32
            %reduce_or3A_132 = arith.constant 0.000000e+00 : f32
            %reduce_or3A_133 = vector.broadcast %reduce_or3A_131 : f32 to vector<16xf32>
            %reduce_or3A_134 = vector.broadcast %reduce_or3A_132 : f32 to vector<16xf32>
            %reduce_or3A_135 = arith.select %and3A_130, %reduce_or3A_133, %reduce_or3A_134 : vector<16xi1>, vector<16xf32>
            %reduce_or3A_136 = arith.constant true
            %reduce_or3A_137 = vector.broadcast %reduce_or3A_136 : i1 to vector<16xi1>
            %reduce_or3A_138 = tpu.scan <max>, %reduce_or3A_135 masked %reduce_or3A_137 : vector<16xf32>, vector<16xi1> -> vector<16xf32>
            %reduce_or3A_139 = vector.extract %reduce_or3A_138[15] : f32 from vector<16xf32>
            %reduce_or3A_140 = arith.constant 0.000000e+00 : f32
            %reduce_or3A_141 = arith.cmpf ogt, %reduce_or3A_139, %reduce_or3A_140 : f32
            %convert_element_type3A_142 = arith.extui %reduce_or3A_141 : i1 to i32
            %cond3A_143 = arith.constant 0 : i32
            %cond3A_144 = arith.cmpi ne, %convert_element_type3A_142, %cond3A_143 : i32
            scf.if %cond3A_144 {
              %while3A_145 = scf.while (%while3A_146 = %and3A_130) : (vector<16xi1>) -> vector<16xi1> {
                %reduce_or3A_147 = arith.constant 1.000000e+00 : f32
                %reduce_or3A_148 = arith.constant 0.000000e+00 : f32
                %reduce_or3A_149 = vector.broadcast %reduce_or3A_147 : f32 to vector<16xf32>
                %reduce_or3A_150 = vector.broadcast %reduce_or3A_148 : f32 to vector<16xf32>
                %reduce_or3A_151 = arith.select %while3A_146, %reduce_or3A_149, %reduce_or3A_150 : vector<16xi1>, vector<16xf32>
                %reduce_or3A_152 = arith.constant true
                %reduce_or3A_153 = vector.broadcast %reduce_or3A_152 : i1 to vector<16xi1>
                %reduce_or3A_154 = tpu.scan <max>, %reduce_or3A_151 masked %reduce_or3A_153 : vector<16xf32>, vector<16xi1> -> vector<16xf32>
                %reduce_or3A_155 = vector.extract %reduce_or3A_154[15] : f32 from vector<16xf32>
                %reduce_or3A_156 = arith.constant 0.000000e+00 : f32
                %reduce_or3A_157 = arith.cmpf ogt, %reduce_or3A_155, %reduce_or3A_156 : f32
                scf.condition(%reduce_or3A_157) %while3A_146 : vector<16xi1>
              } do {
              ^bb0(%while3A_146: vector<16xi1>):
                tpu.vector_store_idx %arg21[%and3A_117], %iota3A masked %while3A_146 : memref<4096xi32, #tpu.memory_space<vmem>>[vector<16xi32>], vector<16xi32>, vector<16xi1>
                %gather3A_147 = tpu.vector_load_idx %arg21[%and3A_117] masked %while3A_146 : memref<4096xi32, #tpu.memory_space<vmem>>[vector<16xi32>], vector<16xi32>, vector<16xi1>
                %eq3A_148 = arith.cmpi eq, %gather3A_147, %iota3A : vector<16xi32>
                %and3A_149 = arith.andi %while3A_146, %eq3A_148 : vector<16xi1>
                %gather3A_150 = tpu.vector_load_idx %arg19[%and3A_117] masked %and3A_149 : memref<4096xf32, #tpu.memory_space<vmem>>[vector<16xi32>], vector<16xf32>, vector<16xi1>
                %gather3A_151 = tpu.vector_load_idx %arg20[%and3A_117] masked %and3A_149 : memref<4096xi32, #tpu.memory_space<vmem>>[vector<16xi32>], vector<16xi32>, vector<16xi1>
                %lt3A_152 = arith.cmpf olt, %get3A_91, %gather3A_150 : vector<16xf32>
                %eq3A_153 = arith.cmpf oeq, %get3A_91, %gather3A_150 : vector<16xf32>
                %lt3A_154 = arith.cmpi slt, %get3A_95, %gather3A_151 : vector<16xi32>
                %and3A_155 = arith.andi %eq3A_153, %lt3A_154 : vector<16xi1>
                %or3A_156 = arith.ori %lt3A_152, %and3A_155 : vector<16xi1>
                %and3A_157 = arith.andi %and3A_149, %or3A_156 : vector<16xi1>
                tpu.vector_store_idx %arg19[%and3A_117], %get3A_91 masked %and3A_157 : memref<4096xf32, #tpu.memory_space<vmem>>[vector<16xi32>], vector<16xf32>, vector<16xi1>
                tpu.vector_store_idx %arg20[%and3A_117], %get3A_95 masked %and3A_157 : memref<4096xi32, #tpu.memory_space<vmem>>[vector<16xi32>], vector<16xi32>, vector<16xi1>
                %not3A_158 = arith.constant dense<true> : vector<16xi1>
                %not3A_159 = arith.xori %and3A_149, %not3A_158 : vector<16xi1>
                %and3A_160 = arith.andi %while3A_146, %not3A_159 : vector<16xi1>
                scf.yield %and3A_160 : vector<16xi1>
              }
            } else {
            }
          }
          %while3A_77 = arith.constant 1 : i32
          scf.for %while3A_78 = %while3A_75 to %while3A_71 step %while3A_77  : i32 {
            %mul3A_79 = arith.constant 16 : i32
            %mul3A_80 = arith.muli %while3A_78, %mul3A_79 : i32
            %add3A_81 = vector.broadcast %mul3A_80 : i32 to vector<16xi32>
            %add3A_82 = arith.addi %add3A_81, %iota3A : vector<16xi32>
            %lt3A = vector.broadcast %squeeze3A : i32 to vector<16xi32>
            %lt3A_83 = arith.cmpi slt, %add3A_82, %lt3A : vector<16xi32>
            %mul3A_84 = arith.constant 16 : i32
            %mul3A_85 = arith.muli %while3A_78, %mul3A_84 : i32
            %get3A_86 = arith.index_cast %mul3A_85 : i32 to index
            %get3A_87 = tpu.vector_load %arg30[%get3A_86] {strides = array<i32>} : memref<4096xi32, #tpu.memory_space<vmem>>, vector<16xi32>,
            %mul3A_88 = arith.constant 16 : i32
            %mul3A_89 = arith.muli %while3A_78, %mul3A_88 : i32
            %get3A_90 = arith.index_cast %mul3A_89 : i32 to index
            %get3A_91 = tpu.vector_load %arg31[%get3A_90] {strides = array<i32>} : memref<4096xf32, #tpu.memory_space<vmem>>, vector<16xf32>,
            %mul3A_92 = arith.constant 16 : i32
            %mul3A_93 = arith.muli %while3A_78, %mul3A_92 : i32
            %get3A_94 = arith.index_cast %mul3A_93 : i32 to index
            %get3A_95 = tpu.vector_load %arg32[%get3A_94] {strides = array<i32>} : memref<4096xi32, #tpu.memory_space<vmem>>, vector<16xi32>,
            %shift_right_logical3A_96 = arith.constant 7 : i32
            %shift_right_logical3A_97 = vector.broadcast %shift_right_logical3A_96 : i32 to vector<16xi32>
            %shift_right_logical3A_98 = arith.shrui %get3A_87, %shift_right_logical3A_97 : vector<16xi32>
            %and3A = arith.constant 31 : i32
            %and3A_99 = vector.broadcast %and3A : i32 to vector<16xi32>
            %and3A_100 = arith.andi %shift_right_logical3A_98, %and3A_99 : vector<16xi32>
            %eq3A = vector.broadcast %add3A : i32 to vector<16xi32>
            %eq3A_101 = arith.cmpi eq, %and3A_100, %eq3A : vector<16xi32>
            %and3A_102 = arith.andi %lt3A_83, %eq3A_101 : vector<16xi1>
            %shift_right_logical3A_103 = arith.constant 7 : i32
            %shift_right_logical3A_104 = vector.broadcast %shift_right_logical3A_103 : i32 to vector<16xi32>
            %shift_right_logical3A_105 = arith.shrui %get3A_87, %shift_right_logical3A_104 : vector<16xi32>
            %shift_right_logical3A_106 = arith.constant 5 : i32
            %shift_right_logical3A_107 = vector.broadcast %shift_right_logical3A_106 : i32 to vector<16xi32>
            %shift_right_logical3A_108 = arith.shrui %shift_right_logical3A_105, %shift_right_logical3A_107 : vector<16xi32>
            %shift_left3A = arith.constant 7 : i32
            %shift_left3A_109 = vector.broadcast %shift_left3A : i32 to vector<16xi32>
            %shift_left3A_110 = arith.shli %shift_right_logical3A_108, %shift_left3A_109 : vector<16xi32>
            %and3A_111 = arith.constant 127 : i32
            %and3A_112 = vector.broadcast %and3A_111 : i32 to vector<16xi32>
            %and3A_113 = arith.andi %get3A_87, %and3A_112 : vector<16xi32>
            %or3A_114 = arith.ori %shift_left3A_110, %and3A_113 : vector<16xi32>
            %and3A_115 = arith.constant 4095 : i32
            %and3A_116 = vector.broadcast %and3A_115 : i32 to vector<16xi32>
            %and3A_117 = arith.andi %or3A_114, %and3A_116 : vector<16xi32>
            tpu.vector_store_idx %arg21[%and3A_117], %iota3A masked %and3A_102 : memref<4096xi32, #tpu.memory_space<vmem>>[vector<16xi32>], vector<16xi32>, vector<16xi1>
            %gather3A_118 = tpu.vector_load_idx %arg21[%and3A_117] masked %and3A_102 : memref<4096xi32, #tpu.memory_space<vmem>>[vector<16xi32>], vector<16xi32>, vector<16xi1>
            %eq3A_119 = arith.cmpi eq, %gather3A_118, %iota3A : vector<16xi32>
            %and3A_120 = arith.andi %and3A_102, %eq3A_119 : vector<16xi1>
            %gather3A_121 = tpu.vector_load_idx %arg19[%and3A_117] masked %and3A_120 : memref<4096xf32, #tpu.memory_space<vmem>>[vector<16xi32>], vector<16xf32>, vector<16xi1>
            %gather3A_122 = tpu.vector_load_idx %arg20[%and3A_117] masked %and3A_120 : memref<4096xi32, #tpu.memory_space<vmem>>[vector<16xi32>], vector<16xi32>, vector<16xi1>
            %lt3A_123 = arith.cmpf olt, %get3A_91, %gather3A_121 : vector<16xf32>
            %eq3A_124 = arith.cmpf oeq, %get3A_91, %gather3A_121 : vector<16xf32>
            %lt3A_125 = arith.cmpi slt, %get3A_95, %gather3A_122 : vector<16xi32>
            %and3A_126 = arith.andi %eq3A_124, %lt3A_125 : vector<16xi1>
            %or3A_127 = arith.ori %lt3A_123, %and3A_126 : vector<16xi1>
            %and3A_128 = arith.andi %and3A_120, %or3A_127 : vector<16xi1>
            tpu.vector_store_idx %arg19[%and3A_117], %get3A_91 masked %and3A_128 : memref<4096xf32, #tpu.memory_space<vmem>>[vector<16xi32>], vector<16xf32>, vector<16xi1>
            tpu.vector_store_idx %arg20[%and3A_117], %get3A_95 masked %and3A_128 : memref<4096xi32, #tpu.memory_space<vmem>>[vector<16xi32>], vector<16xi32>, vector<16xi1>
            %not3A = arith.constant dense<true> : vector<16xi1>
            %not3A_129 = arith.xori %and3A_120, %not3A : vector<16xi1>
            %and3A_130 = arith.andi %and3A_102, %not3A_129 : vector<16xi1>
            %reduce_or3A_131 = arith.constant 1.000000e+00 : f32
            %reduce_or3A_132 = arith.constant 0.000000e+00 : f32
            %reduce_or3A_133 = vector.broadcast %reduce_or3A_131 : f32 to vector<16xf32>
            %reduce_or3A_134 = vector.broadcast %reduce_or3A_132 : f32 to vector<16xf32>
            %reduce_or3A_135 = arith.select %and3A_130, %reduce_or3A_133, %reduce_or3A_134 : vector<16xi1>, vector<16xf32>
            %reduce_or3A_136 = arith.constant true
            %reduce_or3A_137 = vector.broadcast %reduce_or3A_136 : i1 to vector<16xi1>
            %reduce_or3A_138 = tpu.scan <max>, %reduce_or3A_135 masked %reduce_or3A_137 : vector<16xf32>, vector<16xi1> -> vector<16xf32>
            %reduce_or3A_139 = vector.extract %reduce_or3A_138[15] : f32 from vector<16xf32>
            %reduce_or3A_140 = arith.constant 0.000000e+00 : f32
            %reduce_or3A_141 = arith.cmpf ogt, %reduce_or3A_139, %reduce_or3A_140 : f32
            %convert_element_type3A_142 = arith.extui %reduce_or3A_141 : i1 to i32
            %cond3A_143 = arith.constant 0 : i32
            %cond3A_144 = arith.cmpi ne, %convert_element_type3A_142, %cond3A_143 : i32
            scf.if %cond3A_144 {
              %while3A_145 = scf.while (%while3A_146 = %and3A_130) : (vector<16xi1>) -> vector<16xi1> {
                %reduce_or3A_147 = arith.constant 1.000000e+00 : f32
                %reduce_or3A_148 = arith.constant 0.000000e+00 : f32
                %reduce_or3A_149 = vector.broadcast %reduce_or3A_147 : f32 to vector<16xf32>
                %reduce_or3A_150 = vector.broadcast %reduce_or3A_148 : f32 to vector<16xf32>
                %reduce_or3A_151 = arith.select %while3A_146, %reduce_or3A_149, %reduce_or3A_150 : vector<16xi1>, vector<16xf32>
                %reduce_or3A_152 = arith.constant true
                %reduce_or3A_153 = vector.broadcast %reduce_or3A_152 : i1 to vector<16xi1>
                %reduce_or3A_154 = tpu.scan <max>, %reduce_or3A_151 masked %reduce_or3A_153 : vector<16xf32>, vector<16xi1> -> vector<16xf32>
                %reduce_or3A_155 = vector.extract %reduce_or3A_154[15] : f32 from vector<16xf32>
                %reduce_or3A_156 = arith.constant 0.000000e+00 : f32
                %reduce_or3A_157 = arith.cmpf ogt, %reduce_or3A_155, %reduce_or3A_156 : f32
                scf.condition(%reduce_or3A_157) %while3A_146 : vector<16xi1>
              } do {
              ^bb0(%while3A_146: vector<16xi1>):
                tpu.vector_store_idx %arg21[%and3A_117], %iota3A masked %while3A_146 : memref<4096xi32, #tpu.memory_space<vmem>>[vector<16xi32>], vector<16xi32>, vector<16xi1>
                %gather3A_147 = tpu.vector_load_idx %arg21[%and3A_117] masked %while3A_146 : memref<4096xi32, #tpu.memory_space<vmem>>[vector<16xi32>], vector<16xi32>, vector<16xi1>
                %eq3A_148 = arith.cmpi eq, %gather3A_147, %iota3A : vector<16xi32>
                %and3A_149 = arith.andi %while3A_146, %eq3A_148 : vector<16xi1>
                %gather3A_150 = tpu.vector_load_idx %arg19[%and3A_117] masked %and3A_149 : memref<4096xf32, #tpu.memory_space<vmem>>[vector<16xi32>], vector<16xf32>, vector<16xi1>
                %gather3A_151 = tpu.vector_load_idx %arg20[%and3A_117] masked %and3A_149 : memref<4096xi32, #tpu.memory_space<vmem>>[vector<16xi32>], vector<16xi32>, vector<16xi1>
                %lt3A_152 = arith.cmpf olt, %get3A_91, %gather3A_150 : vector<16xf32>
                %eq3A_153 = arith.cmpf oeq, %get3A_91, %gather3A_150 : vector<16xf32>
                %lt3A_154 = arith.cmpi slt, %get3A_95, %gather3A_151 : vector<16xi32>
                %and3A_155 = arith.andi %eq3A_153, %lt3A_154 : vector<16xi1>
                %or3A_156 = arith.ori %lt3A_152, %and3A_155 : vector<16xi1>
                %and3A_157 = arith.andi %and3A_149, %or3A_156 : vector<16xi1>
                tpu.vector_store_idx %arg19[%and3A_117], %get3A_91 masked %and3A_157 : memref<4096xf32, #tpu.memory_space<vmem>>[vector<16xi32>], vector<16xf32>, vector<16xi1>
                tpu.vector_store_idx %arg20[%and3A_117], %get3A_95 masked %and3A_157 : memref<4096xi32, #tpu.memory_space<vmem>>[vector<16xi32>], vector<16xi32>, vector<16xi1>
                %not3A_158 = arith.constant dense<true> : vector<16xi1>
                %not3A_159 = arith.xori %and3A_149, %not3A_158 : vector<16xi1>
                %and3A_160 = arith.andi %while3A_146, %not3A_159 : vector<16xi1>
                scf.yield %and3A_160 : vector<16xi1>
              }
            } else {
            }
          }
        } else {
        }
      }
      %scan3A_58 = arith.constant 32 : i32
    } else {
    }
    %scan3A_35 = arith.constant 0 : i32
    %scan3A_36 = arith.constant 32 : i32
    %scan3A_37 = arith.addi %scan3A_35, %scan3A_36 : i32
    %scan3A_38 = arith.constant 1 : i32
    scf.for %scan3A_54 = %scan3A_35 to %scan3A_37 step %scan3A_38  : i32 {
      %scan3A_55 = arith.constant 0 : i32
      %scan3A_56 = arith.constant 8 : i32
      %scan3A_57 = arith.addi %scan3A_55, %scan3A_56 : i32
      %scan3A_58 = arith.constant 1 : i32
      scf.for %scan3A_60 = %scan3A_55 to %scan3A_57 step %scan3A_58  : i32 {
        %mul3A_61 = arith.constant 128 : i32
        %mul3A_62 = arith.muli %scan3A_54, %mul3A_61 : i32
        %mul3A_63 = arith.constant 16 : i32
        %mul3A_64 = arith.muli %scan3A_60, %mul3A_63 : i32
        %add3A_65 = arith.addi %mul3A_62, %mul3A_64 : i32
        %get3A = arith.index_cast %add3A_65 : i32 to index
        %get3A_66 = tpu.vector_load %arg20[%get3A] {strides = array<i32>} : memref<4096xi32, #tpu.memory_space<vmem>>, vector<16xi32>,
        %mul3A_67 = arith.constant 128 : i32
        %mul3A_68 = arith.muli %scan3A_54, %mul3A_67 : i32
        %mul3A_69 = arith.constant 16 : i32
        %mul3A_70 = arith.muli %scan3A_60, %mul3A_69 : i32
        %add3A_71 = arith.addi %mul3A_68, %mul3A_70 : i32
        %get3A_72 = arith.index_cast %add3A_71 : i32 to index
        %get3A_73 = tpu.vector_load %arg19[%get3A_72] {strides = array<i32>} : memref<4096xf32, #tpu.memory_space<vmem>>, vector<16xf32>,
        %ne3A = arith.constant 2147483647 : i32
        %ne3A_74 = vector.broadcast %ne3A : i32 to vector<16xi32>
        %ne3A_75 = arith.cmpi ne, %get3A_66, %ne3A_74 : vector<16xi32>
        %jit3A = arith.constant 131072 : i32
        %broadcast_in_dim3A_76 = vector.broadcast %jit3A : i32 to vector<16xi32>
        %select_n3A = arith.select %ne3A_75, %get3A_66, %broadcast_in_dim3A_76 : vector<16xi1>, vector<16xi32>
        %mul3A_77 = arith.constant 128 : i32
        %mul3A_78 = arith.muli %scan3A_54, %mul3A_77 : i32
        %mul3A_79 = arith.constant 16 : i32
        %mul3A_80 = arith.muli %scan3A_60, %mul3A_79 : i32
        %add3A_81 = arith.addi %mul3A_78, %mul3A_80 : i32
        %swap3A = arith.index_cast %add3A_81 : i32 to index
        %swap3A_82 = tpu.vector_load %arg33[%swap3A] {strides = array<i32>} : memref<4096xi32, #tpu.memory_space<vmem>>, vector<16xi32>,
        tpu.vector_store %arg33[%swap3A], %select_n3A {strides = array<i32>} : memref<4096xi32, #tpu.memory_space<vmem>>, vector<16xi32>,
        %jit3A_83 = arith.constant 0.000000e+00 : f32
        %broadcast_in_dim3A_84 = vector.broadcast %jit3A_83 : f32 to vector<16xf32>
        %select_n3A_85 = arith.select %ne3A_75, %get3A_73, %broadcast_in_dim3A_84 : vector<16xi1>, vector<16xf32>
        %mul3A_86 = arith.constant 128 : i32
        %mul3A_87 = arith.muli %scan3A_54, %mul3A_86 : i32
        %mul3A_88 = arith.constant 16 : i32
        %mul3A_89 = arith.muli %scan3A_60, %mul3A_88 : i32
        %add3A_90 = arith.addi %mul3A_87, %mul3A_89 : i32
        %swap3A_91 = arith.index_cast %add3A_90 : i32 to index
        %swap3A_92 = tpu.vector_load %arg38[%swap3A_91] {strides = array<i32>} : memref<4096xf32, #tpu.memory_space<vmem>>, vector<16xf32>,
        tpu.vector_store %arg38[%swap3A_91], %select_n3A_85 {strides = array<i32>} : memref<4096xf32, #tpu.memory_space<vmem>>, vector<16xf32>,
      }
      %scan3A_59 = arith.constant 8 : i32
    }
    %scan3A_39 = arith.constant 32 : i32
    %dma_start3A = arith.constant 0 : i32
    %dma_start3A_40 = tpu.memref_slice %arg10[%dma_start3A] : memref<131080xf32, #tpu.memory_space<hbm>> -> memref<131080xf32, #tpu.memory_space<hbm>>
    tpu.enqueue_indirect_dma source(%dma_start3A_40 : memref<131080xf32, #tpu.memory_space<hbm>>) target(%arg34 : memref<4096xf32, #tpu.memory_space<vmem>>) offsets(%arg33 : memref<4096xi32, #tpu.memory_space<vmem>>) semaphore(%arg39 : memref<!tpu.dma_semaphore, #tpu.memory_space<semaphore_mem>>)
    %dma_start3A_41 = arith.constant 0 : i32
    %dma_start3A_42 = tpu.memref_slice %arg11[%dma_start3A_41] : memref<131080xf32, #tpu.memory_space<hbm>> -> memref<131080xf32, #tpu.memory_space<hbm>>
    tpu.enqueue_indirect_dma source(%dma_start3A_42 : memref<131080xf32, #tpu.memory_space<hbm>>) target(%arg35 : memref<4096xf32, #tpu.memory_space<vmem>>) offsets(%arg33 : memref<4096xi32, #tpu.memory_space<vmem>>) semaphore(%arg39 : memref<!tpu.dma_semaphore, #tpu.memory_space<semaphore_mem>>)
    %dma_start3A_43 = arith.constant 0 : i32
    %dma_start3A_44 = tpu.memref_slice %arg12[%dma_start3A_43] : memref<131080xf32, #tpu.memory_space<hbm>> -> memref<131080xf32, #tpu.memory_space<hbm>>
    tpu.enqueue_indirect_dma source(%dma_start3A_44 : memref<131080xf32, #tpu.memory_space<hbm>>) target(%arg36 : memref<4096xf32, #tpu.memory_space<vmem>>) offsets(%arg33 : memref<4096xi32, #tpu.memory_space<vmem>>) semaphore(%arg39 : memref<!tpu.dma_semaphore, #tpu.memory_space<semaphore_mem>>)
    %dma_start3A_45 = arith.constant 0 : i32
    %dma_start3A_46 = tpu.memref_slice %arg13[%dma_start3A_45] : memref<131080xi32, #tpu.memory_space<hbm>> -> memref<131080xi32, #tpu.memory_space<hbm>>
    tpu.enqueue_indirect_dma source(%dma_start3A_46 : memref<131080xi32, #tpu.memory_space<hbm>>) target(%arg37 : memref<4096xi32, #tpu.memory_space<vmem>>) offsets(%arg33 : memref<4096xi32, #tpu.memory_space<vmem>>) semaphore(%arg39 : memref<!tpu.dma_semaphore, #tpu.memory_space<semaphore_mem>>)
    %dma_wait3A = arith.constant 0 : i32
    %dma_wait3A_47 = tpu.memref_slice %arg10[%dma_wait3A] : memref<131080xf32, #tpu.memory_space<hbm>> -> memref<131080xf32, #tpu.memory_space<hbm>>
    tpu.wait_indirect_dma semaphore(%arg39 : memref<!tpu.dma_semaphore, #tpu.memory_space<semaphore_mem>>) src(%dma_wait3A_47 : memref<131080xf32, #tpu.memory_space<hbm>>) dst(%arg34 : memref<4096xf32, #tpu.memory_space<vmem>>)
    %dma_wait3A_48 = arith.constant 0 : i32
    %dma_wait3A_49 = tpu.memref_slice %arg11[%dma_wait3A_48] : memref<131080xf32, #tpu.memory_space<hbm>> -> memref<131080xf32, #tpu.memory_space<hbm>>
    tpu.wait_indirect_dma semaphore(%arg39 : memref<!tpu.dma_semaphore, #tpu.memory_space<semaphore_mem>>) src(%dma_wait3A_49 : memref<131080xf32, #tpu.memory_space<hbm>>) dst(%arg35 : memref<4096xf32, #tpu.memory_space<vmem>>)
    %dma_wait3A_50 = arith.constant 0 : i32
    %dma_wait3A_51 = tpu.memref_slice %arg12[%dma_wait3A_50] : memref<131080xf32, #tpu.memory_space<hbm>> -> memref<131080xf32, #tpu.memory_space<hbm>>
    tpu.wait_indirect_dma semaphore(%arg39 : memref<!tpu.dma_semaphore, #tpu.memory_space<semaphore_mem>>) src(%dma_wait3A_51 : memref<131080xf32, #tpu.memory_space<hbm>>) dst(%arg36 : memref<4096xf32, #tpu.memory_space<vmem>>)
    %dma_wait3A_52 = arith.constant 0 : i32
    %dma_wait3A_53 = tpu.memref_slice %arg13[%dma_wait3A_52] : memref<131080xi32, #tpu.memory_space<hbm>> -> memref<131080xi32, #tpu.memory_space<hbm>>
    tpu.wait_indirect_dma semaphore(%arg39 : memref<!tpu.dma_semaphore, #tpu.memory_space<semaphore_mem>>) src(%dma_wait3A_53 : memref<131080xi32, #tpu.memory_space<hbm>>) dst(%arg37 : memref<4096xi32, #tpu.memory_space<vmem>>)
    "tpu.region"() ({
      %run_scoped3A = tpu.sem_alloc : memref<!tpu.dma_semaphore, #tpu.memory_space<semaphore_mem>>
      %dma_start3A_54 = arith.constant 0 : i32
      %dma_start3A_55 = tpu.memref_slice %arg14[%add3A, %dma_start3A_54] : memref<32x4096xf32, #tpu.memory_space<hbm>> -> memref<1x4096xf32, #tpu.memory_space<hbm>>
      %dma_start3A_56 = tpu.memref_squeeze %dma_start3A_55 : memref<1x4096xf32, #tpu.memory_space<hbm>> -> memref<4096xf32, #tpu.memory_space<hbm>>
      %dma_start3A_57 = arith.constant 0 : i32
      %dma_start3A_58 = tpu.memref_slice %arg14[%add3A, %dma_start3A_57] : memref<32x4096xf32, #tpu.memory_space<hbm>> -> memref<1x4096xf32, #tpu.memory_space<hbm>>
      %dma_start3A_59 = tpu.memref_squeeze %dma_start3A_58 : memref<1x4096xf32, #tpu.memory_space<hbm>> -> memref<4096xf32, #tpu.memory_space<hbm>>
      tpu.enqueue_dma source(%arg34 : memref<4096xf32, #tpu.memory_space<vmem>>) target(%dma_start3A_59 : memref<4096xf32, #tpu.memory_space<hbm>>) target_semaphore(%run_scoped3A : memref<!tpu.dma_semaphore, #tpu.memory_space<semaphore_mem>>)
      %dma_wait3A_60 = arith.constant 0 : i32
      %dma_wait3A_61 = tpu.memref_slice %arg14[%add3A, %dma_wait3A_60] : memref<32x4096xf32, #tpu.memory_space<hbm>> -> memref<1x4096xf32, #tpu.memory_space<hbm>>
      %dma_wait3A_62 = tpu.memref_squeeze %dma_wait3A_61 : memref<1x4096xf32, #tpu.memory_space<hbm>> -> memref<4096xf32, #tpu.memory_space<hbm>>
      %dma_wait3A_63 = arith.constant 0 : i32
      %dma_wait3A_64 = tpu.memref_slice %arg14[%add3A, %dma_wait3A_63] : memref<32x4096xf32, #tpu.memory_space<hbm>> -> memref<1x4096xf32, #tpu.memory_space<hbm>>
      %dma_wait3A_65 = tpu.memref_squeeze %dma_wait3A_64 : memref<1x4096xf32, #tpu.memory_space<hbm>> -> memref<4096xf32, #tpu.memory_space<hbm>>
      tpu.wait_dma2 semaphore(%run_scoped3A : memref<!tpu.dma_semaphore, #tpu.memory_space<semaphore_mem>>) src(%arg34 : memref<4096xf32, #tpu.memory_space<vmem>>) dst(%dma_wait3A_65 : memref<4096xf32, #tpu.memory_space<hbm>>)
      tpu.yield
    }) : () -> ()
    "tpu.region"() ({
      %run_scoped3A = tpu.sem_alloc : memref<!tpu.dma_semaphore, #tpu.memory_space<semaphore_mem>>
      %dma_start3A_54 = arith.constant 0 : i32
      %dma_start3A_55 = tpu.memref_slice %arg15[%add3A, %dma_start3A_54] : memref<32x4096xf32, #tpu.memory_space<hbm>> -> memref<1x4096xf32, #tpu.memory_space<hbm>>
      %dma_start3A_56 = tpu.memref_squeeze %dma_start3A_55 : memref<1x4096xf32, #tpu.memory_space<hbm>> -> memref<4096xf32, #tpu.memory_space<hbm>>
      %dma_start3A_57 = arith.constant 0 : i32
      %dma_start3A_58 = tpu.memref_slice %arg15[%add3A, %dma_start3A_57] : memref<32x4096xf32, #tpu.memory_space<hbm>> -> memref<1x4096xf32, #tpu.memory_space<hbm>>
      %dma_start3A_59 = tpu.memref_squeeze %dma_start3A_58 : memref<1x4096xf32, #tpu.memory_space<hbm>> -> memref<4096xf32, #tpu.memory_space<hbm>>
      tpu.enqueue_dma source(%arg35 : memref<4096xf32, #tpu.memory_space<vmem>>) target(%dma_start3A_59 : memref<4096xf32, #tpu.memory_space<hbm>>) target_semaphore(%run_scoped3A : memref<!tpu.dma_semaphore, #tpu.memory_space<semaphore_mem>>)
      %dma_wait3A_60 = arith.constant 0 : i32
      %dma_wait3A_61 = tpu.memref_slice %arg15[%add3A, %dma_wait3A_60] : memref<32x4096xf32, #tpu.memory_space<hbm>> -> memref<1x4096xf32, #tpu.memory_space<hbm>>
      %dma_wait3A_62 = tpu.memref_squeeze %dma_wait3A_61 : memref<1x4096xf32, #tpu.memory_space<hbm>> -> memref<4096xf32, #tpu.memory_space<hbm>>
      %dma_wait3A_63 = arith.constant 0 : i32
      %dma_wait3A_64 = tpu.memref_slice %arg15[%add3A, %dma_wait3A_63] : memref<32x4096xf32, #tpu.memory_space<hbm>> -> memref<1x4096xf32, #tpu.memory_space<hbm>>
      %dma_wait3A_65 = tpu.memref_squeeze %dma_wait3A_64 : memref<1x4096xf32, #tpu.memory_space<hbm>> -> memref<4096xf32, #tpu.memory_space<hbm>>
      tpu.wait_dma2 semaphore(%run_scoped3A : memref<!tpu.dma_semaphore, #tpu.memory_space<semaphore_mem>>) src(%arg35 : memref<4096xf32, #tpu.memory_space<vmem>>) dst(%dma_wait3A_65 : memref<4096xf32, #tpu.memory_space<hbm>>)
      tpu.yield
    }) : () -> ()
    "tpu.region"() ({
      %run_scoped3A = tpu.sem_alloc : memref<!tpu.dma_semaphore, #tpu.memory_space<semaphore_mem>>
      %dma_start3A_54 = arith.constant 0 : i32
      %dma_start3A_55 = tpu.memref_slice %arg16[%add3A, %dma_start3A_54] : memref<32x4096xf32, #tpu.memory_space<hbm>> -> memref<1x4096xf32, #tpu.memory_space<hbm>>
      %dma_start3A_56 = tpu.memref_squeeze %dma_start3A_55 : memref<1x4096xf32, #tpu.memory_space<hbm>> -> memref<4096xf32, #tpu.memory_space<hbm>>
      %dma_start3A_57 = arith.constant 0 : i32
      %dma_start3A_58 = tpu.memref_slice %arg16[%add3A, %dma_start3A_57] : memref<32x4096xf32, #tpu.memory_space<hbm>> -> memref<1x4096xf32, #tpu.memory_space<hbm>>
      %dma_start3A_59 = tpu.memref_squeeze %dma_start3A_58 : memref<1x4096xf32, #tpu.memory_space<hbm>> -> memref<4096xf32, #tpu.memory_space<hbm>>
      tpu.enqueue_dma source(%arg36 : memref<4096xf32, #tpu.memory_space<vmem>>) target(%dma_start3A_59 : memref<4096xf32, #tpu.memory_space<hbm>>) target_semaphore(%run_scoped3A : memref<!tpu.dma_semaphore, #tpu.memory_space<semaphore_mem>>)
      %dma_wait3A_60 = arith.constant 0 : i32
      %dma_wait3A_61 = tpu.memref_slice %arg16[%add3A, %dma_wait3A_60] : memref<32x4096xf32, #tpu.memory_space<hbm>> -> memref<1x4096xf32, #tpu.memory_space<hbm>>
      %dma_wait3A_62 = tpu.memref_squeeze %dma_wait3A_61 : memref<1x4096xf32, #tpu.memory_space<hbm>> -> memref<4096xf32, #tpu.memory_space<hbm>>
      %dma_wait3A_63 = arith.constant 0 : i32
      %dma_wait3A_64 = tpu.memref_slice %arg16[%add3A, %dma_wait3A_63] : memref<32x4096xf32, #tpu.memory_space<hbm>> -> memref<1x4096xf32, #tpu.memory_space<hbm>>
      %dma_wait3A_65 = tpu.memref_squeeze %dma_wait3A_64 : memref<1x4096xf32, #tpu.memory_space<hbm>> -> memref<4096xf32, #tpu.memory_space<hbm>>
      tpu.wait_dma2 semaphore(%run_scoped3A : memref<!tpu.dma_semaphore, #tpu.memory_space<semaphore_mem>>) src(%arg36 : memref<4096xf32, #tpu.memory_space<vmem>>) dst(%dma_wait3A_65 : memref<4096xf32, #tpu.memory_space<hbm>>)
      tpu.yield
    }) : () -> ()
    "tpu.region"() ({
      %run_scoped3A = tpu.sem_alloc : memref<!tpu.dma_semaphore, #tpu.memory_space<semaphore_mem>>
      %dma_start3A_54 = arith.constant 0 : i32
      %dma_start3A_55 = tpu.memref_slice %arg17[%add3A, %dma_start3A_54] : memref<32x4096xf32, #tpu.memory_space<hbm>> -> memref<1x4096xf32, #tpu.memory_space<hbm>>
      %dma_start3A_56 = tpu.memref_squeeze %dma_start3A_55 : memref<1x4096xf32, #tpu.memory_space<hbm>> -> memref<4096xf32, #tpu.memory_space<hbm>>
      %dma_start3A_57 = arith.constant 0 : i32
      %dma_start3A_58 = tpu.memref_slice %arg17[%add3A, %dma_start3A_57] : memref<32x4096xf32, #tpu.memory_space<hbm>> -> memref<1x4096xf32, #tpu.memory_space<hbm>>
      %dma_start3A_59 = tpu.memref_squeeze %dma_start3A_58 : memref<1x4096xf32, #tpu.memory_space<hbm>> -> memref<4096xf32, #tpu.memory_space<hbm>>
      tpu.enqueue_dma source(%arg38 : memref<4096xf32, #tpu.memory_space<vmem>>) target(%dma_start3A_59 : memref<4096xf32, #tpu.memory_space<hbm>>) target_semaphore(%run_scoped3A : memref<!tpu.dma_semaphore, #tpu.memory_space<semaphore_mem>>)
      %dma_wait3A_60 = arith.constant 0 : i32
      %dma_wait3A_61 = tpu.memref_slice %arg17[%add3A, %dma_wait3A_60] : memref<32x4096xf32, #tpu.memory_space<hbm>> -> memref<1x4096xf32, #tpu.memory_space<hbm>>
      %dma_wait3A_62 = tpu.memref_squeeze %dma_wait3A_61 : memref<1x4096xf32, #tpu.memory_space<hbm>> -> memref<4096xf32, #tpu.memory_space<hbm>>
      %dma_wait3A_63 = arith.constant 0 : i32
      %dma_wait3A_64 = tpu.memref_slice %arg17[%add3A, %dma_wait3A_63] : memref<32x4096xf32, #tpu.memory_space<hbm>> -> memref<1x4096xf32, #tpu.memory_space<hbm>>
      %dma_wait3A_65 = tpu.memref_squeeze %dma_wait3A_64 : memref<1x4096xf32, #tpu.memory_space<hbm>> -> memref<4096xf32, #tpu.memory_space<hbm>>
      tpu.wait_dma2 semaphore(%run_scoped3A : memref<!tpu.dma_semaphore, #tpu.memory_space<semaphore_mem>>) src(%arg38 : memref<4096xf32, #tpu.memory_space<vmem>>) dst(%dma_wait3A_65 : memref<4096xf32, #tpu.memory_space<hbm>>)
      tpu.yield
    }) : () -> ()
    "tpu.region"() ({
      %run_scoped3A = tpu.sem_alloc : memref<!tpu.dma_semaphore, #tpu.memory_space<semaphore_mem>>
      %dma_start3A_54 = arith.constant 0 : i32
      %dma_start3A_55 = tpu.memref_slice %arg18[%add3A, %dma_start3A_54] : memref<32x4096xi32, #tpu.memory_space<hbm>> -> memref<1x4096xi32, #tpu.memory_space<hbm>>
      %dma_start3A_56 = tpu.memref_squeeze %dma_start3A_55 : memref<1x4096xi32, #tpu.memory_space<hbm>> -> memref<4096xi32, #tpu.memory_space<hbm>>
      %dma_start3A_57 = arith.constant 0 : i32
      %dma_start3A_58 = tpu.memref_slice %arg18[%add3A, %dma_start3A_57] : memref<32x4096xi32, #tpu.memory_space<hbm>> -> memref<1x4096xi32, #tpu.memory_space<hbm>>
      %dma_start3A_59 = tpu.memref_squeeze %dma_start3A_58 : memref<1x4096xi32, #tpu.memory_space<hbm>> -> memref<4096xi32, #tpu.memory_space<hbm>>
      tpu.enqueue_dma source(%arg37 : memref<4096xi32, #tpu.memory_space<vmem>>) target(%dma_start3A_59 : memref<4096xi32, #tpu.memory_space<hbm>>) target_semaphore(%run_scoped3A : memref<!tpu.dma_semaphore, #tpu.memory_space<semaphore_mem>>)
      %dma_wait3A_60 = arith.constant 0 : i32
      %dma_wait3A_61 = tpu.memref_slice %arg18[%add3A, %dma_wait3A_60] : memref<32x4096xi32, #tpu.memory_space<hbm>> -> memref<1x4096xi32, #tpu.memory_space<hbm>>
      %dma_wait3A_62 = tpu.memref_squeeze %dma_wait3A_61 : memref<1x4096xi32, #tpu.memory_space<hbm>> -> memref<4096xi32, #tpu.memory_space<hbm>>
      %dma_wait3A_63 = arith.constant 0 : i32
      %dma_wait3A_64 = tpu.memref_slice %arg18[%add3A, %dma_wait3A_63] : memref<32x4096xi32, #tpu.memory_space<hbm>> -> memref<1x4096xi32, #tpu.memory_space<hbm>>
      %dma_wait3A_65 = tpu.memref_squeeze %dma_wait3A_64 : memref<1x4096xi32, #tpu.memory_space<hbm>> -> memref<4096xi32, #tpu.memory_space<hbm>>
      tpu.wait_dma2 semaphore(%run_scoped3A : memref<!tpu.dma_semaphore, #tpu.memory_space<semaphore_mem>>) src(%arg37 : memref<4096xi32, #tpu.memory_space<vmem>>) dst(%dma_wait3A_65 : memref<4096xi32, #tpu.memory_space<hbm>>)
      tpu.yield
    }) : () -> ()
    return
  }
}

#map = affine_map<(d0, d1) -> (0)>
#map1 = affine_map<(d0, d1) -> (0, 0, 0)>
#map2 = affine_map<(d0, d1) -> (0, 0)>
module attributes {stable_mosaic.version = 14 : i64} {
  func.func @_sc_bin(%arg0: i32, %arg1: i32, %arg2: memref<131072xi32, #tpu.memory_space<hbm>>, %arg3: memref<131072xf32, #tpu.memory_space<hbm>>, %arg4: memref<32x32x512xi32, #tpu.memory_space<hbm>>, %arg5: memref<32x32x512xf32, #tpu.memory_space<hbm>>, %arg6: memref<32x32x512xi32, #tpu.memory_space<hbm>>, %arg7: memref<32x32xi32, #tpu.memory_space<hbm>>, %arg8: memref<32x4096xi32, #tpu.memory_space<hbm>>, %arg9: memref<32x4096xf32, #tpu.memory_space<hbm>>, %arg10: memref<32x4096xi32, #tpu.memory_space<hbm>>, %arg11: memref<32x16xi32, #tpu.memory_space<hbm>>, %arg12: memref<4096xi32, #tpu.memory_space<vmem>>, %arg13: memref<4096xf32, #tpu.memory_space<vmem>>, %arg14: memref<32x512xi32, #tpu.memory_space<vmem>>, %arg15: memref<32x512xf32, #tpu.memory_space<vmem>>, %arg16: memref<32x512xi32, #tpu.memory_space<vmem>>, %arg17: memref<32xi32, #tpu.memory_space<vmem>>, %arg18: memref<4096xi32, #tpu.memory_space<vmem>>, %arg19: memref<4096xf32, #tpu.memory_space<vmem>>, %arg20: memref<4096xi32, #tpu.memory_space<vmem>>, %arg21: memref<16xi32, #tpu.memory_space<vmem>>) attributes {dimension_semantics = [#tpu.dimension_semantics<core_parallel>, #tpu.dimension_semantics<subcore_parallel>], iteration_bounds = array<i64: 2, 16>, scalar_prefetch = 0 : i64, scratch_operands = 10 : i64, tpu.core_type = #tpu.core_type<sc_vector_subcore>, window_params = [{transform_indices = #map}, {transform_indices = #map}, {transform_indices = #map1}, {transform_indices = #map1}, {transform_indices = #map1}, {transform_indices = #map2}, {transform_indices = #map2}, {transform_indices = #map2}, {transform_indices = #map2}, {transform_indices = #map2}]} {
    %mul3A = arith.constant 2 : i32
    %mul3A_0 = arith.muli %arg1, %mul3A : i32
    %add3A = arith.addi %mul3A_0, %arg0 : i32
    %iota3A = tpu.iota {dimensions = array<i32: 0>} : vector<16xi32>
    %broadcast_in_dim3A = arith.constant 0 : i32
    %broadcast_in_dim3A_1 = vector.broadcast %broadcast_in_dim3A : i32 to vector<16xi32>
    %swap3A = arith.constant 0 : index
    %swap3A_2 = tpu.vector_load %arg17[%swap3A] {strides = array<i32>} : memref<32xi32, #tpu.memory_space<vmem>>, vector<16xi32>,
    tpu.vector_store %arg17[%swap3A], %broadcast_in_dim3A_1 {strides = array<i32>} : memref<32xi32, #tpu.memory_space<vmem>>, vector<16xi32>,
    %swap3A_3 = arith.constant 16 : index
    %swap3A_4 = tpu.vector_load %arg17[%swap3A_3] {strides = array<i32>} : memref<32xi32, #tpu.memory_space<vmem>>, vector<16xi32>,
    tpu.vector_store %arg17[%swap3A_3], %broadcast_in_dim3A_1 {strides = array<i32>} : memref<32xi32, #tpu.memory_space<vmem>>, vector<16xi32>,
    %mul3A_5 = arith.constant 4096 : i32
    %mul3A_6 = arith.muli %add3A, %mul3A_5 : i32
    "tpu.region"() ({
      %run_scoped3A = tpu.sem_alloc : memref<!tpu.dma_semaphore, #tpu.memory_space<semaphore_mem>>
      %dma_start3A = tpu.memref_slice %arg2[%mul3A_6] : memref<131072xi32, #tpu.memory_space<hbm>> -> memref<4096xi32, #tpu.memory_space<hbm>>
      %dma_start3A_18 = tpu.memref_slice %arg2[%mul3A_6] : memref<131072xi32, #tpu.memory_space<hbm>> -> memref<4096xi32, #tpu.memory_space<hbm>>
      tpu.enqueue_dma source(%dma_start3A_18 : memref<4096xi32, #tpu.memory_space<hbm>>) target(%arg12 : memref<4096xi32, #tpu.memory_space<vmem>>) target_semaphore(%run_scoped3A : memref<!tpu.dma_semaphore, #tpu.memory_space<semaphore_mem>>)
      %dma_wait3A = tpu.memref_slice %arg2[%mul3A_6] : memref<131072xi32, #tpu.memory_space<hbm>> -> memref<4096xi32, #tpu.memory_space<hbm>>
      %dma_wait3A_19 = tpu.memref_slice %arg2[%mul3A_6] : memref<131072xi32, #tpu.memory_space<hbm>> -> memref<4096xi32, #tpu.memory_space<hbm>>
      tpu.wait_dma2 semaphore(%run_scoped3A : memref<!tpu.dma_semaphore, #tpu.memory_space<semaphore_mem>>) src(%dma_wait3A_19 : memref<4096xi32, #tpu.memory_space<hbm>>) dst(%arg12 : memref<4096xi32, #tpu.memory_space<vmem>>)
      tpu.yield
    }) : () -> ()
    "tpu.region"() ({
      %run_scoped3A = tpu.sem_alloc : memref<!tpu.dma_semaphore, #tpu.memory_space<semaphore_mem>>
      %dma_start3A = tpu.memref_slice %arg3[%mul3A_6] : memref<131072xf32, #tpu.memory_space<hbm>> -> memref<4096xf32, #tpu.memory_space<hbm>>
      %dma_start3A_18 = tpu.memref_slice %arg3[%mul3A_6] : memref<131072xf32, #tpu.memory_space<hbm>> -> memref<4096xf32, #tpu.memory_space<hbm>>
      tpu.enqueue_dma source(%dma_start3A_18 : memref<4096xf32, #tpu.memory_space<hbm>>) target(%arg13 : memref<4096xf32, #tpu.memory_space<vmem>>) target_semaphore(%run_scoped3A : memref<!tpu.dma_semaphore, #tpu.memory_space<semaphore_mem>>)
      %dma_wait3A = tpu.memref_slice %arg3[%mul3A_6] : memref<131072xf32, #tpu.memory_space<hbm>> -> memref<4096xf32, #tpu.memory_space<hbm>>
      %dma_wait3A_19 = tpu.memref_slice %arg3[%mul3A_6] : memref<131072xf32, #tpu.memory_space<hbm>> -> memref<4096xf32, #tpu.memory_space<hbm>>
      tpu.wait_dma2 semaphore(%run_scoped3A : memref<!tpu.dma_semaphore, #tpu.memory_space<semaphore_mem>>) src(%dma_wait3A_19 : memref<4096xf32, #tpu.memory_space<hbm>>) dst(%arg13 : memref<4096xf32, #tpu.memory_space<vmem>>)
      tpu.yield
    }) : () -> ()
    %scan3A = arith.constant 0 : i32
    %scan3A_7 = arith.constant 0 : i32
    %scan3A_8 = arith.constant 256 : i32
    %scan3A_9 = arith.addi %scan3A_7, %scan3A_8 : i32
    %scan3A_10 = arith.constant 8 : i32
    %scan3A_11 = scf.for %scan3A_18 = %scan3A_7 to %scan3A_9 step %scan3A_10 iter_args(%scan3A_19 = %scan3A) -> (i32)  : i32 {
      %mul3A_20 = arith.constant 16 : i32
      %mul3A_21 = arith.muli %scan3A_18, %mul3A_20 : i32
      %get3A = arith.index_cast %mul3A_21 : i32 to index
      %get3A_22 = tpu.vector_load %arg12[%get3A] {strides = array<i32>} : memref<4096xi32, #tpu.memory_space<vmem>>, vector<16xi32>,
      %mul3A_23 = arith.constant 16 : i32
      %mul3A_24 = arith.muli %scan3A_18, %mul3A_23 : i32
      %get3A_25 = arith.index_cast %mul3A_24 : i32 to index
      %get3A_26 = tpu.vector_load %arg13[%get3A_25] {strides = array<i32>} : memref<4096xf32, #tpu.memory_space<vmem>>, vector<16xf32>,
      %mul3A_27 = arith.constant 16 : i32
      %mul3A_28 = arith.muli %scan3A_18, %mul3A_27 : i32
      %add3A_29 = arith.addi %mul3A_6, %mul3A_28 : i32
      %add3A_30 = vector.broadcast %add3A_29 : i32 to vector<16xi32>
      %add3A_31 = arith.addi %add3A_30, %iota3A : vector<16xi32>
      %shift_right_logical3A = arith.constant 7 : i32
      %shift_right_logical3A_32 = vector.broadcast %shift_right_logical3A : i32 to vector<16xi32>
      %shift_right_logical3A_33 = arith.shrui %get3A_22, %shift_right_logical3A_32 : vector<16xi32>
      %and3A = arith.constant 31 : i32
      %and3A_34 = vector.broadcast %and3A : i32 to vector<16xi32>
      %and3A_35 = arith.andi %shift_right_logical3A_33, %and3A_34 : vector<16xi32>
      %broadcast_in_dim3A_36 = arith.constant true
      %broadcast_in_dim3A_37 = vector.broadcast %broadcast_in_dim3A_36 : i1 to vector<16xi1>
      %unique3A, %unique3A_38 = tpu.scan_count mask(%broadcast_in_dim3A_37 : vector<16xi1>) value(%and3A_35 : vector<16xi32>) : vector<16xi1>, vector<16xi32>
      %gather3A = tpu.vector_load_idx %arg17[%and3A_35] : memref<32xi32, #tpu.memory_space<vmem>>[vector<16xi32>], vector<16xi32>,
      %add3A_39 = arith.addi %gather3A, %unique3A_38 : vector<16xi32>
      %sub3A = arith.constant 1 : i32
      %sub3A_40 = vector.broadcast %sub3A : i32 to vector<16xi32>
      %sub3A_41 = arith.subi %add3A_39, %sub3A_40 : vector<16xi32>
      %lt3A = arith.constant 512 : i32
      %lt3A_42 = vector.broadcast %lt3A : i32 to vector<16xi32>
      %lt3A_43 = arith.cmpi slt, %sub3A_41, %lt3A_42 : vector<16xi32>
      tpu.vector_store_idx %arg14[%and3A_35, %sub3A_41], %get3A_22 masked %lt3A_43 : memref<32x512xi32, #tpu.memory_space<vmem>>[vector<16xi32>, vector<16xi32>], vector<16xi32>, vector<16xi1>
      tpu.vector_store_idx %arg15[%and3A_35, %sub3A_41], %get3A_26 masked %lt3A_43 : memref<32x512xf32, #tpu.memory_space<vmem>>[vector<16xi32>, vector<16xi32>], vector<16xf32>, vector<16xi1>
      tpu.vector_store_idx %arg16[%and3A_35, %sub3A_41], %add3A_31 masked %lt3A_43 : memref<32x512xi32, #tpu.memory_space<vmem>>[vector<16xi32>, vector<16xi32>], vector<16xi32>, vector<16xi1>
      %add3A_44 = arith.constant 1 : i32
      %add3A_45 = vector.broadcast %add3A_44 : i32 to vector<16xi32>
      %add3A_46 = arith.addi %sub3A_41, %add3A_45 : vector<16xi32>
      tpu.vector_store_idx %arg17[%and3A_35], %add3A_46 masked %unique3A : memref<32xi32, #tpu.memory_space<vmem>>[vector<16xi32>], vector<16xi32>, vector<16xi1>
      %not3A = arith.constant dense<true> : vector<16xi1>
      %not3A_47 = arith.xori %lt3A_43, %not3A : vector<16xi1>
      %swap3A_48 = arith.index_cast %scan3A_19 : i32 to index
      %swap3A_49 = tpu.vector_load %arg18[%swap3A_48] masked %not3A_47 {strides = array<i32>} : memref<4096xi32, #tpu.memory_space<vmem>>, vector<16xi32>, vector<16xi1>
      tpu.vector_store %arg18[%swap3A_48], %get3A_22 masked %not3A_47 {strides = array<i32>} : memref<4096xi32, #tpu.memory_space<vmem>>, vector<16xi32>, vector<16xi1>
      %swap3A_50 = arith.index_cast %scan3A_19 : i32 to index
      %swap3A_51 = tpu.vector_load %arg19[%swap3A_50] masked %not3A_47 {strides = array<i32>} : memref<4096xf32, #tpu.memory_space<vmem>>, vector<16xf32>, vector<16xi1>
      tpu.vector_store %arg19[%swap3A_50], %get3A_26 masked %not3A_47 {strides = array<i32>} : memref<4096xf32, #tpu.memory_space<vmem>>, vector<16xf32>, vector<16xi1>
      %swap3A_52 = arith.index_cast %scan3A_19 : i32 to index
      %swap3A_53 = tpu.vector_load %arg20[%swap3A_52] masked %not3A_47 {strides = array<i32>} : memref<4096xi32, #tpu.memory_space<vmem>>, vector<16xi32>, vector<16xi1>
      tpu.vector_store %arg20[%swap3A_52], %add3A_31 masked %not3A_47 {strides = array<i32>} : memref<4096xi32, #tpu.memory_space<vmem>>, vector<16xi32>, vector<16xi1>
      %all_reduce_population_count3A = tpu.all_reduce %not3A_47 {dim = 0 : i64, kind = #tpu.reduction_kind<sum>} : vector<16xi1> -> vector<16xi32>
      %slice3A = vector.extract_strided_slice %all_reduce_population_count3A {offsets = [0], sizes = [1], strides = [1]} : vector<16xi32> to vector<1xi32>
      %squeeze3A = vector.extract %slice3A[0] : i32 from vector<1xi32>
      %add3A_54 = arith.addi %scan3A_19, %squeeze3A : i32
      %scan3A_55 = arith.constant 1 : i32
      %scan3A_56 = arith.addi %scan3A_18, %scan3A_55 : i32
      %mul3A_57 = arith.constant 16 : i32
      %mul3A_58 = arith.muli %scan3A_56, %mul3A_57 : i32
      %get3A_59 = arith.index_cast %mul3A_58 : i32 to index
      %get3A_60 = tpu.vector_load %arg12[%get3A_59] {strides = array<i32>} : memref<4096xi32, #tpu.memory_space<vmem>>, vector<16xi32>,
      %mul3A_61 = arith.constant 16 : i32
      %mul3A_62 = arith.muli %scan3A_56, %mul3A_61 : i32
      %get3A_63 = arith.index_cast %mul3A_62 : i32 to index
      %get3A_64 = tpu.vector_load %arg13[%get3A_63] {strides = array<i32>} : memref<4096xf32, #tpu.memory_space<vmem>>, vector<16xf32>,
      %mul3A_65 = arith.constant 16 : i32
      %mul3A_66 = arith.muli %scan3A_56, %mul3A_65 : i32
      %add3A_67 = arith.addi %mul3A_6, %mul3A_66 : i32
      %add3A_68 = vector.broadcast %add3A_67 : i32 to vector<16xi32>
      %add3A_69 = arith.addi %add3A_68, %iota3A : vector<16xi32>
      %shift_right_logical3A_70 = arith.constant 7 : i32
      %shift_right_logical3A_71 = vector.broadcast %shift_right_logical3A_70 : i32 to vector<16xi32>
      %shift_right_logical3A_72 = arith.shrui %get3A_60, %shift_right_logical3A_71 : vector<16xi32>
      %and3A_73 = arith.constant 31 : i32
      %and3A_74 = vector.broadcast %and3A_73 : i32 to vector<16xi32>
      %and3A_75 = arith.andi %shift_right_logical3A_72, %and3A_74 : vector<16xi32>
      %broadcast_in_dim3A_76 = arith.constant true
      %broadcast_in_dim3A_77 = vector.broadcast %broadcast_in_dim3A_76 : i1 to vector<16xi1>
      %unique3A_78, %unique3A_79 = tpu.scan_count mask(%broadcast_in_dim3A_77 : vector<16xi1>) value(%and3A_75 : vector<16xi32>) : vector<16xi1>, vector<16xi32>
      %gather3A_80 = tpu.vector_load_idx %arg17[%and3A_75] : memref<32xi32, #tpu.memory_space<vmem>>[vector<16xi32>], vector<16xi32>,
      %add3A_81 = arith.addi %gather3A_80, %unique3A_79 : vector<16xi32>
      %sub3A_82 = arith.constant 1 : i32
      %sub3A_83 = vector.broadcast %sub3A_82 : i32 to vector<16xi32>
      %sub3A_84 = arith.subi %add3A_81, %sub3A_83 : vector<16xi32>
      %lt3A_85 = arith.constant 512 : i32
      %lt3A_86 = vector.broadcast %lt3A_85 : i32 to vector<16xi32>
      %lt3A_87 = arith.cmpi slt, %sub3A_84, %lt3A_86 : vector<16xi32>
      tpu.vector_store_idx %arg14[%and3A_75, %sub3A_84], %get3A_60 masked %lt3A_87 : memref<32x512xi32, #tpu.memory_space<vmem>>[vector<16xi32>, vector<16xi32>], vector<16xi32>, vector<16xi1>
      tpu.vector_store_idx %arg15[%and3A_75, %sub3A_84], %get3A_64 masked %lt3A_87 : memref<32x512xf32, #tpu.memory_space<vmem>>[vector<16xi32>, vector<16xi32>], vector<16xf32>, vector<16xi1>
      tpu.vector_store_idx %arg16[%and3A_75, %sub3A_84], %add3A_69 masked %lt3A_87 : memref<32x512xi32, #tpu.memory_space<vmem>>[vector<16xi32>, vector<16xi32>], vector<16xi32>, vector<16xi1>
      %add3A_88 = arith.constant 1 : i32
      %add3A_89 = vector.broadcast %add3A_88 : i32 to vector<16xi32>
      %add3A_90 = arith.addi %sub3A_84, %add3A_89 : vector<16xi32>
      tpu.vector_store_idx %arg17[%and3A_75], %add3A_90 masked %unique3A_78 : memref<32xi32, #tpu.memory_space<vmem>>[vector<16xi32>], vector<16xi32>, vector<16xi1>
      %not3A_91 = arith.constant dense<true> : vector<16xi1>
      %not3A_92 = arith.xori %lt3A_87, %not3A_91 : vector<16xi1>
      %swap3A_93 = arith.index_cast %add3A_54 : i32 to index
      %swap3A_94 = tpu.vector_load %arg18[%swap3A_93] masked %not3A_92 {strides = array<i32>} : memref<4096xi32, #tpu.memory_space<vmem>>, vector<16xi32>, vector<16xi1>
      tpu.vector_store %arg18[%swap3A_93], %get3A_60 masked %not3A_92 {strides = array<i32>} : memref<4096xi32, #tpu.memory_space<vmem>>, vector<16xi32>, vector<16xi1>
      %swap3A_95 = arith.index_cast %add3A_54 : i32 to index
      %swap3A_96 = tpu.vector_load %arg19[%swap3A_95] masked %not3A_92 {strides = array<i32>} : memref<4096xf32, #tpu.memory_space<vmem>>, vector<16xf32>, vector<16xi1>
      tpu.vector_store %arg19[%swap3A_95], %get3A_64 masked %not3A_92 {strides = array<i32>} : memref<4096xf32, #tpu.memory_space<vmem>>, vector<16xf32>, vector<16xi1>
      %swap3A_97 = arith.index_cast %add3A_54 : i32 to index
      %swap3A_98 = tpu.vector_load %arg20[%swap3A_97] masked %not3A_92 {strides = array<i32>} : memref<4096xi32, #tpu.memory_space<vmem>>, vector<16xi32>, vector<16xi1>
      tpu.vector_store %arg20[%swap3A_97], %add3A_69 masked %not3A_92 {strides = array<i32>} : memref<4096xi32, #tpu.memory_space<vmem>>, vector<16xi32>, vector<16xi1>
      %all_reduce_population_count3A_99 = tpu.all_reduce %not3A_92 {dim = 0 : i64, kind = #tpu.reduction_kind<sum>} : vector<16xi1> -> vector<16xi32>
      %slice3A_100 = vector.extract_strided_slice %all_reduce_population_count3A_99 {offsets = [0], sizes = [1], strides = [1]} : vector<16xi32> to vector<1xi32>
      %squeeze3A_101 = vector.extract %slice3A_100[0] : i32 from vector<1xi32>
      %add3A_102 = arith.addi %add3A_54, %squeeze3A_101 : i32
      %scan3A_103 = arith.constant 2 : i32
      %scan3A_104 = arith.addi %scan3A_18, %scan3A_103 : i32
      %mul3A_105 = arith.constant 16 : i32
      %mul3A_106 = arith.muli %scan3A_104, %mul3A_105 : i32
      %get3A_107 = arith.index_cast %mul3A_106 : i32 to index
      %get3A_108 = tpu.vector_load %arg12[%get3A_107] {strides = array<i32>} : memref<4096xi32, #tpu.memory_space<vmem>>, vector<16xi32>,
      %mul3A_109 = arith.constant 16 : i32
      %mul3A_110 = arith.muli %scan3A_104, %mul3A_109 : i32
      %get3A_111 = arith.index_cast %mul3A_110 : i32 to index
      %get3A_112 = tpu.vector_load %arg13[%get3A_111] {strides = array<i32>} : memref<4096xf32, #tpu.memory_space<vmem>>, vector<16xf32>,
      %mul3A_113 = arith.constant 16 : i32
      %mul3A_114 = arith.muli %scan3A_104, %mul3A_113 : i32
      %add3A_115 = arith.addi %mul3A_6, %mul3A_114 : i32
      %add3A_116 = vector.broadcast %add3A_115 : i32 to vector<16xi32>
      %add3A_117 = arith.addi %add3A_116, %iota3A : vector<16xi32>
      %shift_right_logical3A_118 = arith.constant 7 : i32
      %shift_right_logical3A_119 = vector.broadcast %shift_right_logical3A_118 : i32 to vector<16xi32>
      %shift_right_logical3A_120 = arith.shrui %get3A_108, %shift_right_logical3A_119 : vector<16xi32>
      %and3A_121 = arith.constant 31 : i32
      %and3A_122 = vector.broadcast %and3A_121 : i32 to vector<16xi32>
      %and3A_123 = arith.andi %shift_right_logical3A_120, %and3A_122 : vector<16xi32>
      %broadcast_in_dim3A_124 = arith.constant true
      %broadcast_in_dim3A_125 = vector.broadcast %broadcast_in_dim3A_124 : i1 to vector<16xi1>
      %unique3A_126, %unique3A_127 = tpu.scan_count mask(%broadcast_in_dim3A_125 : vector<16xi1>) value(%and3A_123 : vector<16xi32>) : vector<16xi1>, vector<16xi32>
      %gather3A_128 = tpu.vector_load_idx %arg17[%and3A_123] : memref<32xi32, #tpu.memory_space<vmem>>[vector<16xi32>], vector<16xi32>,
      %add3A_129 = arith.addi %gather3A_128, %unique3A_127 : vector<16xi32>
      %sub3A_130 = arith.constant 1 : i32
      %sub3A_131 = vector.broadcast %sub3A_130 : i32 to vector<16xi32>
      %sub3A_132 = arith.subi %add3A_129, %sub3A_131 : vector<16xi32>
      %lt3A_133 = arith.constant 512 : i32
      %lt3A_134 = vector.broadcast %lt3A_133 : i32 to vector<16xi32>
      %lt3A_135 = arith.cmpi slt, %sub3A_132, %lt3A_134 : vector<16xi32>
      tpu.vector_store_idx %arg14[%and3A_123, %sub3A_132], %get3A_108 masked %lt3A_135 : memref<32x512xi32, #tpu.memory_space<vmem>>[vector<16xi32>, vector<16xi32>], vector<16xi32>, vector<16xi1>
      tpu.vector_store_idx %arg15[%and3A_123, %sub3A_132], %get3A_112 masked %lt3A_135 : memref<32x512xf32, #tpu.memory_space<vmem>>[vector<16xi32>, vector<16xi32>], vector<16xf32>, vector<16xi1>
      tpu.vector_store_idx %arg16[%and3A_123, %sub3A_132], %add3A_117 masked %lt3A_135 : memref<32x512xi32, #tpu.memory_space<vmem>>[vector<16xi32>, vector<16xi32>], vector<16xi32>, vector<16xi1>
      %add3A_136 = arith.constant 1 : i32
      %add3A_137 = vector.broadcast %add3A_136 : i32 to vector<16xi32>
      %add3A_138 = arith.addi %sub3A_132, %add3A_137 : vector<16xi32>
      tpu.vector_store_idx %arg17[%and3A_123], %add3A_138 masked %unique3A_126 : memref<32xi32, #tpu.memory_space<vmem>>[vector<16xi32>], vector<16xi32>, vector<16xi1>
      %not3A_139 = arith.constant dense<true> : vector<16xi1>
      %not3A_140 = arith.xori %lt3A_135, %not3A_139 : vector<16xi1>
      %swap3A_141 = arith.index_cast %add3A_102 : i32 to index
      %swap3A_142 = tpu.vector_load %arg18[%swap3A_141] masked %not3A_140 {strides = array<i32>} : memref<4096xi32, #tpu.memory_space<vmem>>, vector<16xi32>, vector<16xi1>
      tpu.vector_store %arg18[%swap3A_141], %get3A_108 masked %not3A_140 {strides = array<i32>} : memref<4096xi32, #tpu.memory_space<vmem>>, vector<16xi32>, vector<16xi1>
      %swap3A_143 = arith.index_cast %add3A_102 : i32 to index
      %swap3A_144 = tpu.vector_load %arg19[%swap3A_143] masked %not3A_140 {strides = array<i32>} : memref<4096xf32, #tpu.memory_space<vmem>>, vector<16xf32>, vector<16xi1>
      tpu.vector_store %arg19[%swap3A_143], %get3A_112 masked %not3A_140 {strides = array<i32>} : memref<4096xf32, #tpu.memory_space<vmem>>, vector<16xf32>, vector<16xi1>
      %swap3A_145 = arith.index_cast %add3A_102 : i32 to index
      %swap3A_146 = tpu.vector_load %arg20[%swap3A_145] masked %not3A_140 {strides = array<i32>} : memref<4096xi32, #tpu.memory_space<vmem>>, vector<16xi32>, vector<16xi1>
      tpu.vector_store %arg20[%swap3A_145], %add3A_117 masked %not3A_140 {strides = array<i32>} : memref<4096xi32, #tpu.memory_space<vmem>>, vector<16xi32>, vector<16xi1>
      %all_reduce_population_count3A_147 = tpu.all_reduce %not3A_140 {dim = 0 : i64, kind = #tpu.reduction_kind<sum>} : vector<16xi1> -> vector<16xi32>
      %slice3A_148 = vector.extract_strided_slice %all_reduce_population_count3A_147 {offsets = [0], sizes = [1], strides = [1]} : vector<16xi32> to vector<1xi32>
      %squeeze3A_149 = vector.extract %slice3A_148[0] : i32 from vector<1xi32>
      %add3A_150 = arith.addi %add3A_102, %squeeze3A_149 : i32
      %scan3A_151 = arith.constant 3 : i32
      %scan3A_152 = arith.addi %scan3A_18, %scan3A_151 : i32
      %mul3A_153 = arith.constant 16 : i32
      %mul3A_154 = arith.muli %scan3A_152, %mul3A_153 : i32
      %get3A_155 = arith.index_cast %mul3A_154 : i32 to index
      %get3A_156 = tpu.vector_load %arg12[%get3A_155] {strides = array<i32>} : memref<4096xi32, #tpu.memory_space<vmem>>, vector<16xi32>,
      %mul3A_157 = arith.constant 16 : i32
      %mul3A_158 = arith.muli %scan3A_152, %mul3A_157 : i32
      %get3A_159 = arith.index_cast %mul3A_158 : i32 to index
      %get3A_160 = tpu.vector_load %arg13[%get3A_159] {strides = array<i32>} : memref<4096xf32, #tpu.memory_space<vmem>>, vector<16xf32>,
      %mul3A_161 = arith.constant 16 : i32
      %mul3A_162 = arith.muli %scan3A_152, %mul3A_161 : i32
      %add3A_163 = arith.addi %mul3A_6, %mul3A_162 : i32
      %add3A_164 = vector.broadcast %add3A_163 : i32 to vector<16xi32>
      %add3A_165 = arith.addi %add3A_164, %iota3A : vector<16xi32>
      %shift_right_logical3A_166 = arith.constant 7 : i32
      %shift_right_logical3A_167 = vector.broadcast %shift_right_logical3A_166 : i32 to vector<16xi32>
      %shift_right_logical3A_168 = arith.shrui %get3A_156, %shift_right_logical3A_167 : vector<16xi32>
      %and3A_169 = arith.constant 31 : i32
      %and3A_170 = vector.broadcast %and3A_169 : i32 to vector<16xi32>
      %and3A_171 = arith.andi %shift_right_logical3A_168, %and3A_170 : vector<16xi32>
      %broadcast_in_dim3A_172 = arith.constant true
      %broadcast_in_dim3A_173 = vector.broadcast %broadcast_in_dim3A_172 : i1 to vector<16xi1>
      %unique3A_174, %unique3A_175 = tpu.scan_count mask(%broadcast_in_dim3A_173 : vector<16xi1>) value(%and3A_171 : vector<16xi32>) : vector<16xi1>, vector<16xi32>
      %gather3A_176 = tpu.vector_load_idx %arg17[%and3A_171] : memref<32xi32, #tpu.memory_space<vmem>>[vector<16xi32>], vector<16xi32>,
      %add3A_177 = arith.addi %gather3A_176, %unique3A_175 : vector<16xi32>
      %sub3A_178 = arith.constant 1 : i32
      %sub3A_179 = vector.broadcast %sub3A_178 : i32 to vector<16xi32>
      %sub3A_180 = arith.subi %add3A_177, %sub3A_179 : vector<16xi32>
      %lt3A_181 = arith.constant 512 : i32
      %lt3A_182 = vector.broadcast %lt3A_181 : i32 to vector<16xi32>
      %lt3A_183 = arith.cmpi slt, %sub3A_180, %lt3A_182 : vector<16xi32>
      tpu.vector_store_idx %arg14[%and3A_171, %sub3A_180], %get3A_156 masked %lt3A_183 : memref<32x512xi32, #tpu.memory_space<vmem>>[vector<16xi32>, vector<16xi32>], vector<16xi32>, vector<16xi1>
      tpu.vector_store_idx %arg15[%and3A_171, %sub3A_180], %get3A_160 masked %lt3A_183 : memref<32x512xf32, #tpu.memory_space<vmem>>[vector<16xi32>, vector<16xi32>], vector<16xf32>, vector<16xi1>
      tpu.vector_store_idx %arg16[%and3A_171, %sub3A_180], %add3A_165 masked %lt3A_183 : memref<32x512xi32, #tpu.memory_space<vmem>>[vector<16xi32>, vector<16xi32>], vector<16xi32>, vector<16xi1>
      %add3A_184 = arith.constant 1 : i32
      %add3A_185 = vector.broadcast %add3A_184 : i32 to vector<16xi32>
      %add3A_186 = arith.addi %sub3A_180, %add3A_185 : vector<16xi32>
      tpu.vector_store_idx %arg17[%and3A_171], %add3A_186 masked %unique3A_174 : memref<32xi32, #tpu.memory_space<vmem>>[vector<16xi32>], vector<16xi32>, vector<16xi1>
      %not3A_187 = arith.constant dense<true> : vector<16xi1>
      %not3A_188 = arith.xori %lt3A_183, %not3A_187 : vector<16xi1>
      %swap3A_189 = arith.index_cast %add3A_150 : i32 to index
      %swap3A_190 = tpu.vector_load %arg18[%swap3A_189] masked %not3A_188 {strides = array<i32>} : memref<4096xi32, #tpu.memory_space<vmem>>, vector<16xi32>, vector<16xi1>
      tpu.vector_store %arg18[%swap3A_189], %get3A_156 masked %not3A_188 {strides = array<i32>} : memref<4096xi32, #tpu.memory_space<vmem>>, vector<16xi32>, vector<16xi1>
      %swap3A_191 = arith.index_cast %add3A_150 : i32 to index
      %swap3A_192 = tpu.vector_load %arg19[%swap3A_191] masked %not3A_188 {strides = array<i32>} : memref<4096xf32, #tpu.memory_space<vmem>>, vector<16xf32>, vector<16xi1>
      tpu.vector_store %arg19[%swap3A_191], %get3A_160 masked %not3A_188 {strides = array<i32>} : memref<4096xf32, #tpu.memory_space<vmem>>, vector<16xf32>, vector<16xi1>
      %swap3A_193 = arith.index_cast %add3A_150 : i32 to index
      %swap3A_194 = tpu.vector_load %arg20[%swap3A_193] masked %not3A_188 {strides = array<i32>} : memref<4096xi32, #tpu.memory_space<vmem>>, vector<16xi32>, vector<16xi1>
      tpu.vector_store %arg20[%swap3A_193], %add3A_165 masked %not3A_188 {strides = array<i32>} : memref<4096xi32, #tpu.memory_space<vmem>>, vector<16xi32>, vector<16xi1>
      %all_reduce_population_count3A_195 = tpu.all_reduce %not3A_188 {dim = 0 : i64, kind = #tpu.reduction_kind<sum>} : vector<16xi1> -> vector<16xi32>
      %slice3A_196 = vector.extract_strided_slice %all_reduce_population_count3A_195 {offsets = [0], sizes = [1], strides = [1]} : vector<16xi32> to vector<1xi32>
      %squeeze3A_197 = vector.extract %slice3A_196[0] : i32 from vector<1xi32>
      %add3A_198 = arith.addi %add3A_150, %squeeze3A_197 : i32
      %scan3A_199 = arith.constant 4 : i32
      %scan3A_200 = arith.addi %scan3A_18, %scan3A_199 : i32
      %mul3A_201 = arith.constant 16 : i32
      %mul3A_202 = arith.muli %scan3A_200, %mul3A_201 : i32
      %get3A_203 = arith.index_cast %mul3A_202 : i32 to index
      %get3A_204 = tpu.vector_load %arg12[%get3A_203] {strides = array<i32>} : memref<4096xi32, #tpu.memory_space<vmem>>, vector<16xi32>,
      %mul3A_205 = arith.constant 16 : i32
      %mul3A_206 = arith.muli %scan3A_200, %mul3A_205 : i32
      %get3A_207 = arith.index_cast %mul3A_206 : i32 to index
      %get3A_208 = tpu.vector_load %arg13[%get3A_207] {strides = array<i32>} : memref<4096xf32, #tpu.memory_space<vmem>>, vector<16xf32>,
      %mul3A_209 = arith.constant 16 : i32
      %mul3A_210 = arith.muli %scan3A_200, %mul3A_209 : i32
      %add3A_211 = arith.addi %mul3A_6, %mul3A_210 : i32
      %add3A_212 = vector.broadcast %add3A_211 : i32 to vector<16xi32>
      %add3A_213 = arith.addi %add3A_212, %iota3A : vector<16xi32>
      %shift_right_logical3A_214 = arith.constant 7 : i32
      %shift_right_logical3A_215 = vector.broadcast %shift_right_logical3A_214 : i32 to vector<16xi32>
      %shift_right_logical3A_216 = arith.shrui %get3A_204, %shift_right_logical3A_215 : vector<16xi32>
      %and3A_217 = arith.constant 31 : i32
      %and3A_218 = vector.broadcast %and3A_217 : i32 to vector<16xi32>
      %and3A_219 = arith.andi %shift_right_logical3A_216, %and3A_218 : vector<16xi32>
      %broadcast_in_dim3A_220 = arith.constant true
      %broadcast_in_dim3A_221 = vector.broadcast %broadcast_in_dim3A_220 : i1 to vector<16xi1>
      %unique3A_222, %unique3A_223 = tpu.scan_count mask(%broadcast_in_dim3A_221 : vector<16xi1>) value(%and3A_219 : vector<16xi32>) : vector<16xi1>, vector<16xi32>
      %gather3A_224 = tpu.vector_load_idx %arg17[%and3A_219] : memref<32xi32, #tpu.memory_space<vmem>>[vector<16xi32>], vector<16xi32>,
      %add3A_225 = arith.addi %gather3A_224, %unique3A_223 : vector<16xi32>
      %sub3A_226 = arith.constant 1 : i32
      %sub3A_227 = vector.broadcast %sub3A_226 : i32 to vector<16xi32>
      %sub3A_228 = arith.subi %add3A_225, %sub3A_227 : vector<16xi32>
      %lt3A_229 = arith.constant 512 : i32
      %lt3A_230 = vector.broadcast %lt3A_229 : i32 to vector<16xi32>
      %lt3A_231 = arith.cmpi slt, %sub3A_228, %lt3A_230 : vector<16xi32>
      tpu.vector_store_idx %arg14[%and3A_219, %sub3A_228], %get3A_204 masked %lt3A_231 : memref<32x512xi32, #tpu.memory_space<vmem>>[vector<16xi32>, vector<16xi32>], vector<16xi32>, vector<16xi1>
      tpu.vector_store_idx %arg15[%and3A_219, %sub3A_228], %get3A_208 masked %lt3A_231 : memref<32x512xf32, #tpu.memory_space<vmem>>[vector<16xi32>, vector<16xi32>], vector<16xf32>, vector<16xi1>
      tpu.vector_store_idx %arg16[%and3A_219, %sub3A_228], %add3A_213 masked %lt3A_231 : memref<32x512xi32, #tpu.memory_space<vmem>>[vector<16xi32>, vector<16xi32>], vector<16xi32>, vector<16xi1>
      %add3A_232 = arith.constant 1 : i32
      %add3A_233 = vector.broadcast %add3A_232 : i32 to vector<16xi32>
      %add3A_234 = arith.addi %sub3A_228, %add3A_233 : vector<16xi32>
      tpu.vector_store_idx %arg17[%and3A_219], %add3A_234 masked %unique3A_222 : memref<32xi32, #tpu.memory_space<vmem>>[vector<16xi32>], vector<16xi32>, vector<16xi1>
      %not3A_235 = arith.constant dense<true> : vector<16xi1>
      %not3A_236 = arith.xori %lt3A_231, %not3A_235 : vector<16xi1>
      %swap3A_237 = arith.index_cast %add3A_198 : i32 to index
      %swap3A_238 = tpu.vector_load %arg18[%swap3A_237] masked %not3A_236 {strides = array<i32>} : memref<4096xi32, #tpu.memory_space<vmem>>, vector<16xi32>, vector<16xi1>
      tpu.vector_store %arg18[%swap3A_237], %get3A_204 masked %not3A_236 {strides = array<i32>} : memref<4096xi32, #tpu.memory_space<vmem>>, vector<16xi32>, vector<16xi1>
      %swap3A_239 = arith.index_cast %add3A_198 : i32 to index
      %swap3A_240 = tpu.vector_load %arg19[%swap3A_239] masked %not3A_236 {strides = array<i32>} : memref<4096xf32, #tpu.memory_space<vmem>>, vector<16xf32>, vector<16xi1>
      tpu.vector_store %arg19[%swap3A_239], %get3A_208 masked %not3A_236 {strides = array<i32>} : memref<4096xf32, #tpu.memory_space<vmem>>, vector<16xf32>, vector<16xi1>
      %swap3A_241 = arith.index_cast %add3A_198 : i32 to index
      %swap3A_242 = tpu.vector_load %arg20[%swap3A_241] masked %not3A_236 {strides = array<i32>} : memref<4096xi32, #tpu.memory_space<vmem>>, vector<16xi32>, vector<16xi1>
      tpu.vector_store %arg20[%swap3A_241], %add3A_213 masked %not3A_236 {strides = array<i32>} : memref<4096xi32, #tpu.memory_space<vmem>>, vector<16xi32>, vector<16xi1>
      %all_reduce_population_count3A_243 = tpu.all_reduce %not3A_236 {dim = 0 : i64, kind = #tpu.reduction_kind<sum>} : vector<16xi1> -> vector<16xi32>
      %slice3A_244 = vector.extract_strided_slice %all_reduce_population_count3A_243 {offsets = [0], sizes = [1], strides = [1]} : vector<16xi32> to vector<1xi32>
      %squeeze3A_245 = vector.extract %slice3A_244[0] : i32 from vector<1xi32>
      %add3A_246 = arith.addi %add3A_198, %squeeze3A_245 : i32
      %scan3A_247 = arith.constant 5 : i32
      %scan3A_248 = arith.addi %scan3A_18, %scan3A_247 : i32
      %mul3A_249 = arith.constant 16 : i32
      %mul3A_250 = arith.muli %scan3A_248, %mul3A_249 : i32
      %get3A_251 = arith.index_cast %mul3A_250 : i32 to index
      %get3A_252 = tpu.vector_load %arg12[%get3A_251] {strides = array<i32>} : memref<4096xi32, #tpu.memory_space<vmem>>, vector<16xi32>,
      %mul3A_253 = arith.constant 16 : i32
      %mul3A_254 = arith.muli %scan3A_248, %mul3A_253 : i32
      %get3A_255 = arith.index_cast %mul3A_254 : i32 to index
      %get3A_256 = tpu.vector_load %arg13[%get3A_255] {strides = array<i32>} : memref<4096xf32, #tpu.memory_space<vmem>>, vector<16xf32>,
      %mul3A_257 = arith.constant 16 : i32
      %mul3A_258 = arith.muli %scan3A_248, %mul3A_257 : i32
      %add3A_259 = arith.addi %mul3A_6, %mul3A_258 : i32
      %add3A_260 = vector.broadcast %add3A_259 : i32 to vector<16xi32>
      %add3A_261 = arith.addi %add3A_260, %iota3A : vector<16xi32>
      %shift_right_logical3A_262 = arith.constant 7 : i32
      %shift_right_logical3A_263 = vector.broadcast %shift_right_logical3A_262 : i32 to vector<16xi32>
      %shift_right_logical3A_264 = arith.shrui %get3A_252, %shift_right_logical3A_263 : vector<16xi32>
      %and3A_265 = arith.constant 31 : i32
      %and3A_266 = vector.broadcast %and3A_265 : i32 to vector<16xi32>
      %and3A_267 = arith.andi %shift_right_logical3A_264, %and3A_266 : vector<16xi32>
      %broadcast_in_dim3A_268 = arith.constant true
      %broadcast_in_dim3A_269 = vector.broadcast %broadcast_in_dim3A_268 : i1 to vector<16xi1>
      %unique3A_270, %unique3A_271 = tpu.scan_count mask(%broadcast_in_dim3A_269 : vector<16xi1>) value(%and3A_267 : vector<16xi32>) : vector<16xi1>, vector<16xi32>
      %gather3A_272 = tpu.vector_load_idx %arg17[%and3A_267] : memref<32xi32, #tpu.memory_space<vmem>>[vector<16xi32>], vector<16xi32>,
      %add3A_273 = arith.addi %gather3A_272, %unique3A_271 : vector<16xi32>
      %sub3A_274 = arith.constant 1 : i32
      %sub3A_275 = vector.broadcast %sub3A_274 : i32 to vector<16xi32>
      %sub3A_276 = arith.subi %add3A_273, %sub3A_275 : vector<16xi32>
      %lt3A_277 = arith.constant 512 : i32
      %lt3A_278 = vector.broadcast %lt3A_277 : i32 to vector<16xi32>
      %lt3A_279 = arith.cmpi slt, %sub3A_276, %lt3A_278 : vector<16xi32>
      tpu.vector_store_idx %arg14[%and3A_267, %sub3A_276], %get3A_252 masked %lt3A_279 : memref<32x512xi32, #tpu.memory_space<vmem>>[vector<16xi32>, vector<16xi32>], vector<16xi32>, vector<16xi1>
      tpu.vector_store_idx %arg15[%and3A_267, %sub3A_276], %get3A_256 masked %lt3A_279 : memref<32x512xf32, #tpu.memory_space<vmem>>[vector<16xi32>, vector<16xi32>], vector<16xf32>, vector<16xi1>
      tpu.vector_store_idx %arg16[%and3A_267, %sub3A_276], %add3A_261 masked %lt3A_279 : memref<32x512xi32, #tpu.memory_space<vmem>>[vector<16xi32>, vector<16xi32>], vector<16xi32>, vector<16xi1>
      %add3A_280 = arith.constant 1 : i32
      %add3A_281 = vector.broadcast %add3A_280 : i32 to vector<16xi32>
      %add3A_282 = arith.addi %sub3A_276, %add3A_281 : vector<16xi32>
      tpu.vector_store_idx %arg17[%and3A_267], %add3A_282 masked %unique3A_270 : memref<32xi32, #tpu.memory_space<vmem>>[vector<16xi32>], vector<16xi32>, vector<16xi1>
      %not3A_283 = arith.constant dense<true> : vector<16xi1>
      %not3A_284 = arith.xori %lt3A_279, %not3A_283 : vector<16xi1>
      %swap3A_285 = arith.index_cast %add3A_246 : i32 to index
      %swap3A_286 = tpu.vector_load %arg18[%swap3A_285] masked %not3A_284 {strides = array<i32>} : memref<4096xi32, #tpu.memory_space<vmem>>, vector<16xi32>, vector<16xi1>
      tpu.vector_store %arg18[%swap3A_285], %get3A_252 masked %not3A_284 {strides = array<i32>} : memref<4096xi32, #tpu.memory_space<vmem>>, vector<16xi32>, vector<16xi1>
      %swap3A_287 = arith.index_cast %add3A_246 : i32 to index
      %swap3A_288 = tpu.vector_load %arg19[%swap3A_287] masked %not3A_284 {strides = array<i32>} : memref<4096xf32, #tpu.memory_space<vmem>>, vector<16xf32>, vector<16xi1>
      tpu.vector_store %arg19[%swap3A_287], %get3A_256 masked %not3A_284 {strides = array<i32>} : memref<4096xf32, #tpu.memory_space<vmem>>, vector<16xf32>, vector<16xi1>
      %swap3A_289 = arith.index_cast %add3A_246 : i32 to index
      %swap3A_290 = tpu.vector_load %arg20[%swap3A_289] masked %not3A_284 {strides = array<i32>} : memref<4096xi32, #tpu.memory_space<vmem>>, vector<16xi32>, vector<16xi1>
      tpu.vector_store %arg20[%swap3A_289], %add3A_261 masked %not3A_284 {strides = array<i32>} : memref<4096xi32, #tpu.memory_space<vmem>>, vector<16xi32>, vector<16xi1>
      %all_reduce_population_count3A_291 = tpu.all_reduce %not3A_284 {dim = 0 : i64, kind = #tpu.reduction_kind<sum>} : vector<16xi1> -> vector<16xi32>
      %slice3A_292 = vector.extract_strided_slice %all_reduce_population_count3A_291 {offsets = [0], sizes = [1], strides = [1]} : vector<16xi32> to vector<1xi32>
      %squeeze3A_293 = vector.extract %slice3A_292[0] : i32 from vector<1xi32>
      %add3A_294 = arith.addi %add3A_246, %squeeze3A_293 : i32
      %scan3A_295 = arith.constant 6 : i32
      %scan3A_296 = arith.addi %scan3A_18, %scan3A_295 : i32
      %mul3A_297 = arith.constant 16 : i32
      %mul3A_298 = arith.muli %scan3A_296, %mul3A_297 : i32
      %get3A_299 = arith.index_cast %mul3A_298 : i32 to index
      %get3A_300 = tpu.vector_load %arg12[%get3A_299] {strides = array<i32>} : memref<4096xi32, #tpu.memory_space<vmem>>, vector<16xi32>,
      %mul3A_301 = arith.constant 16 : i32
      %mul3A_302 = arith.muli %scan3A_296, %mul3A_301 : i32
      %get3A_303 = arith.index_cast %mul3A_302 : i32 to index
      %get3A_304 = tpu.vector_load %arg13[%get3A_303] {strides = array<i32>} : memref<4096xf32, #tpu.memory_space<vmem>>, vector<16xf32>,
      %mul3A_305 = arith.constant 16 : i32
      %mul3A_306 = arith.muli %scan3A_296, %mul3A_305 : i32
      %add3A_307 = arith.addi %mul3A_6, %mul3A_306 : i32
      %add3A_308 = vector.broadcast %add3A_307 : i32 to vector<16xi32>
      %add3A_309 = arith.addi %add3A_308, %iota3A : vector<16xi32>
      %shift_right_logical3A_310 = arith.constant 7 : i32
      %shift_right_logical3A_311 = vector.broadcast %shift_right_logical3A_310 : i32 to vector<16xi32>
      %shift_right_logical3A_312 = arith.shrui %get3A_300, %shift_right_logical3A_311 : vector<16xi32>
      %and3A_313 = arith.constant 31 : i32
      %and3A_314 = vector.broadcast %and3A_313 : i32 to vector<16xi32>
      %and3A_315 = arith.andi %shift_right_logical3A_312, %and3A_314 : vector<16xi32>
      %broadcast_in_dim3A_316 = arith.constant true
      %broadcast_in_dim3A_317 = vector.broadcast %broadcast_in_dim3A_316 : i1 to vector<16xi1>
      %unique3A_318, %unique3A_319 = tpu.scan_count mask(%broadcast_in_dim3A_317 : vector<16xi1>) value(%and3A_315 : vector<16xi32>) : vector<16xi1>, vector<16xi32>
      %gather3A_320 = tpu.vector_load_idx %arg17[%and3A_315] : memref<32xi32, #tpu.memory_space<vmem>>[vector<16xi32>], vector<16xi32>,
      %add3A_321 = arith.addi %gather3A_320, %unique3A_319 : vector<16xi32>
      %sub3A_322 = arith.constant 1 : i32
      %sub3A_323 = vector.broadcast %sub3A_322 : i32 to vector<16xi32>
      %sub3A_324 = arith.subi %add3A_321, %sub3A_323 : vector<16xi32>
      %lt3A_325 = arith.constant 512 : i32
      %lt3A_326 = vector.broadcast %lt3A_325 : i32 to vector<16xi32>
      %lt3A_327 = arith.cmpi slt, %sub3A_324, %lt3A_326 : vector<16xi32>
      tpu.vector_store_idx %arg14[%and3A_315, %sub3A_324], %get3A_300 masked %lt3A_327 : memref<32x512xi32, #tpu.memory_space<vmem>>[vector<16xi32>, vector<16xi32>], vector<16xi32>, vector<16xi1>
      tpu.vector_store_idx %arg15[%and3A_315, %sub3A_324], %get3A_304 masked %lt3A_327 : memref<32x512xf32, #tpu.memory_space<vmem>>[vector<16xi32>, vector<16xi32>], vector<16xf32>, vector<16xi1>
      tpu.vector_store_idx %arg16[%and3A_315, %sub3A_324], %add3A_309 masked %lt3A_327 : memref<32x512xi32, #tpu.memory_space<vmem>>[vector<16xi32>, vector<16xi32>], vector<16xi32>, vector<16xi1>
      %add3A_328 = arith.constant 1 : i32
      %add3A_329 = vector.broadcast %add3A_328 : i32 to vector<16xi32>
      %add3A_330 = arith.addi %sub3A_324, %add3A_329 : vector<16xi32>
      tpu.vector_store_idx %arg17[%and3A_315], %add3A_330 masked %unique3A_318 : memref<32xi32, #tpu.memory_space<vmem>>[vector<16xi32>], vector<16xi32>, vector<16xi1>
      %not3A_331 = arith.constant dense<true> : vector<16xi1>
      %not3A_332 = arith.xori %lt3A_327, %not3A_331 : vector<16xi1>
      %swap3A_333 = arith.index_cast %add3A_294 : i32 to index
      %swap3A_334 = tpu.vector_load %arg18[%swap3A_333] masked %not3A_332 {strides = array<i32>} : memref<4096xi32, #tpu.memory_space<vmem>>, vector<16xi32>, vector<16xi1>
      tpu.vector_store %arg18[%swap3A_333], %get3A_300 masked %not3A_332 {strides = array<i32>} : memref<4096xi32, #tpu.memory_space<vmem>>, vector<16xi32>, vector<16xi1>
      %swap3A_335 = arith.index_cast %add3A_294 : i32 to index
      %swap3A_336 = tpu.vector_load %arg19[%swap3A_335] masked %not3A_332 {strides = array<i32>} : memref<4096xf32, #tpu.memory_space<vmem>>, vector<16xf32>, vector<16xi1>
      tpu.vector_store %arg19[%swap3A_335], %get3A_304 masked %not3A_332 {strides = array<i32>} : memref<4096xf32, #tpu.memory_space<vmem>>, vector<16xf32>, vector<16xi1>
      %swap3A_337 = arith.index_cast %add3A_294 : i32 to index
      %swap3A_338 = tpu.vector_load %arg20[%swap3A_337] masked %not3A_332 {strides = array<i32>} : memref<4096xi32, #tpu.memory_space<vmem>>, vector<16xi32>, vector<16xi1>
      tpu.vector_store %arg20[%swap3A_337], %add3A_309 masked %not3A_332 {strides = array<i32>} : memref<4096xi32, #tpu.memory_space<vmem>>, vector<16xi32>, vector<16xi1>
      %all_reduce_population_count3A_339 = tpu.all_reduce %not3A_332 {dim = 0 : i64, kind = #tpu.reduction_kind<sum>} : vector<16xi1> -> vector<16xi32>
      %slice3A_340 = vector.extract_strided_slice %all_reduce_population_count3A_339 {offsets = [0], sizes = [1], strides = [1]} : vector<16xi32> to vector<1xi32>
      %squeeze3A_341 = vector.extract %slice3A_340[0] : i32 from vector<1xi32>
      %add3A_342 = arith.addi %add3A_294, %squeeze3A_341 : i32
      %scan3A_343 = arith.constant 7 : i32
      %scan3A_344 = arith.addi %scan3A_18, %scan3A_343 : i32
      %mul3A_345 = arith.constant 16 : i32
      %mul3A_346 = arith.muli %scan3A_344, %mul3A_345 : i32
      %get3A_347 = arith.index_cast %mul3A_346 : i32 to index
      %get3A_348 = tpu.vector_load %arg12[%get3A_347] {strides = array<i32>} : memref<4096xi32, #tpu.memory_space<vmem>>, vector<16xi32>,
      %mul3A_349 = arith.constant 16 : i32
      %mul3A_350 = arith.muli %scan3A_344, %mul3A_349 : i32
      %get3A_351 = arith.index_cast %mul3A_350 : i32 to index
      %get3A_352 = tpu.vector_load %arg13[%get3A_351] {strides = array<i32>} : memref<4096xf32, #tpu.memory_space<vmem>>, vector<16xf32>,
      %mul3A_353 = arith.constant 16 : i32
      %mul3A_354 = arith.muli %scan3A_344, %mul3A_353 : i32
      %add3A_355 = arith.addi %mul3A_6, %mul3A_354 : i32
      %add3A_356 = vector.broadcast %add3A_355 : i32 to vector<16xi32>
      %add3A_357 = arith.addi %add3A_356, %iota3A : vector<16xi32>
      %shift_right_logical3A_358 = arith.constant 7 : i32
      %shift_right_logical3A_359 = vector.broadcast %shift_right_logical3A_358 : i32 to vector<16xi32>
      %shift_right_logical3A_360 = arith.shrui %get3A_348, %shift_right_logical3A_359 : vector<16xi32>
      %and3A_361 = arith.constant 31 : i32
      %and3A_362 = vector.broadcast %and3A_361 : i32 to vector<16xi32>
      %and3A_363 = arith.andi %shift_right_logical3A_360, %and3A_362 : vector<16xi32>
      %broadcast_in_dim3A_364 = arith.constant true
      %broadcast_in_dim3A_365 = vector.broadcast %broadcast_in_dim3A_364 : i1 to vector<16xi1>
      %unique3A_366, %unique3A_367 = tpu.scan_count mask(%broadcast_in_dim3A_365 : vector<16xi1>) value(%and3A_363 : vector<16xi32>) : vector<16xi1>, vector<16xi32>
      %gather3A_368 = tpu.vector_load_idx %arg17[%and3A_363] : memref<32xi32, #tpu.memory_space<vmem>>[vector<16xi32>], vector<16xi32>,
      %add3A_369 = arith.addi %gather3A_368, %unique3A_367 : vector<16xi32>
      %sub3A_370 = arith.constant 1 : i32
      %sub3A_371 = vector.broadcast %sub3A_370 : i32 to vector<16xi32>
      %sub3A_372 = arith.subi %add3A_369, %sub3A_371 : vector<16xi32>
      %lt3A_373 = arith.constant 512 : i32
      %lt3A_374 = vector.broadcast %lt3A_373 : i32 to vector<16xi32>
      %lt3A_375 = arith.cmpi slt, %sub3A_372, %lt3A_374 : vector<16xi32>
      tpu.vector_store_idx %arg14[%and3A_363, %sub3A_372], %get3A_348 masked %lt3A_375 : memref<32x512xi32, #tpu.memory_space<vmem>>[vector<16xi32>, vector<16xi32>], vector<16xi32>, vector<16xi1>
      tpu.vector_store_idx %arg15[%and3A_363, %sub3A_372], %get3A_352 masked %lt3A_375 : memref<32x512xf32, #tpu.memory_space<vmem>>[vector<16xi32>, vector<16xi32>], vector<16xf32>, vector<16xi1>
      tpu.vector_store_idx %arg16[%and3A_363, %sub3A_372], %add3A_357 masked %lt3A_375 : memref<32x512xi32, #tpu.memory_space<vmem>>[vector<16xi32>, vector<16xi32>], vector<16xi32>, vector<16xi1>
      %add3A_376 = arith.constant 1 : i32
      %add3A_377 = vector.broadcast %add3A_376 : i32 to vector<16xi32>
      %add3A_378 = arith.addi %sub3A_372, %add3A_377 : vector<16xi32>
      tpu.vector_store_idx %arg17[%and3A_363], %add3A_378 masked %unique3A_366 : memref<32xi32, #tpu.memory_space<vmem>>[vector<16xi32>], vector<16xi32>, vector<16xi1>
      %not3A_379 = arith.constant dense<true> : vector<16xi1>
      %not3A_380 = arith.xori %lt3A_375, %not3A_379 : vector<16xi1>
      %swap3A_381 = arith.index_cast %add3A_342 : i32 to index
      %swap3A_382 = tpu.vector_load %arg18[%swap3A_381] masked %not3A_380 {strides = array<i32>} : memref<4096xi32, #tpu.memory_space<vmem>>, vector<16xi32>, vector<16xi1>
      tpu.vector_store %arg18[%swap3A_381], %get3A_348 masked %not3A_380 {strides = array<i32>} : memref<4096xi32, #tpu.memory_space<vmem>>, vector<16xi32>, vector<16xi1>
      %swap3A_383 = arith.index_cast %add3A_342 : i32 to index
      %swap3A_384 = tpu.vector_load %arg19[%swap3A_383] masked %not3A_380 {strides = array<i32>} : memref<4096xf32, #tpu.memory_space<vmem>>, vector<16xf32>, vector<16xi1>
      tpu.vector_store %arg19[%swap3A_383], %get3A_352 masked %not3A_380 {strides = array<i32>} : memref<4096xf32, #tpu.memory_space<vmem>>, vector<16xf32>, vector<16xi1>
      %swap3A_385 = arith.index_cast %add3A_342 : i32 to index
      %swap3A_386 = tpu.vector_load %arg20[%swap3A_385] masked %not3A_380 {strides = array<i32>} : memref<4096xi32, #tpu.memory_space<vmem>>, vector<16xi32>, vector<16xi1>
      tpu.vector_store %arg20[%swap3A_385], %add3A_357 masked %not3A_380 {strides = array<i32>} : memref<4096xi32, #tpu.memory_space<vmem>>, vector<16xi32>, vector<16xi1>
      %all_reduce_population_count3A_387 = tpu.all_reduce %not3A_380 {dim = 0 : i64, kind = #tpu.reduction_kind<sum>} : vector<16xi1> -> vector<16xi32>
      %slice3A_388 = vector.extract_strided_slice %all_reduce_population_count3A_387 {offsets = [0], sizes = [1], strides = [1]} : vector<16xi32> to vector<1xi32>
      %squeeze3A_389 = vector.extract %slice3A_388[0] : i32 from vector<1xi32>
      %add3A_390 = arith.addi %add3A_342, %squeeze3A_389 : i32
      scf.yield %add3A_390 : i32
    }
    %scan3A_12 = arith.constant 256 : i32
    %broadcast_in_dim3A_13 = vector.broadcast %scan3A_11 : i32 to vector<16xi32>
    %swap3A_14 = arith.constant 0 : index
    %swap3A_15 = tpu.vector_load %arg21[%swap3A_14] {strides = array<i32>} : memref<16xi32, #tpu.memory_space<vmem>>, vector<16xi32>,
    tpu.vector_store %arg21[%swap3A_14], %broadcast_in_dim3A_13 {strides = array<i32>} : memref<16xi32, #tpu.memory_space<vmem>>, vector<16xi32>,
    "tpu.region"() ({
      %run_scoped3A = tpu.sem_alloc : memref<!tpu.dma_semaphore, #tpu.memory_space<semaphore_mem>>
      %dma_start3A = arith.constant 0 : i32
      %dma_start3A_18 = arith.constant 0 : i32
      %dma_start3A_19 = tpu.memref_slice %arg4[%add3A, %dma_start3A, %dma_start3A_18] : memref<32x32x512xi32, #tpu.memory_space<hbm>> -> memref<1x32x512xi32, #tpu.memory_space<hbm>>
      %dma_start3A_20 = tpu.memref_squeeze %dma_start3A_19 : memref<1x32x512xi32, #tpu.memory_space<hbm>> -> memref<32x512xi32, #tpu.memory_space<hbm>>
      %dma_start3A_21 = arith.constant 0 : i32
      %dma_start3A_22 = arith.constant 0 : i32
      %dma_start3A_23 = tpu.memref_slice %arg4[%add3A, %dma_start3A_21, %dma_start3A_22] : memref<32x32x512xi32, #tpu.memory_space<hbm>> -> memref<1x32x512xi32, #tpu.memory_space<hbm>>
      %dma_start3A_24 = tpu.memref_squeeze %dma_start3A_23 : memref<1x32x512xi32, #tpu.memory_space<hbm>> -> memref<32x512xi32, #tpu.memory_space<hbm>>
      tpu.enqueue_dma source(%arg14 : memref<32x512xi32, #tpu.memory_space<vmem>>) target(%dma_start3A_24 : memref<32x512xi32, #tpu.memory_space<hbm>>) target_semaphore(%run_scoped3A : memref<!tpu.dma_semaphore, #tpu.memory_space<semaphore_mem>>)
      %dma_wait3A = arith.constant 0 : i32
      %dma_wait3A_25 = arith.constant 0 : i32
      %dma_wait3A_26 = tpu.memref_slice %arg4[%add3A, %dma_wait3A, %dma_wait3A_25] : memref<32x32x512xi32, #tpu.memory_space<hbm>> -> memref<1x32x512xi32, #tpu.memory_space<hbm>>
      %dma_wait3A_27 = tpu.memref_squeeze %dma_wait3A_26 : memref<1x32x512xi32, #tpu.memory_space<hbm>> -> memref<32x512xi32, #tpu.memory_space<hbm>>
      %dma_wait3A_28 = arith.constant 0 : i32
      %dma_wait3A_29 = arith.constant 0 : i32
      %dma_wait3A_30 = tpu.memref_slice %arg4[%add3A, %dma_wait3A_28, %dma_wait3A_29] : memref<32x32x512xi32, #tpu.memory_space<hbm>> -> memref<1x32x512xi32, #tpu.memory_space<hbm>>
      %dma_wait3A_31 = tpu.memref_squeeze %dma_wait3A_30 : memref<1x32x512xi32, #tpu.memory_space<hbm>> -> memref<32x512xi32, #tpu.memory_space<hbm>>
      tpu.wait_dma2 semaphore(%run_scoped3A : memref<!tpu.dma_semaphore, #tpu.memory_space<semaphore_mem>>) src(%arg14 : memref<32x512xi32, #tpu.memory_space<vmem>>) dst(%dma_wait3A_31 : memref<32x512xi32, #tpu.memory_space<hbm>>)
      tpu.yield
    }) : () -> ()
    "tpu.region"() ({
      %run_scoped3A = tpu.sem_alloc : memref<!tpu.dma_semaphore, #tpu.memory_space<semaphore_mem>>
      %dma_start3A = arith.constant 0 : i32
      %dma_start3A_18 = arith.constant 0 : i32
      %dma_start3A_19 = tpu.memref_slice %arg5[%add3A, %dma_start3A, %dma_start3A_18] : memref<32x32x512xf32, #tpu.memory_space<hbm>> -> memref<1x32x512xf32, #tpu.memory_space<hbm>>
      %dma_start3A_20 = tpu.memref_squeeze %dma_start3A_19 : memref<1x32x512xf32, #tpu.memory_space<hbm>> -> memref<32x512xf32, #tpu.memory_space<hbm>>
      %dma_start3A_21 = arith.constant 0 : i32
      %dma_start3A_22 = arith.constant 0 : i32
      %dma_start3A_23 = tpu.memref_slice %arg5[%add3A, %dma_start3A_21, %dma_start3A_22] : memref<32x32x512xf32, #tpu.memory_space<hbm>> -> memref<1x32x512xf32, #tpu.memory_space<hbm>>
      %dma_start3A_24 = tpu.memref_squeeze %dma_start3A_23 : memref<1x32x512xf32, #tpu.memory_space<hbm>> -> memref<32x512xf32, #tpu.memory_space<hbm>>
      tpu.enqueue_dma source(%arg15 : memref<32x512xf32, #tpu.memory_space<vmem>>) target(%dma_start3A_24 : memref<32x512xf32, #tpu.memory_space<hbm>>) target_semaphore(%run_scoped3A : memref<!tpu.dma_semaphore, #tpu.memory_space<semaphore_mem>>)
      %dma_wait3A = arith.constant 0 : i32
      %dma_wait3A_25 = arith.constant 0 : i32
      %dma_wait3A_26 = tpu.memref_slice %arg5[%add3A, %dma_wait3A, %dma_wait3A_25] : memref<32x32x512xf32, #tpu.memory_space<hbm>> -> memref<1x32x512xf32, #tpu.memory_space<hbm>>
      %dma_wait3A_27 = tpu.memref_squeeze %dma_wait3A_26 : memref<1x32x512xf32, #tpu.memory_space<hbm>> -> memref<32x512xf32, #tpu.memory_space<hbm>>
      %dma_wait3A_28 = arith.constant 0 : i32
      %dma_wait3A_29 = arith.constant 0 : i32
      %dma_wait3A_30 = tpu.memref_slice %arg5[%add3A, %dma_wait3A_28, %dma_wait3A_29] : memref<32x32x512xf32, #tpu.memory_space<hbm>> -> memref<1x32x512xf32, #tpu.memory_space<hbm>>
      %dma_wait3A_31 = tpu.memref_squeeze %dma_wait3A_30 : memref<1x32x512xf32, #tpu.memory_space<hbm>> -> memref<32x512xf32, #tpu.memory_space<hbm>>
      tpu.wait_dma2 semaphore(%run_scoped3A : memref<!tpu.dma_semaphore, #tpu.memory_space<semaphore_mem>>) src(%arg15 : memref<32x512xf32, #tpu.memory_space<vmem>>) dst(%dma_wait3A_31 : memref<32x512xf32, #tpu.memory_space<hbm>>)
      tpu.yield
    }) : () -> ()
    "tpu.region"() ({
      %run_scoped3A = tpu.sem_alloc : memref<!tpu.dma_semaphore, #tpu.memory_space<semaphore_mem>>
      %dma_start3A = arith.constant 0 : i32
      %dma_start3A_18 = arith.constant 0 : i32
      %dma_start3A_19 = tpu.memref_slice %arg6[%add3A, %dma_start3A, %dma_start3A_18] : memref<32x32x512xi32, #tpu.memory_space<hbm>> -> memref<1x32x512xi32, #tpu.memory_space<hbm>>
      %dma_start3A_20 = tpu.memref_squeeze %dma_start3A_19 : memref<1x32x512xi32, #tpu.memory_space<hbm>> -> memref<32x512xi32, #tpu.memory_space<hbm>>
      %dma_start3A_21 = arith.constant 0 : i32
      %dma_start3A_22 = arith.constant 0 : i32
      %dma_start3A_23 = tpu.memref_slice %arg6[%add3A, %dma_start3A_21, %dma_start3A_22] : memref<32x32x512xi32, #tpu.memory_space<hbm>> -> memref<1x32x512xi32, #tpu.memory_space<hbm>>
      %dma_start3A_24 = tpu.memref_squeeze %dma_start3A_23 : memref<1x32x512xi32, #tpu.memory_space<hbm>> -> memref<32x512xi32, #tpu.memory_space<hbm>>
      tpu.enqueue_dma source(%arg16 : memref<32x512xi32, #tpu.memory_space<vmem>>) target(%dma_start3A_24 : memref<32x512xi32, #tpu.memory_space<hbm>>) target_semaphore(%run_scoped3A : memref<!tpu.dma_semaphore, #tpu.memory_space<semaphore_mem>>)
      %dma_wait3A = arith.constant 0 : i32
      %dma_wait3A_25 = arith.constant 0 : i32
      %dma_wait3A_26 = tpu.memref_slice %arg6[%add3A, %dma_wait3A, %dma_wait3A_25] : memref<32x32x512xi32, #tpu.memory_space<hbm>> -> memref<1x32x512xi32, #tpu.memory_space<hbm>>
      %dma_wait3A_27 = tpu.memref_squeeze %dma_wait3A_26 : memref<1x32x512xi32, #tpu.memory_space<hbm>> -> memref<32x512xi32, #tpu.memory_space<hbm>>
      %dma_wait3A_28 = arith.constant 0 : i32
      %dma_wait3A_29 = arith.constant 0 : i32
      %dma_wait3A_30 = tpu.memref_slice %arg6[%add3A, %dma_wait3A_28, %dma_wait3A_29] : memref<32x32x512xi32, #tpu.memory_space<hbm>> -> memref<1x32x512xi32, #tpu.memory_space<hbm>>
      %dma_wait3A_31 = tpu.memref_squeeze %dma_wait3A_30 : memref<1x32x512xi32, #tpu.memory_space<hbm>> -> memref<32x512xi32, #tpu.memory_space<hbm>>
      tpu.wait_dma2 semaphore(%run_scoped3A : memref<!tpu.dma_semaphore, #tpu.memory_space<semaphore_mem>>) src(%arg16 : memref<32x512xi32, #tpu.memory_space<vmem>>) dst(%dma_wait3A_31 : memref<32x512xi32, #tpu.memory_space<hbm>>)
      tpu.yield
    }) : () -> ()
    "tpu.region"() ({
      %run_scoped3A = tpu.sem_alloc : memref<!tpu.dma_semaphore, #tpu.memory_space<semaphore_mem>>
      %dma_start3A = arith.constant 0 : i32
      %dma_start3A_18 = tpu.memref_slice %arg7[%add3A, %dma_start3A] : memref<32x32xi32, #tpu.memory_space<hbm>> -> memref<1x32xi32, #tpu.memory_space<hbm>>
      %dma_start3A_19 = tpu.memref_squeeze %dma_start3A_18 : memref<1x32xi32, #tpu.memory_space<hbm>> -> memref<32xi32, #tpu.memory_space<hbm>>
      %dma_start3A_20 = arith.constant 0 : i32
      %dma_start3A_21 = tpu.memref_slice %arg7[%add3A, %dma_start3A_20] : memref<32x32xi32, #tpu.memory_space<hbm>> -> memref<1x32xi32, #tpu.memory_space<hbm>>
      %dma_start3A_22 = tpu.memref_squeeze %dma_start3A_21 : memref<1x32xi32, #tpu.memory_space<hbm>> -> memref<32xi32, #tpu.memory_space<hbm>>
      tpu.enqueue_dma source(%arg17 : memref<32xi32, #tpu.memory_space<vmem>>) target(%dma_start3A_22 : memref<32xi32, #tpu.memory_space<hbm>>) target_semaphore(%run_scoped3A : memref<!tpu.dma_semaphore, #tpu.memory_space<semaphore_mem>>)
      %dma_wait3A = arith.constant 0 : i32
      %dma_wait3A_23 = tpu.memref_slice %arg7[%add3A, %dma_wait3A] : memref<32x32xi32, #tpu.memory_space<hbm>> -> memref<1x32xi32, #tpu.memory_space<hbm>>
      %dma_wait3A_24 = tpu.memref_squeeze %dma_wait3A_23 : memref<1x32xi32, #tpu.memory_space<hbm>> -> memref<32xi32, #tpu.memory_space<hbm>>
      %dma_wait3A_25 = arith.constant 0 : i32
      %dma_wait3A_26 = tpu.memref_slice %arg7[%add3A, %dma_wait3A_25] : memref<32x32xi32, #tpu.memory_space<hbm>> -> memref<1x32xi32, #tpu.memory_space<hbm>>
      %dma_wait3A_27 = tpu.memref_squeeze %dma_wait3A_26 : memref<1x32xi32, #tpu.memory_space<hbm>> -> memref<32xi32, #tpu.memory_space<hbm>>
      tpu.wait_dma2 semaphore(%run_scoped3A : memref<!tpu.dma_semaphore, #tpu.memory_space<semaphore_mem>>) src(%arg17 : memref<32xi32, #tpu.memory_space<vmem>>) dst(%dma_wait3A_27 : memref<32xi32, #tpu.memory_space<hbm>>)
      tpu.yield
    }) : () -> ()
    "tpu.region"() ({
      %run_scoped3A = tpu.sem_alloc : memref<!tpu.dma_semaphore, #tpu.memory_space<semaphore_mem>>
      %dma_start3A = arith.constant 0 : i32
      %dma_start3A_18 = tpu.memref_slice %arg11[%add3A, %dma_start3A] : memref<32x16xi32, #tpu.memory_space<hbm>> -> memref<1x16xi32, #tpu.memory_space<hbm>>
      %dma_start3A_19 = tpu.memref_squeeze %dma_start3A_18 : memref<1x16xi32, #tpu.memory_space<hbm>> -> memref<16xi32, #tpu.memory_space<hbm>>
      %dma_start3A_20 = arith.constant 0 : i32
      %dma_start3A_21 = tpu.memref_slice %arg11[%add3A, %dma_start3A_20] : memref<32x16xi32, #tpu.memory_space<hbm>> -> memref<1x16xi32, #tpu.memory_space<hbm>>
      %dma_start3A_22 = tpu.memref_squeeze %dma_start3A_21 : memref<1x16xi32, #tpu.memory_space<hbm>> -> memref<16xi32, #tpu.memory_space<hbm>>
      tpu.enqueue_dma source(%arg21 : memref<16xi32, #tpu.memory_space<vmem>>) target(%dma_start3A_22 : memref<16xi32, #tpu.memory_space<hbm>>) target_semaphore(%run_scoped3A : memref<!tpu.dma_semaphore, #tpu.memory_space<semaphore_mem>>)
      %dma_wait3A = arith.constant 0 : i32
      %dma_wait3A_23 = tpu.memref_slice %arg11[%add3A, %dma_wait3A] : memref<32x16xi32, #tpu.memory_space<hbm>> -> memref<1x16xi32, #tpu.memory_space<hbm>>
      %dma_wait3A_24 = tpu.memref_squeeze %dma_wait3A_23 : memref<1x16xi32, #tpu.memory_space<hbm>> -> memref<16xi32, #tpu.memory_space<hbm>>
      %dma_wait3A_25 = arith.constant 0 : i32
      %dma_wait3A_26 = tpu.memref_slice %arg11[%add3A, %dma_wait3A_25] : memref<32x16xi32, #tpu.memory_space<hbm>> -> memref<1x16xi32, #tpu.memory_space<hbm>>
      %dma_wait3A_27 = tpu.memref_squeeze %dma_wait3A_26 : memref<1x16xi32, #tpu.memory_space<hbm>> -> memref<16xi32, #tpu.memory_space<hbm>>
      tpu.wait_dma2 semaphore(%run_scoped3A : memref<!tpu.dma_semaphore, #tpu.memory_space<semaphore_mem>>) src(%arg21 : memref<16xi32, #tpu.memory_space<vmem>>) dst(%dma_wait3A_27 : memref<16xi32, #tpu.memory_space<hbm>>)
      tpu.yield
    }) : () -> ()
    %gt3A = arith.constant 0 : i32
    %gt3A_16 = arith.cmpi sgt, %scan3A_11, %gt3A : i32
    %convert_element_type3A = arith.extui %gt3A_16 : i1 to i32
    %cond3A = arith.constant 0 : i32
    %cond3A_17 = arith.cmpi ne, %convert_element_type3A, %cond3A : i32
    scf.if %cond3A_17 {
      "tpu.region"() ({
        %run_scoped3A = tpu.sem_alloc : memref<!tpu.dma_semaphore, #tpu.memory_space<semaphore_mem>>
        %dma_start3A = arith.constant 0 : i32
        %dma_start3A_18 = tpu.memref_slice %arg8[%add3A, %dma_start3A] : memref<32x4096xi32, #tpu.memory_space<hbm>> -> memref<1x4096xi32, #tpu.memory_space<hbm>>
        %dma_start3A_19 = tpu.memref_squeeze %dma_start3A_18 : memref<1x4096xi32, #tpu.memory_space<hbm>> -> memref<4096xi32, #tpu.memory_space<hbm>>
        %dma_start3A_20 = arith.constant 0 : i32
        %dma_start3A_21 = tpu.memref_slice %arg8[%add3A, %dma_start3A_20] : memref<32x4096xi32, #tpu.memory_space<hbm>> -> memref<1x4096xi32, #tpu.memory_space<hbm>>
        %dma_start3A_22 = tpu.memref_squeeze %dma_start3A_21 : memref<1x4096xi32, #tpu.memory_space<hbm>> -> memref<4096xi32, #tpu.memory_space<hbm>>
        tpu.enqueue_dma source(%arg18 : memref<4096xi32, #tpu.memory_space<vmem>>) target(%dma_start3A_22 : memref<4096xi32, #tpu.memory_space<hbm>>) target_semaphore(%run_scoped3A : memref<!tpu.dma_semaphore, #tpu.memory_space<semaphore_mem>>)
        %dma_wait3A = arith.constant 0 : i32
        %dma_wait3A_23 = tpu.memref_slice %arg8[%add3A, %dma_wait3A] : memref<32x4096xi32, #tpu.memory_space<hbm>> -> memref<1x4096xi32, #tpu.memory_space<hbm>>
        %dma_wait3A_24 = tpu.memref_squeeze %dma_wait3A_23 : memref<1x4096xi32, #tpu.memory_space<hbm>> -> memref<4096xi32, #tpu.memory_space<hbm>>
        %dma_wait3A_25 = arith.constant 0 : i32
        %dma_wait3A_26 = tpu.memref_slice %arg8[%add3A, %dma_wait3A_25] : memref<32x4096xi32, #tpu.memory_space<hbm>> -> memref<1x4096xi32, #tpu.memory_space<hbm>>
        %dma_wait3A_27 = tpu.memref_squeeze %dma_wait3A_26 : memref<1x4096xi32, #tpu.memory_space<hbm>> -> memref<4096xi32, #tpu.memory_space<hbm>>
        tpu.wait_dma2 semaphore(%run_scoped3A : memref<!tpu.dma_semaphore, #tpu.memory_space<semaphore_mem>>) src(%arg18 : memref<4096xi32, #tpu.memory_space<vmem>>) dst(%dma_wait3A_27 : memref<4096xi32, #tpu.memory_space<hbm>>)
        tpu.yield
      }) : () -> ()
      "tpu.region"() ({
        %run_scoped3A = tpu.sem_alloc : memref<!tpu.dma_semaphore, #tpu.memory_space<semaphore_mem>>
        %dma_start3A = arith.constant 0 : i32
        %dma_start3A_18 = tpu.memref_slice %arg9[%add3A, %dma_start3A] : memref<32x4096xf32, #tpu.memory_space<hbm>> -> memref<1x4096xf32, #tpu.memory_space<hbm>>
        %dma_start3A_19 = tpu.memref_squeeze %dma_start3A_18 : memref<1x4096xf32, #tpu.memory_space<hbm>> -> memref<4096xf32, #tpu.memory_space<hbm>>
        %dma_start3A_20 = arith.constant 0 : i32
        %dma_start3A_21 = tpu.memref_slice %arg9[%add3A, %dma_start3A_20] : memref<32x4096xf32, #tpu.memory_space<hbm>> -> memref<1x4096xf32, #tpu.memory_space<hbm>>
        %dma_start3A_22 = tpu.memref_squeeze %dma_start3A_21 : memref<1x4096xf32, #tpu.memory_space<hbm>> -> memref<4096xf32, #tpu.memory_space<hbm>>
        tpu.enqueue_dma source(%arg19 : memref<4096xf32, #tpu.memory_space<vmem>>) target(%dma_start3A_22 : memref<4096xf32, #tpu.memory_space<hbm>>) target_semaphore(%run_scoped3A : memref<!tpu.dma_semaphore, #tpu.memory_space<semaphore_mem>>)
        %dma_wait3A = arith.constant 0 : i32
        %dma_wait3A_23 = tpu.memref_slice %arg9[%add3A, %dma_wait3A] : memref<32x4096xf32, #tpu.memory_space<hbm>> -> memref<1x4096xf32, #tpu.memory_space<hbm>>
        %dma_wait3A_24 = tpu.memref_squeeze %dma_wait3A_23 : memref<1x4096xf32, #tpu.memory_space<hbm>> -> memref<4096xf32, #tpu.memory_space<hbm>>
        %dma_wait3A_25 = arith.constant 0 : i32
        %dma_wait3A_26 = tpu.memref_slice %arg9[%add3A, %dma_wait3A_25] : memref<32x4096xf32, #tpu.memory_space<hbm>> -> memref<1x4096xf32, #tpu.memory_space<hbm>>
        %dma_wait3A_27 = tpu.memref_squeeze %dma_wait3A_26 : memref<1x4096xf32, #tpu.memory_space<hbm>> -> memref<4096xf32, #tpu.memory_space<hbm>>
        tpu.wait_dma2 semaphore(%run_scoped3A : memref<!tpu.dma_semaphore, #tpu.memory_space<semaphore_mem>>) src(%arg19 : memref<4096xf32, #tpu.memory_space<vmem>>) dst(%dma_wait3A_27 : memref<4096xf32, #tpu.memory_space<hbm>>)
        tpu.yield
      }) : () -> ()
      "tpu.region"() ({
        %run_scoped3A = tpu.sem_alloc : memref<!tpu.dma_semaphore, #tpu.memory_space<semaphore_mem>>
        %dma_start3A = arith.constant 0 : i32
        %dma_start3A_18 = tpu.memref_slice %arg10[%add3A, %dma_start3A] : memref<32x4096xi32, #tpu.memory_space<hbm>> -> memref<1x4096xi32, #tpu.memory_space<hbm>>
        %dma_start3A_19 = tpu.memref_squeeze %dma_start3A_18 : memref<1x4096xi32, #tpu.memory_space<hbm>> -> memref<4096xi32, #tpu.memory_space<hbm>>
        %dma_start3A_20 = arith.constant 0 : i32
        %dma_start3A_21 = tpu.memref_slice %arg10[%add3A, %dma_start3A_20] : memref<32x4096xi32, #tpu.memory_space<hbm>> -> memref<1x4096xi32, #tpu.memory_space<hbm>>
        %dma_start3A_22 = tpu.memref_squeeze %dma_start3A_21 : memref<1x4096xi32, #tpu.memory_space<hbm>> -> memref<4096xi32, #tpu.memory_space<hbm>>
        tpu.enqueue_dma source(%arg20 : memref<4096xi32, #tpu.memory_space<vmem>>) target(%dma_start3A_22 : memref<4096xi32, #tpu.memory_space<hbm>>) target_semaphore(%run_scoped3A : memref<!tpu.dma_semaphore, #tpu.memory_space<semaphore_mem>>)
        %dma_wait3A = arith.constant 0 : i32
        %dma_wait3A_23 = tpu.memref_slice %arg10[%add3A, %dma_wait3A] : memref<32x4096xi32, #tpu.memory_space<hbm>> -> memref<1x4096xi32, #tpu.memory_space<hbm>>
        %dma_wait3A_24 = tpu.memref_squeeze %dma_wait3A_23 : memref<1x4096xi32, #tpu.memory_space<hbm>> -> memref<4096xi32, #tpu.memory_space<hbm>>
        %dma_wait3A_25 = arith.constant 0 : i32
        %dma_wait3A_26 = tpu.memref_slice %arg10[%add3A, %dma_wait3A_25] : memref<32x4096xi32, #tpu.memory_space<hbm>> -> memref<1x4096xi32, #tpu.memory_space<hbm>>
        %dma_wait3A_27 = tpu.memref_squeeze %dma_wait3A_26 : memref<1x4096xi32, #tpu.memory_space<hbm>> -> memref<4096xi32, #tpu.memory_space<hbm>>
        tpu.wait_dma2 semaphore(%run_scoped3A : memref<!tpu.dma_semaphore, #tpu.memory_space<semaphore_mem>>) src(%arg20 : memref<4096xi32, #tpu.memory_space<vmem>>) dst(%dma_wait3A_27 : memref<4096xi32, #tpu.memory_space<hbm>>)
        tpu.yield
      }) : () -> ()
    } else {
    }
    return
  }
}

module attributes {stable_mosaic.version = 14 : i64} {
  func.func @_tc_project(%arg0: memref<1024x128xf32, #tpu.memory_space<vmem>>, %arg1: memref<1024x128xf32, #tpu.memory_space<vmem>>, %arg2: memref<1024x128xf32, #tpu.memory_space<vmem>>, %arg3: memref<1024x128xi32, #tpu.memory_space<vmem>>, %arg4: memref<1024x128xi32, #tpu.memory_space<vmem>>, %arg5: memref<1024x128xi32, #tpu.memory_space<vmem>>, %arg6: memref<1024x128xf32, #tpu.memory_space<vmem>>, %arg7: memref<1024x128xi32, #tpu.memory_space<vmem>>) attributes {dimension_semantics = [], scalar_prefetch = 0 : i64, scratch_operands = 0 : i64, tpu.core_type = #tpu.core_type<tc>} {
    %get3A = arith.constant 0 : index
    %get3A_0 = arith.constant 0 : index
    %get3A_1 = vector.load %arg0[%get3A, %get3A_0] : memref<1024x128xf32, #tpu.memory_space<vmem>>, vector<1024x128xf32>
    %get3A_2 = arith.constant 0 : index
    %get3A_3 = arith.constant 0 : index
    %get3A_4 = vector.load %arg1[%get3A_2, %get3A_3] : memref<1024x128xf32, #tpu.memory_space<vmem>>, vector<1024x128xf32>
    %get3A_5 = arith.constant 0 : index
    %get3A_6 = arith.constant 0 : index
    %get3A_7 = vector.load %arg2[%get3A_5, %get3A_6] : memref<1024x128xf32, #tpu.memory_space<vmem>>, vector<1024x128xf32>
    %mul3A = arith.mulf %get3A_1, %get3A_1 : vector<1024x128xf32>
    %mul3A_8 = arith.mulf %get3A_4, %get3A_4 : vector<1024x128xf32>
    %add3A = arith.addf %mul3A, %mul3A_8 : vector<1024x128xf32>
    %mul3A_9 = arith.mulf %get3A_7, %get3A_7 : vector<1024x128xf32>
    %add3A_10 = arith.addf %add3A, %mul3A_9 : vector<1024x128xf32>
    %sqrt3A = math.sqrt %add3A_10 : vector<1024x128xf32>
    %atan23A = math.atan2 %get3A_4, %get3A_1 : vector<1024x128xf32>
    %neg3A = arith.constant 0.000000e+00 : f32
    %neg3A_11 = vector.broadcast %neg3A : f32 to vector<1024x128xf32>
    %neg3A_12 = arith.subf %neg3A_11, %atan23A : vector<1024x128xf32>
    %max3A = arith.constant 9.99999993E-9 : f32
    %max3A_13 = vector.broadcast %max3A : f32 to vector<1024x128xf32>
    %max3A_14 = arith.maximumf %sqrt3A, %max3A_13 : vector<1024x128xf32>
    %div3A = arith.divf %get3A_7, %max3A_14 : vector<1024x128xf32>
    %jit3A = arith.constant -1.000000e+00 : f32
    %jit3A_15 = arith.constant 1.000000e+00 : f32
    %max3A_16 = vector.broadcast %jit3A : f32 to vector<1024x128xf32>
    %max3A_17 = arith.maximumf %max3A_16, %div3A : vector<1024x128xf32>
    %min3A = vector.broadcast %jit3A_15 : f32 to vector<1024x128xf32>
    %min3A_18 = arith.minimumf %min3A, %max3A_17 : vector<1024x128xf32>
    %mul3A_19 = arith.mulf %min3A_18, %min3A_18 : vector<1024x128xf32>
    %sub3A = arith.constant 1.000000e+00 : f32
    %sub3A_20 = vector.broadcast %sub3A : f32 to vector<1024x128xf32>
    %sub3A_21 = arith.subf %sub3A_20, %mul3A_19 : vector<1024x128xf32>
    %max3A_22 = arith.constant 0.000000e+00 : f32
    %max3A_23 = vector.broadcast %max3A_22 : f32 to vector<1024x128xf32>
    %max3A_24 = arith.maximumf %sub3A_21, %max3A_23 : vector<1024x128xf32>
    %sqrt3A_25 = math.sqrt %max3A_24 : vector<1024x128xf32>
    %add3A_26 = arith.constant 1.000000e+00 : f32
    %add3A_27 = vector.broadcast %add3A_26 : f32 to vector<1024x128xf32>
    %add3A_28 = arith.addf %add3A_27, %sqrt3A_25 : vector<1024x128xf32>
    %atan23A_29 = math.atan2 %min3A_18, %add3A_28 : vector<1024x128xf32>
    %mul3A_30 = arith.constant 2.000000e+00 : f32
    %mul3A_31 = vector.broadcast %mul3A_30 : f32 to vector<1024x128xf32>
    %mul3A_32 = arith.mulf %mul3A_31, %atan23A_29 : vector<1024x128xf32>
    %div3A_33 = arith.constant 3.14159274 : f32
    %div3A_34 = vector.broadcast %div3A_33 : f32 to vector<1024x128xf32>
    %div3A_35 = arith.divf %neg3A_12, %div3A_34 : vector<1024x128xf32>
    %add3A_36 = arith.constant 1.000000e+00 : f32
    %add3A_37 = vector.broadcast %add3A_36 : f32 to vector<1024x128xf32>
    %add3A_38 = arith.addf %div3A_35, %add3A_37 : vector<1024x128xf32>
    %mul3A_39 = arith.constant 5.000000e-01 : f32
    %mul3A_40 = vector.broadcast %mul3A_39 : f32 to vector<1024x128xf32>
    %mul3A_41 = arith.mulf %mul3A_40, %add3A_38 : vector<1024x128xf32>
    %mul3A_42 = arith.constant 2.048000e+03 : f32
    %mul3A_43 = vector.broadcast %mul3A_42 : f32 to vector<1024x128xf32>
    %mul3A_44 = arith.mulf %mul3A_41, %mul3A_43 : vector<1024x128xf32>
    %add3A_45 = arith.constant 0.436332315 : f32
    %add3A_46 = vector.broadcast %add3A_45 : f32 to vector<1024x128xf32>
    %add3A_47 = arith.addf %mul3A_32, %add3A_46 : vector<1024x128xf32>
    %div3A_48 = arith.constant 0.488692194 : f32
    %div3A_49 = vector.broadcast %div3A_48 : f32 to vector<1024x128xf32>
    %div3A_50 = arith.divf %add3A_47, %div3A_49 : vector<1024x128xf32>
    %sub3A_51 = arith.constant 1.000000e+00 : f32
    %sub3A_52 = vector.broadcast %sub3A_51 : f32 to vector<1024x128xf32>
    %sub3A_53 = arith.subf %sub3A_52, %div3A_50 : vector<1024x128xf32>
    %mul3A_54 = arith.constant 6.400000e+01 : f32
    %mul3A_55 = vector.broadcast %mul3A_54 : f32 to vector<1024x128xf32>
    %mul3A_56 = arith.mulf %sub3A_53, %mul3A_55 : vector<1024x128xf32>
    %floor3A = math.floor %mul3A_44 : vector<1024x128xf32>
    %jit3A_57 = arith.constant 0 : i32
    %jit3A_58 = arith.constant 2047 : i32
    %convert_element_type3A = arith.sitofp %jit3A_57 : i32 to f32
    %max3A_59 = vector.broadcast %convert_element_type3A : f32 to vector<1024x128xf32>
    %max3A_60 = arith.maximumf %max3A_59, %floor3A : vector<1024x128xf32>
    %convert_element_type3A_61 = arith.sitofp %jit3A_58 : i32 to f32
    %min3A_62 = vector.broadcast %convert_element_type3A_61 : f32 to vector<1024x128xf32>
    %min3A_63 = arith.minimumf %min3A_62, %max3A_60 : vector<1024x128xf32>
    %convert_element_type3A_64 = arith.fptosi %min3A_63 : vector<1024x128xf32> to vector<1024x128xi32>
    %floor3A_65 = math.floor %mul3A_56 : vector<1024x128xf32>
    %jit3A_66 = arith.constant 0 : i32
    %jit3A_67 = arith.constant 63 : i32
    %convert_element_type3A_68 = arith.sitofp %jit3A_66 : i32 to f32
    %max3A_69 = vector.broadcast %convert_element_type3A_68 : f32 to vector<1024x128xf32>
    %max3A_70 = arith.maximumf %max3A_69, %floor3A_65 : vector<1024x128xf32>
    %convert_element_type3A_71 = arith.sitofp %jit3A_67 : i32 to f32
    %min3A_72 = vector.broadcast %convert_element_type3A_71 : f32 to vector<1024x128xf32>
    %min3A_73 = arith.minimumf %min3A_72, %max3A_70 : vector<1024x128xf32>
    %convert_element_type3A_74 = arith.fptosi %min3A_73 : vector<1024x128xf32> to vector<1024x128xi32>
    %mul3A_75 = arith.constant 2048 : i32
    %mul3A_76 = vector.broadcast %mul3A_75 : i32 to vector<1024x128xi32>
    %mul3A_77 = arith.muli %convert_element_type3A_74, %mul3A_76 : vector<1024x128xi32>
    %add3A_78 = arith.addi %mul3A_77, %convert_element_type3A_64 : vector<1024x128xi32>
    %swap3A = arith.constant 0 : index
    %swap3A_79 = arith.constant 0 : index
    %swap3A_80 = vector.load %arg5[%swap3A, %swap3A_79] : memref<1024x128xi32, #tpu.memory_space<vmem>>, vector<1024x128xi32>
    tpu.vector_store %arg5[%swap3A, %swap3A_79], %add3A_78 {strides = array<i32>} : memref<1024x128xi32, #tpu.memory_space<vmem>>, vector<1024x128xi32>,
    %swap3A_81 = arith.constant 0 : index
    %swap3A_82 = arith.constant 0 : index
    %swap3A_83 = vector.load %arg6[%swap3A_81, %swap3A_82] : memref<1024x128xf32, #tpu.memory_space<vmem>>, vector<1024x128xf32>
    tpu.vector_store %arg6[%swap3A_81, %swap3A_82], %sqrt3A {strides = array<i32>} : memref<1024x128xf32, #tpu.memory_space<vmem>>, vector<1024x128xf32>,
    %get3A_84 = arith.constant 0 : index
    %get3A_85 = arith.constant 0 : index
    %get3A_86 = vector.load %arg3[%get3A_84, %get3A_85] : memref<1024x128xi32, #tpu.memory_space<vmem>>, vector<1024x128xi32>
    %get3A_87 = arith.constant 0 : index
    %get3A_88 = arith.constant 0 : index
    %get3A_89 = vector.load %arg4[%get3A_87, %get3A_88] : memref<1024x128xi32, #tpu.memory_space<vmem>>, vector<1024x128xi32>
    %mul3A_90 = arith.constant 32 : i32
    %mul3A_91 = vector.broadcast %mul3A_90 : i32 to vector<1024x128xi32>
    %mul3A_92 = arith.muli %mul3A_91, %get3A_89 : vector<1024x128xi32>
    %add3A_93 = arith.addi %get3A_86, %mul3A_92 : vector<1024x128xi32>
    %swap3A_94 = arith.constant 0 : index
    %swap3A_95 = arith.constant 0 : index
    %swap3A_96 = vector.load %arg7[%swap3A_94, %swap3A_95] : memref<1024x128xi32, #tpu.memory_space<vmem>>, vector<1024x128xi32>
    tpu.vector_store %arg7[%swap3A_94, %swap3A_95], %add3A_93 {strides = array<i32>} : memref<1024x128xi32, #tpu.memory_space<vmem>>, vector<1024x128xi32>,
    return
  }
}

</mosaic_0001>

<sc_bundles>
// kernel: kernel.5.cloned.1.call-start
scs
__scs_entry_jumppad:
0x0: {  	(pc) =	sbr.rel $0x88, $3  }
0x1: {  	(tag) =	ssettag $0x0;
	lr =	simm.s32 $0x1  }
0x2: {  	[smem:$0x3F9E] =	sst lr;
	_ =	strace $0xD0000000  }
0x3: {  	_ = 	snop  }
0x4: {  	_ = 	snop  }
0x5: {  	_ = 	snop  }
0x6: {  	_ = 	snop  }
0x7: {  	_ = 	snop  }
__scs_overlays_trampoline_lowered:
0x8: {  	[smem:$0x3FAD] =	sst s0  }
0x9: {  	[smem:$0x3FAE] =	sst s1  }
0xa: {  	[smem:$0x3FAF] =	sst s2  }
0xb: {  	[smem:$0x3FB0] =	sst s3  }
0xc: {  	[smem:$0x3FB1] =	sst s4  }
0xd: {  	[smem:$0x3FB2] =	sst s5  }
0xe: {  	[smem:$0x3FB3] =	sst s6  }
0xf: {  	[smem:$0x3FB4] =	sst s7  }
0x10: {  	[smem:$0x3FB5] =	sst s8  }
0x11: {  	[smem:$0x3FB6] =	sst s9;
	s0 =	simm.s32 @!p0 $0x0  }
0x12: {  	s1 =	sld [smem:$0x3F9C];
	s0 =	simm.s32 @p0 $0x1  }
0x13: {  	[smem:$0x3FB7] =	sst s0;
	s0 =	simm.s32 @!p1 $0x0  }
0x14: {  	s2 =	sld [smem:$0x3F9B];
	s0 =	simm.s32 @p1 $0x1  }
0x15: {  	[smem:$0x3FB8] =	sst s0;
	s0 =	simm.s32 @!p2 $0x0  }
0x16: {  	s3 =	sld [smem:$0x3FDB];
	s0 =	simm.s32 @p2 $0x1  }
0x17: {  	s4 =	simm.s32 $0x1BF5;
	[smem:$0x3FBA] =	sst s0  }
0x18: {  	s0 =	sld [smem:$0x3F9D];
	_ =	swait.ge [sflag:s4], $0x0  }
0x19: {  	s7 =	sld [smem:$0x3F9E]  }
0x1a: {  	s8 =	sadd.s32 $0xFFFFE003, lr  }
0x1b: {  	s9 =	sadd.s32 $0xFFFFFEF7, lr;
	s5 =	simm.s32 $0xFFFFFFFF;
	p2 =	slt.u32 s8, $0xFFFFF086  }
0x1c: {  	p1 =	slt.u32 s9, $0xF7A;
	s5 =	simm.s32 @!p2 $0x0  }
0x1d: {  	s5 =	simm.s32 @p1 $0x1;
	p0 =	seq.s32 s7, s2  }
0x1e: {  	s7 =	smul.u32 @!p0 $0xF7A, s2;
	p2 =	seq.s32 @!p0 s5, $0x0  }
0x1f: {  	s9 =	smul.u32 $0xF7A, s1;
	s8 =	simm.s32 @!p0 $0x1BF5;
	p2 =	por !p2, p0  }
0x20: {  	[sflag:s8] =	ssyncset.s32 @!p0 $0xFFFFF086;
	s6 =	sadd.s32 @!p0 s3, s7;
	s7 =	simm.s32 @!p0 $0x108  }
0x21: {  	s3 =	sadd.s32 s3, s9;
	s6 =	sadd.s32 @!p0 $0x88, s6;
	s7 =	simm.s32 @p2 $0x1082  }
0x22: {  	[simem:s7], [sflag:s8] =	dma.local @!p0 [hbm:s6], $0xF7A  }
0x23: {  	s9 =	sor.u32 $0xD0000000, s2;
	s6 =	simm.s32 $0x108;
	_ =	swait.ge @!p0 [sflag:s8], $0x0  }
0x24: {  	s3 =	sadd.s32 $0x88, s3;
	s6 =	simm.s32 @!p1 $0x1082;
	[sflag:s4] =	ssyncset.s32 $0xFFFFF086  }
0x25: {  	[simem:s6], [sflag:s4] =	dma.local [hbm:s3], $0xF7A  }
0x26: {  	[smem:$0x3F9E] =	sst s1;
	(tag) =	ssettag s2;
	_ =	strace s9  }
0x27: {  	s1 =	sld [smem:$0x3FAE]  }
0x28: {  	s2 =	sld [smem:$0x3FAF]  }
0x29: {  	s4 =	sld [smem:$0x3FB1]  }
0x2a: {  	p0 =	seq.s32 s5, $0x0;
	s5 =	sld [smem:$0x3FB2]  }
0x2b: {  	s6 =	sld [smem:$0x3FB3]  }
0x2c: {  	s7 =	sld [smem:$0x3FB4]  }
0x2d: {  	s3 =	simm.s32 $0x108;
	s8 =	sld [smem:$0x3FB5]  }
0x2e: {  	s3 =	simm.s32 @!p0 $0x1082;
	s9 =	sld [smem:$0x3FB6]  }
0x2f: {  	lr =	sadd.s32 s0, s3;
	s0 =	sld [smem:$0x3FAD]  }
0x30: {  	s3 =	sld [smem:$0x3FB0]  }
0x31: {  	[smem:$0x3FB9] =	sst s10  }
0x32: {  	s10 =	sld [smem:$0x3FB7];
	_ =	sdelay $0x3  }
0x33: {  	p0 =	seq.s32 s10, $0x1;
	s10 =	sld [smem:$0x3FB9];
	_ =	sdelay $0x3  }
0x34: {  	[smem:$0x3FB9] =	sst s10  }
0x35: {  	s10 =	sld [smem:$0x3FB8];
	_ =	sdelay $0x3  }
0x36: {  	p1 =	seq.s32 s10, $0x1;
	s10 =	sld [smem:$0x3FB9];
	_ =	sdelay $0x3  }
0x37: {  	[smem:$0x3FB9] =	sst s10  }
0x38: {  	s10 =	sld [smem:$0x3FBA]  }
0x39: {  	_ = 	snop;
	(pc) =	sbr.ind lr, $3  }
0x3a: {  	_ = 	snop  }
0x3b: {  	_ = 	snop  }
0x3c: {  	p2 =	seq.s32 s10, $0x1;
	s10 =	sld [smem:$0x3FB9]  }
0x3d: {  	_ =	shalt  }
0x3e: {  	_ =	shalt  }
0x3f: {  	_ =	shalt  }
0x40: {  	_ =	shalt  }
0x41: {  	_ =	shalt  }
0x42: {  	_ =	shalt  }
0x43: {  	_ =	shalt  }
0x44: {  	_ =	shalt  }
0x45: {  	_ =	shalt  }
0x46: {  	_ =	shalt  }
0x47: {  	_ =	shalt  }
0x48: {  	_ =	shalt  }
0x49: {  	_ =	shalt  }
0x4a: {  	_ =	shalt  }
0x4b: {  	_ =	shalt  }
0x4c: {  	_ =	shalt  }
0x4d: {  	_ =	shalt  }
0x4e: {  	_ =	shalt  }
0x4f: {  	_ =	shalt  }
0x50: {  	_ =	shalt  }
0x51: {  	_ =	shalt  }
0x52: {  	_ =	shalt  }
0x53: {  	_ =	shalt  }
0x54: {  	_ =	shalt  }
0x55: {  	_ =	shalt  }
0x56: {  	_ =	shalt  }
0x57: {  	_ =	shalt  }
0x58: {  	_ =	shalt  }
0x59: {  	_ =	shalt  }
0x5a: {  	_ =	shalt  }
0x5b: {  	_ =	shalt  }
0x5c: {  	_ =	shalt  }
0x5d: {  	_ =	shalt  }
0x5e: {  	_ =	shalt  }
0x5f: {  	_ =	shalt  }
0x60: {  	_ =	shalt  }
0x61: {  	_ =	shalt  }
0x62: {  	_ =	shalt  }
0x63: {  	_ =	shalt  }
0x64: {  	_ =	shalt  }
0x65: {  	_ =	shalt  }
0x66: {  	_ =	shalt  }
0x67: {  	_ =	shalt  }
0x68: {  	_ =	shalt  }
0x69: {  	_ =	shalt  }
0x6a: {  	_ =	shalt  }
0x6b: {  	_ =	shalt  }
0x6c: {  	_ =	shalt  }
0x6d: {  	_ =	shalt  }
0x6e: {  	_ =	shalt  }
0x6f: {  	_ =	shalt  }
0x70: {  	_ =	shalt  }
0x71: {  	_ =	shalt  }
0x72: {  	_ =	shalt  }
0x73: {  	_ =	shalt  }
0x74: {  	_ =	shalt  }
0x75: {  	_ =	shalt  }
0x76: {  	_ =	shalt  }
0x77: {  	_ =	shalt  }
0x78: {  	_ =	shalt  }
0x79: {  	_ =	shalt  }
0x7a: {  	_ =	shalt  }
0x7b: {  	_ =	shalt  }
0x7c: {  	_ =	shalt  }
0x7d: {  	_ =	shalt  }
0x7e: {  	_ =	shalt  }
0x7f: {  	_ =	shalt  }
0x80: {  	_ =	shalt  }
0x81: {  	_ =	shalt  }
0x82: {  	_ =	shalt  }
0x83: {  	_ =	shalt  }
0x84: {  	_ =	shalt  }
0x85: {  	_ =	shalt  }
0x86: {  	_ =	shalt  }
0x87: {  	_ =	shalt  }
.Lfunc_end0:
.L_simem_size_0:
called_computation_lowered:
.L_overlay_start_0:
0x88: {  	s2 =	sld [smem:$0x3FD9]  }
0x89: {  	s3 =	sld [smem:$0x3FFE];
	_ =	sdelay $0x1  }
0x8a: {  	s1 =	srdreg.scid  }
0x8b: {  	s0 =	sand.u32 $0x1, s1  }
0x8c: {  	s14 =	sshll.u32 s0, $0xA;
	s2 =	sadd.s32 s3, s2  }
0x8d: {  	s2 =	sadd.s32 s2, s14  }
0x8e: {  	[smem:$0x3FC5] =	sst s2  }
0x8f: {  	_ = 	snop  }
0x90: {  	s2 =	sld [smem:$0x3FD0];
	_ =	sdelay $0x2  }
0x91: {  	s15 =	simm.s32 $0xA;
	s4 =	simm.s32 $0x10  }
0x92: {  	[smem:s4], [sflag:s15] =	dma.local [hbm:s2], $0x1  }
0x93: {  	_ =	swait.eq [sflag:s15], $0x1  }
0x94: {  	s16 =	sld [smem:$0x10];
	[sflag:s15] =	ssyncset.done $0x0  }
0x95: {  	s17 =	sld [smem:$0x11];
	[sflag:s15] =	ssyncadd.s32 $0xFFFFFFFF  }
0x96: {  	s18 =	sld [smem:$0x12];
	(tm) =	ssettm $0x1  }
0x97: {  	s5 =	sld [smem:$0x3FFB];
	_ =	sdelay $0x3  }
0x98: {  	_ =	strace s5  }
0x99: {  	s5 =	sld [smem:$0x3FFC];
	_ =	sdelay $0x3  }
0x9a: {  	_ =	strace s5  }
0x9b: {  	s5 =	sld [smem:$0x3FFD];
	_ =	sdelay $0x3  }
0x9c: {  	_ =	strace s5  }
0x9d: {  	_ =	strace $0x8FFFFFFF  }
0x9e: {  	s19 =	sld [smem:$0x3FDB];
	_ =	sdelay $0x1  }
0x9f: {  	s6 =	simm.s32 $_scs_section_size  }
0xa0: {  	s7 =	simm.s32 $_size__tile_overlayer_lowered;
	s8 =	simm.s32 $_tile_overlayer_lowered  }
0xa1: {  	s22 =	simm.s32 $0x1BFF;
	s21 =	sshll.u32 s8, $0x1;
	s5 =	sadd.s32 s6, s19  }
0xa2: {  	s9 =	simm.s32 $0x0;
	s20 =	sshll.u32 s7, $0x1;
	s7 =	sadd.s32 s21, s5  }
0xa3: {  	[timem:s9], [sflag:s22] =	dma.local [hbm:s7], s20  }
0xa4: {  	_ =	swait.ge [sflag:s22], s20  }
0xa5: {  	s6 =	ssub.s32 $0x0, s20;
	[sflag:s22] =	ssyncset.done $0x0  }
0xa6: {  	[sflag:s22] =	ssyncadd.s32 s6;
	_ =	sdelay $0x1  }
0xa7: {  	s23 =	simm.s32 $0x1B8B  }
0xa8: {  	_ =	swait.ge [sflag:s23], $0x1  }
0xa9: {  	[sflag:s23] =	ssyncset.done $0x0  }
0xaa: {  	s25 =	simm.s32 $0x1B8E;
	s24 =	sld [smem:$0x3FFE];
	[sflag:s23] =	ssyncadd.s32 $0xFFFFFFFF  }
0xab: {  	s26 =	simm.s32 $execute0_lowered;
	[smem:$0x3FD2] =	sst s25  }
0xac: {  	s7 =	sshll.u32 s26, $0x1;
	_ =	strace $0x80000046;
	[dreg:$0x1] =	wrdreg $0xFFFFFFFF  }
0xad: {  	s28 =	simm.s32 $_size_execute0_lowered;
	s5 =	sadd.s32 s5, s7;
	[dreg:$0x0] =	wrdreg $0x0  }
0xae: {  	s7 =	sshll.u32 s28, $0x1;
	[dreg:$0x2] =	wrdreg s5  }
0xaf: {  	[dreg:$0x3] =	wrdreg s7  }
0xb0: {  	[dreg:$0x4] =	wrdreg $0xC0  }
0xb1: {  	_ =	task [dreg:s9], $0x5FFFF  }
0xb2: {  	[dreg:$0x1] =	wrdreg $0xFFFFFFFF  }
0xb3: {  	[dreg:$0x0] =	wrdreg $0x60  }
0xb4: {  	[dreg:$0x2] =	wrdreg s17  }
0xb5: {  	[dreg:$0x3] =	wrdreg s24  }
0xb6: {  	[dreg:$0x4] =	wrdreg s16  }
0xb7: {  	[dreg:$0x5] =	wrdreg s18  }
0xb8: {  	[dreg:$0x6] =	wrdreg $0x9  }
0xb9: {  	_ =	task.clear_ibuf [dreg:s9], $0x7FFFF;
	_ =	strace $0x90000046  }
0xba: {  	s29 =	simm.s32 $0x9;
	_ =	strace $0x80000048  }
0xbb: {  	_ =	swait.ge [sflag:s29], $0x1  }
0xbc: {  	[sflag:s29] =	ssyncadd.s32 $0xFFFFFFFF  }
0xbd: {  	_ =	strace $0x90000048  }
0xbe: {  	_ =	sfence  }
0xbf: {  	s30 =	sld [smem:$0x0];
	_ =	sdelay $0x2  }
0xc0: {  	s31 =	sshll.u32 s1, $0xD;
	s1 =	sshrl.u32 s1, $0x2  }
0xc1: {  	s3 =	sand.u32 $0x4000, s31;
	s1 =	sadd.s32 s1, s30  }
0xc2: {  	s0 =	sor.u32 s3, s0;
	s1 =	sshll.u32 s1, $0x11  }
0xc3: {  	s0 =	sor.u32 s1, s0  }
0xc4: {  	s0 =	sadd.s32 $0x8F2B, s0  }
0xc5: {  	[sflag:s0] =	ssyncadd.remote.s32 $0x1  }
0xc6: {  	_ =	sfence.sel $0xFFFF  }
0xc7: {  	[dreg:$0x0] =	wrdreg $0xFFFFFFFF;
	(pc) =	sbr.abs _section_cstart, $3  }
0xc8: {  	[dreg:$0x1] =	wrdreg $0xFFFFFFFF  }
0xc9: {  	_ =	task.clear_ibuf [dreg:s9], $0x2FFFF;
	_ =	strace $0x9FFFFFFF  }
0xca: {  	(tm) =	ssettm $0x7FFFFFFF  }
0xcb: {  	_ =	shalt  }
tec
execute0_lowered:
.L_overlay_start_1:
0x0: {  	(tag) =	ssettag $0x1  }
0x1: {  	s3 =	rddreg [dreg:$0x0]  }
0x2: {  	s4 =	rddreg [dreg:$0x1]  }
0x3: {  	s5 =	rddreg [dreg:$0x2];
	s1 =	srdreg.scid  }
0x4: {  	s0 =	stileid.u32;
	s8 =	rddreg [dreg:$0x3]  }
0x5: {  	s2 =	simm.s32 $0x0;
	s18 =	simm.s32 $0x2000;
	s19 =	simm.s32 $0x6000  }
0x6: {  	s20 =	simm.s32 $0xA000;
	s21 =	simm.s32 $0x11080;
	s22 =	simm.s32 $0x0  }
0x7: {  	s12 =	sand.u32 $0x1, s1;
	s6 =	sshll.u32 s0, $0x1;
	s1 =	rddreg [dreg:$0x4]  }
0x8: {  	[smem:$0x7FF] =	sst s2;
	s11 =	sshrl.u32 s0, $0x2;
	s31 =	sshll.u32 s0, $0xD  }
0x9: {  	s6 =	sor.u32 s12, s6;
	_ =	strace $0x80000047;
	s13 =	sshll.u32 s11, $0xF  }
0xa: {  	s11 =	sshll.u32 s11, $0xA;
	s28 =	ssub.s32 $0x2, s12;
	s17 =	sshll.u32 s12, $0xC  }
0xb: {  	s7 =	sshll.u32 s6, $0x9;
	s10 =	sshll.u32 s6, $0xB;
	s6 =	sshll.u32 s6, $0x7  }
0xc: {  	s30 =	sshrl.u32 s28, $0x1;
	s9 =	sadd.s32 s7, s4;
	s6 =	sand.u32 $0x380, s6  }
0xd: {  	s14 =	sadd.s32 s10, s4;
	s16 =	ssub.s32 s28, s30;
	s3 =	sadd.s32 s3, s7  }
0xe: {  	s5 =	sadd.s32 s5, s10;
	s13 =	sor.u32 s13, s6;
	s6 =	sor.u32 s11, s6  }
0xf: {  	s7 =	sadd.s32 $0x16000, s14;
	s25 =	sshrl.u32 s13, $0x3;
	s26 =	sshrl.u32 s6, $0x3  }
0x10: {  	s6 =	sadd.s32 $0x6000, s14;
	s13 =	smax.u32 s16, $0x1;
	s14 =	sor.u32 s17, s31  }
0x11: {  	s16 =	simm.s32 $0x1000;
	s17 =	simm.s32 $0xE000;
	s15 =	sadd.s32 s25, s4  }
0x12: {  	s29 =	sadd.s32 s26, s4;
	s4 =	sadd.s32 $0x2000, s9;
	s8 =	sadd.s32 s8, s26  }
0x13: {  	s14 =	sor.u32 $0x70, s14;
	s9 =	sadd.s32 $0x32000, s29;
	s10 =	sadd.s32 $0x26000, s15  }
0x14: {  	v0 =	vimm.s32 $0x0;
	v1 =	vlaneseq.u32;
	s11 =	sadd.s32 $0x2A000, s15;
	s12 =	sadd.s32 $0x2E000, s15;
	s15 =	simm.s32 $0x1  }
.LBB2_1:
0x15: {  	[tilespmem:$0xE000] =	vst v0  }
0x16: {  	[tilespmem:$0xE010] =	vst v0  }
0x17: {  	[tilespmem:s2], [sflag:$0x1] =	stream.linear.gather [hbm4b:s3+s2], $0x1000, $0x38;
	[tilespmem:$0x11100] =	vst v63  }
0x18: {  	_ =	swait.ge [sflag:s15], $0x1000  }
0x19: {  	[sflag:s15] =	ssyncset.done $0x0  }
0x1a: {  	[sflag:s15] =	ssyncadd.s32 $0xFFFFF000  }
0x1b: {  	[tilespmem:s16], [sflag:$0x1] =	stream.linear.gather [hbm4b:s4+s2], $0x1000, $0x38;
	[tilespmem:$0x11100] =	vst v63  }
0x1c: {  	s23 =	simm.s32 $0xFFFFFFF8;
	_ =	swait.ge [sflag:s15], $0x1000  }
0x1d: {  	s24 =	simm.s32 $0x40;
	s25 =	simm.s32 $0x1040;
	[sflag:s15] =	ssyncset.done $0x0  }
0x1e: {  	s26 =	smov.u32 s14;
	s28 =	simm.s32 $0x0;
	[sflag:s15] =	ssyncadd.s32 $0xFFFFF000  }
.LBB2_2:
0x1f: {  	v2 =	vld [tilespmem:s24+$0xFFFFFFC0];
	_ =	sdelay $0x4  }
0x20: {  	v3 =	vshrl.u32 v2, $0x7  }
0x21: {  	v3 =	vand.u32 $0x1F, v3  }
0x22: {  	(xrf1) =	vunique.msk.u32 $0xffff, v3;
	_ =	sdelay $0x9  }
0x23: {  	v4 =	vld.idx.msk [tilespmem:v3+s17+$0x0], $0xffff;
	_ =	sdelay $0x3  }
0x24: {  	_, v5, vm0 =	vpop (xrf1)  }
0x25: {  	v4 =	vadd.s32 v4, v5  }
0x26: {  	v5 =	vadd.s32 $0xFFFFFFFF, v4  }
0x27: {  	v6 =	vshll.u32 v2, $0x2;
	v7 =	vshll.u32 v5, $0x3  }
0x28: {  	v6 =	vand.u32 $0x3000, v6;
	v7 =	vand.u32 $0xFFFFFC00, v7  }
0x29: {  	v62 =	vand.u32 $0x380, v2;
	v6 =	vadd.s32 v6, v7  }
0x2a: {  	vm1 =	vlt.s32 v5, $0x200;
	v8 =	vand.u32 $0x7F, v5;
	v6 =	vor.u32 v62, v6  }
0x2b: {  	v6 =	vor.u32 v8, v6  }
0x2c: {  	v63 =	vld [tilespmem:s25+$0xFFFFFFC0];
	_ =	sdelay $0x3  }
0x2d: {  	s29 =	sadd.s32 $0xFFFFFF90, s26;
	[tilespmem:v6+s18+$0x0] =	vst.idx.msk vm1, v2  }
0x2e: {  	v12 =	vor.u32 s29, v1;
	[tilespmem:v6+s19+$0x0] =	vst.idx.msk vm1, v63  }
0x2f: {  	[tilespmem:v6+s20+$0x0] =	vst.idx.msk vm1, v12  }
0x30: {  	vm7 =	vge.s32 v5, $0x200;
	[tilespmem:v3+s17+$0x0] =	vst.idx.msk vm0, v4  }
0x31: {  	[tilespmem:s28+$0xE080] =	vst.msk vm7, v2  }
0x32: {  	[tilespmem:s28+$0xF080] =	vst.msk vm7, v63  }
0x33: {  	[tilespmem:s28+$0x10080] =	vst.msk vm7, v12  }
0x34: {  	v2 =	vld [tilespmem:s24+$0xFFFFFFD0];
	_ =	sdelay $0x4  }
0x35: {  	v3 =	vshrl.u32 v2, $0x7  }
0x36: {  	v3 =	vand.u32 $0x1F, v3  }
0x37: {  	(xrf1) =	vunique.msk.u32 $0xffff, v3;
	_ =	sdelay $0x9  }
0x38: {  	v4 =	vld.idx.msk [tilespmem:v3+s17+$0x0], $0xffff  }
0x39: {  	v5 =	vmpcnt.ones.xlane vm7;
	_ =	sdelay $0x1  }
0x3a: {  	(v2sf) =	vpush v5, $0x0  }
0x3b: {  	_, v13, vm8 =	vpop (xrf1)  }
0x3c: {  	v4 =	vadd.s32 v4, v13  }
0x3d: {  	v5 =	vadd.s32 $0xFFFFFFFF, v4  }
0x3e: {  	v14 =	vshll.u32 v2, $0x2;
	v15 =	vshll.u32 v5, $0x3  }
0x3f: {  	v6 =	vand.u32 $0x3000, v14;
	v7 =	vand.u32 $0xFFFFFC00, v15  }
0x40: {  	v16 =	vand.u32 $0x380, v2;
	v6 =	vadd.s32 v6, v7  }
0x41: {  	vm9 =	vlt.s32 v5, $0x200;
	v17 =	vand.u32 $0x7F, v5;
	v6 =	vor.u32 v16, v6  }
0x42: {  	v6 =	vor.u32 v17, v6  }
0x43: {  	v18 =	vld [tilespmem:s25+$0xFFFFFFD0];
	_ =	sdelay $0x3  }
0x44: {  	s31 =	sadd.s32 $0xFFFFFFA0, s26;
	[tilespmem:v6+s18+$0x0] =	vst.idx.msk vm9, v2  }
0x45: {  	v19 =	vor.u32 s31, v1;
	[tilespmem:v6+s19+$0x0] =	vst.idx.msk vm9, v18  }
0x46: {  	s30 =	spop (v2sf);
	[tilespmem:v6+s20+$0x0] =	vst.idx.msk vm9, v19  }
0x47: {  	s28 =	sadd.s32 s28, s30;
	vm10 =	vge.s32 v5, $0x200;
	[tilespmem:v3+s17+$0x0] =	vst.idx.msk vm8, v4  }
0x48: {  	[tilespmem:s28+$0xE080] =	vst.msk vm10, v2  }
0x49: {  	[tilespmem:s28+$0xF080] =	vst.msk vm10, v18  }
0x4a: {  	[tilespmem:s28+$0x10080] =	vst.msk vm10, v19  }
0x4b: {  	v2 =	vld [tilespmem:s24+$0xFFFFFFE0];
	_ =	sdelay $0x4  }
0x4c: {  	v3 =	vshrl.u32 v2, $0x7  }
0x4d: {  	v3 =	vand.u32 $0x1F, v3  }
0x4e: {  	(xrf1) =	vunique.msk.u32 $0xffff, v3;
	_ =	sdelay $0x9  }
0x4f: {  	v4 =	vld.idx.msk [tilespmem:v3+s17+$0x0], $0xffff  }
0x50: {  	v5 =	vmpcnt.ones.xlane vm10;
	_ =	sdelay $0x1  }
0x51: {  	(v2sf) =	vpush v5, $0x0  }
0x52: {  	_, v20, vm11 =	vpop (xrf1)  }
0x53: {  	v4 =	vadd.s32 v4, v20  }
0x54: {  	v5 =	vadd.s32 $0xFFFFFFFF, v4  }
0x55: {  	v21 =	vshll.u32 v2, $0x2;
	v22 =	vshll.u32 v5, $0x3  }
0x56: {  	v6 =	vand.u32 $0x3000, v21;
	v7 =	vand.u32 $0xFFFFFC00, v22  }
0x57: {  	v23 =	vand.u32 $0x380, v2;
	v6 =	vadd.s32 v6, v7  }
0x58: {  	vm12 =	vlt.s32 v5, $0x200;
	v24 =	vand.u32 $0x7F, v5;
	v6 =	vor.u32 v23, v6  }
0x59: {  	v6 =	vor.u32 v24, v6  }
0x5a: {  	v25 =	vld [tilespmem:s25+$0xFFFFFFE0];
	_ =	sdelay $0x3  }
0x5b: {  	s31 =	sadd.s32 $0xFFFFFFB0, s26;
	[tilespmem:v6+s18+$0x0] =	vst.idx.msk vm12, v2  }
0x5c: {  	v26 =	vor.u32 s31, v1;
	[tilespmem:v6+s19+$0x0] =	vst.idx.msk vm12, v25  }
0x5d: {  	s30 =	spop (v2sf);
	[tilespmem:v6+s20+$0x0] =	vst.idx.msk vm12, v26  }
0x5e: {  	s28 =	sadd.s32 s28, s30;
	vm13 =	vge.s32 v5, $0x200;
	[tilespmem:v3+s17+$0x0] =	vst.idx.msk vm11, v4  }
0x5f: {  	[tilespmem:s28+$0xE080] =	vst.msk vm13, v2  }
0x60: {  	[tilespmem:s28+$0xF080] =	vst.msk vm13, v25  }
0x61: {  	[tilespmem:s28+$0x10080] =	vst.msk vm13, v26  }
0x62: {  	v2 =	vld [tilespmem:s24+$0xFFFFFFF0];
	_ =	sdelay $0x4  }
0x63: {  	v3 =	vshrl.u32 v2, $0x7  }
0x64: {  	v3 =	vand.u32 $0x1F, v3  }
0x65: {  	(xrf1) =	vunique.msk.u32 $0xffff, v3;
	_ =	sdelay $0x9  }
0x66: {  	v4 =	vld.idx.msk [tilespmem:v3+s17+$0x0], $0xffff  }
0x67: {  	v5 =	vmpcnt.ones.xlane vm13;
	_ =	sdelay $0x1  }
0x68: {  	(v2sf) =	vpush v5, $0x0  }
0x69: {  	_, v27, vm14 =	vpop (xrf1)  }
0x6a: {  	v4 =	vadd.s32 v4, v27  }
0x6b: {  	v5 =	vadd.s32 $0xFFFFFFFF, v4  }
0x6c: {  	v28 =	vshll.u32 v2, $0x2;
	v29 =	vshll.u32 v5, $0x3  }
0x6d: {  	v6 =	vand.u32 $0x3000, v28;
	v7 =	vand.u32 $0xFFFFFC00, v29  }
0x6e: {  	v30 =	vand.u32 $0x380, v2;
	v6 =	vadd.s32 v6, v7  }
0x6f: {  	vm15 =	vlt.s32 v5, $0x200;
	v31 =	vand.u32 $0x7F, v5;
	v6 =	vor.u32 v30, v6  }
0x70: {  	v6 =	vor.u32 v31, v6  }
0x71: {  	v32 =	vld [tilespmem:s25+$0xFFFFFFF0];
	_ =	sdelay $0x3  }
0x72: {  	s31 =	sadd.s32 $0xFFFFFFC0, s26;
	[tilespmem:v6+s18+$0x0] =	vst.idx.msk vm15, v2  }
0x73: {  	v33 =	vor.u32 s31, v1;
	[tilespmem:v6+s19+$0x0] =	vst.idx.msk vm15, v32  }
0x74: {  	s30 =	spop (v2sf);
	[tilespmem:v6+s20+$0x0] =	vst.idx.msk vm15, v33  }
0x75: {  	s28 =	sadd.s32 s28, s30;
	vm4 =	vge.s32 v5, $0x200;
	[tilespmem:v3+s17+$0x0] =	vst.idx.msk vm14, v4  }
0x76: {  	[tilespmem:s28+$0xE080] =	vst.msk vm4, v2  }
0x77: {  	[tilespmem:s28+$0xF080] =	vst.msk vm4, v32  }
0x78: {  	[tilespmem:s28+$0x10080] =	vst.msk vm4, v33  }
0x79: {  	v2 =	vld [tilespmem:s24+$0x0];
	_ =	sdelay $0x4  }
0x7a: {  	v3 =	vshrl.u32 v2, $0x7  }
0x7b: {  	v3 =	vand.u32 $0x1F, v3  }
0x7c: {  	(xrf1) =	vunique.msk.u32 $0xffff, v3;
	_ =	sdelay $0x9  }
0x7d: {  	v4 =	vld.idx.msk [tilespmem:v3+s17+$0x0], $0xffff  }
0x7e: {  	v5 =	vmpcnt.ones.xlane vm4;
	_ =	sdelay $0x1  }
0x7f: {  	(v2sf) =	vpush v5, $0x0  }
0x80: {  	_, v34, vm5 =	vpop (xrf1)  }
0x81: {  	v4 =	vadd.s32 v4, v34  }
0x82: {  	v5 =	vadd.s32 $0xFFFFFFFF, v4  }
0x83: {  	v35 =	vshll.u32 v2, $0x2;
	v36 =	vshll.u32 v5, $0x3  }
0x84: {  	v6 =	vand.u32 $0x3000, v35;
	v7 =	vand.u32 $0xFFFFFC00, v36  }
0x85: {  	v37 =	vand.u32 $0x380, v2;
	v6 =	vadd.s32 v6, v7  }
0x86: {  	vm6 =	vlt.s32 v5, $0x200;
	v38 =	vand.u32 $0x7F, v5;
	v6 =	vor.u32 v37, v6  }
0x87: {  	v6 =	vor.u32 v38, v6  }
0x88: {  	v39 =	vld [tilespmem:s25+$0x0];
	_ =	sdelay $0x3  }
0x89: {  	s31 =	sadd.s32 $0xFFFFFFD0, s26;
	[tilespmem:v6+s18+$0x0] =	vst.idx.msk vm6, v2  }
0x8a: {  	v40 =	vor.u32 s31, v1;
	[tilespmem:v6+s19+$0x0] =	vst.idx.msk vm6, v39  }
0x8b: {  	s30 =	spop (v2sf);
	[tilespmem:v6+s20+$0x0] =	vst.idx.msk vm6, v40  }
0x8c: {  	s28 =	sadd.s32 s28, s30;
	vm7 =	vge.s32 v5, $0x200;
	[tilespmem:v3+s17+$0x0] =	vst.idx.msk vm5, v4  }
0x8d: {  	[tilespmem:s28+$0xE080] =	vst.msk vm7, v2  }
0x8e: {  	[tilespmem:s28+$0xF080] =	vst.msk vm7, v39  }
0x8f: {  	[tilespmem:s28+$0x10080] =	vst.msk vm7, v40  }
0x90: {  	v2 =	vld [tilespmem:s24+$0x10];
	_ =	sdelay $0x4  }
0x91: {  	v3 =	vshrl.u32 v2, $0x7  }
0x92: {  	v3 =	vand.u32 $0x1F, v3  }
0x93: {  	(xrf1) =	vunique.msk.u32 $0xffff, v3;
	_ =	sdelay $0x9  }
0x94: {  	v4 =	vld.idx.msk [tilespmem:v3+s17+$0x0], $0xffff  }
0x95: {  	v5 =	vmpcnt.ones.xlane vm7;
	_ =	sdelay $0x1  }
0x96: {  	(v2sf) =	vpush v5, $0x0  }
0x97: {  	_, v41, vm8 =	vpop (xrf1)  }
0x98: {  	v4 =	vadd.s32 v4, v41  }
0x99: {  	v5 =	vadd.s32 $0xFFFFFFFF, v4  }
0x9a: {  	v42 =	vshll.u32 v2, $0x2;
	v43 =	vshll.u32 v5, $0x3  }
0x9b: {  	v6 =	vand.u32 $0x3000, v42;
	v7 =	vand.u32 $0xFFFFFC00, v43  }
0x9c: {  	v44 =	vand.u32 $0x380, v2;
	v6 =	vadd.s32 v6, v7  }
0x9d: {  	vm9 =	vlt.s32 v5, $0x200;
	v45 =	vand.u32 $0x7F, v5;
	v6 =	vor.u32 v44, v6  }
0x9e: {  	v6 =	vor.u32 v45, v6  }
0x9f: {  	v46 =	vld [tilespmem:s25+$0x10];
	_ =	sdelay $0x3  }
0xa0: {  	s31 =	sadd.s32 $0xFFFFFFE0, s26;
	[tilespmem:v6+s18+$0x0] =	vst.idx.msk vm9, v2  }
0xa1: {  	v47 =	vor.u32 s31, v1;
	[tilespmem:v6+s19+$0x0] =	vst.idx.msk vm9, v46  }
0xa2: {  	s30 =	spop (v2sf);
	[tilespmem:v6+s20+$0x0] =	vst.idx.msk vm9, v47  }
0xa3: {  	s28 =	sadd.s32 s28, s30;
	vm10 =	vge.s32 v5, $0x200;
	[tilespmem:v3+s17+$0x0] =	vst.idx.msk vm8, v4  }
0xa4: {  	[tilespmem:s28+$0xE080] =	vst.msk vm10, v2  }
0xa5: {  	[tilespmem:s28+$0xF080] =	vst.msk vm10, v46  }
0xa6: {  	[tilespmem:s28+$0x10080] =	vst.msk vm10, v47  }
0xa7: {  	v2 =	vld [tilespmem:s24+$0x20];
	_ =	sdelay $0x4  }
0xa8: {  	v3 =	vshrl.u32 v2, $0x7  }
0xa9: {  	v3 =	vand.u32 $0x1F, v3  }
0xaa: {  	(xrf1) =	vunique.msk.u32 $0xffff, v3;
	_ =	sdelay $0x9  }
0xab: {  	v4 =	vld.idx.msk [tilespmem:v3+s17+$0x0], $0xffff  }
0xac: {  	v5 =	vmpcnt.ones.xlane vm10;
	_ =	sdelay $0x1  }
0xad: {  	(v2sf) =	vpush v5, $0x0  }
0xae: {  	_, v48, vm11 =	vpop (xrf1)  }
0xaf: {  	v4 =	vadd.s32 v4, v48  }
0xb0: {  	v5 =	vadd.s32 $0xFFFFFFFF, v4  }
0xb1: {  	v49 =	vshll.u32 v2, $0x2;
	v50 =	vshll.u32 v5, $0x3  }
0xb2: {  	v6 =	vand.u32 $0x3000, v49;
	v7 =	vand.u32 $0xFFFFFC00, v50  }
0xb3: {  	v51 =	vand.u32 $0x380, v2;
	v6 =	vadd.s32 v6, v7  }
0xb4: {  	vm12 =	vlt.s32 v5, $0x200;
	v52 =	vand.u32 $0x7F, v5;
	v6 =	vor.u32 v51, v6  }
0xb5: {  	v6 =	vor.u32 v52, v6  }
0xb6: {  	v53 =	vld [tilespmem:s25+$0x20];
	_ =	sdelay $0x3  }
0xb7: {  	s31 =	sadd.s32 $0xFFFFFFF0, s26;
	[tilespmem:v6+s18+$0x0] =	vst.idx.msk vm12, v2  }
0xb8: {  	v54 =	vor.u32 s31, v1;
	[tilespmem:v6+s19+$0x0] =	vst.idx.msk vm12, v53  }
0xb9: {  	s30 =	spop (v2sf);
	[tilespmem:v6+s20+$0x0] =	vst.idx.msk vm12, v54  }
0xba: {  	s28 =	sadd.s32 s28, s30;
	vm13 =	vge.s32 v5, $0x200;
	[tilespmem:v3+s17+$0x0] =	vst.idx.msk vm11, v4  }
0xbb: {  	[tilespmem:s28+$0xE080] =	vst.msk vm13, v2  }
0xbc: {  	[tilespmem:s28+$0xF080] =	vst.msk vm13, v53  }
0xbd: {  	[tilespmem:s28+$0x10080] =	vst.msk vm13, v54  }
0xbe: {  	v2 =	vld [tilespmem:s24+$0x30];
	_ =	sdelay $0x4  }
0xbf: {  	v3 =	vshrl.u32 v2, $0x7  }
0xc0: {  	v3 =	vand.u32 $0x1F, v3  }
0xc1: {  	(xrf1) =	vunique.msk.u32 $0xffff, v3;
	_ =	sdelay $0x9  }
0xc2: {  	v4 =	vld.idx.msk [tilespmem:v3+s17+$0x0], $0xffff;
	_ =	sdelay $0x3  }
0xc3: {  	_, v55, vm14 =	vpop (xrf1)  }
0xc4: {  	v56 =	vmpcnt.ones.xlane vm13;
	v4 =	vadd.s32 v4, v55  }
0xc5: {  	v57 =	vadd.s32 $0xFFFFFFFF, v4  }
0xc6: {  	(v2sf) =	vpush v56, $0x0;
	vm15 =	vge.s32 v57, $0x200  }
0xc7: {  	v58 =	vmpcnt.ones.xlane vm15;
	_ =	sdelay $0x1  }
0xc8: {  	(v2sf) =	vpush v58, $0x0  }
0xc9: {  	v59 =	vshll.u32 v2, $0x2;
	v60 =	vshll.u32 v57, $0x3  }
0xca: {  	v5 =	vand.u32 $0x3000, v59;
	v7 =	vand.u32 $0xFFFFFC00, v60  }
0xcb: {  	v61 =	vand.u32 $0x380, v2;
	v5 =	vadd.s32 v5, v7  }
0xcc: {  	vm2 =	vlt.s32 v57, $0x200;
	v6 =	vand.u32 $0x7F, v57;
	v5 =	vor.u32 v61, v5  }
0xcd: {  	v5 =	vor.u32 v6, v5  }
0xce: {  	v62 =	vld [tilespmem:s25+$0x30];
	_ =	sdelay $0x3  }
0xcf: {  	s23 =	sadd.s32 $0x8, s23;
	[tilespmem:v5+s18+$0x0] =	vst.idx.msk vm2, v2  }
0xd0: {  	p0 =	slt.u32 s23, $0xF8;
	v63 =	vor.u32 s26, v1;
	[tilespmem:v5+s19+$0x0] =	vst.idx.msk vm2, v62  }
.Ltmp0:
0xd1: {  	s31 =	spop (v2sf);
	[tilespmem:v5+s20+$0x0] =	vst.idx.msk vm2, v63;
	(pc) =	sbr.rel @p0 .LBB2_2-.Ltmp0, $4  }
0xd2: {  	s29 =	sadd.s32 s28, s31;
	[tilespmem:v3+s17+$0x0] =	vst.idx.msk vm14, v4  }
0xd3: {  	[tilespmem:s29+$0xE080] =	vst.msk vm15, v2  }
0xd4: {  	s26 =	sadd.s32 $0x80, s26;
	[tilespmem:s29+$0xF080] =	vst.msk vm15, v62;
	s28 =	spop (v2sf)  }
0xd5: {  	s24 =	sadd.s32 $0x80, s24;
	s25 =	sadd.s32 $0x80, s25;
	[tilespmem:s29+$0x10080] =	vst.msk vm15, v63;
	s28 =	sadd.s32 s29, s28  }
0xd6: {  	v2 =	vmov s28  }
0xd7: {  	[tilespmem:$0x11080] =	vst v2  }
0xd8: {  	[hbm4b:s5+s2] =	stream.linear.scatter [tilespmem:s18], [sflag:$0x1], $0x4000, $0x38;
	[tilespmem:$0x11100] =	vst v63  }
0xd9: {  	_ =	swait.ge [sflag:s15], $0x4000  }
0xda: {  	[sflag:s15] =	ssyncset.done $0x0  }
0xdb: {  	[sflag:s15] =	ssyncadd.s32 $0xFFFFC000  }
0xdc: {  	[hbm4b:s6+s2] =	stream.linear.scatter [tilespmem:s19], [sflag:$0x1], $0x4000, $0x38;
	[tilespmem:$0x11100] =	vst v63  }
0xdd: {  	_ =	swait.ge [sflag:s15], $0x4000  }
0xde: {  	[sflag:s15] =	ssyncset.done $0x0  }
0xdf: {  	[sflag:s15] =	ssyncadd.s32 $0xFFFFC000  }
0xe0: {  	[hbm4b:s7+s2] =	stream.linear.scatter [tilespmem:s20], [sflag:$0x1], $0x4000, $0x38;
	[tilespmem:$0x11100] =	vst v63  }
0xe1: {  	_ =	swait.ge [sflag:s15], $0x4000  }
0xe2: {  	[sflag:s15] =	ssyncset.done $0x0  }
0xe3: {  	[sflag:s15] =	ssyncadd.s32 $0xFFFFC000  }
0xe4: {  	[hbm4b:s8+s2] =	stream.linear.scatter [tilespmem:s17], [sflag:$0x1], $0x80, $0x38;
	[tilespmem:$0x11100] =	vst v63  }
0xe5: {  	_ =	swait.ge [sflag:s15], $0x80  }
0xe6: {  	[sflag:s15] =	ssyncset.done $0x0  }
0xe7: {  	[sflag:s15] =	ssyncadd.s32 $0xFFFFFF80  }
0xe8: {  	[hbm4b:s9+s2] =	stream.linear.scatter [tilespmem:s21], [sflag:$0x1], $0x80, $0x38;
	[tilespmem:$0x11100] =	vst v63  }
0xe9: {  	p0 =	slt.s32 s28, $0x1;
	_ =	swait.ge [sflag:s15], $0x80  }
0xea: {  	s23 =	simm.s32 @!p0 $0x80;
	[sflag:s15] =	ssyncset.done $0x0  }
0xeb: {  	s24 =	simm.s32 @!p0 $0x400;
	s25 =	simm.s32 @!p0 $0xE080;
	[sflag:s15] =	ssyncadd.s32 $0xFFFFFF80  }
0xec: {  	[hbm4b:s10+s23] =	stream.strided.scatter @!p0 [tilespmem:s25], [sflag:$0x1], $0x1000, s24, s23, $0x38;
	[tilespmem:$0x11100] =	vst v63  }
0xed: {  	s25 =	simm.s32 @!p0 $0x1  }
0xee: {  	_ =	swait.ge @!p0 [sflag:s25], $0x1000  }
0xef: {  	[sflag:s25] =	ssyncset.done @!p0 $0x0  }
0xf0: {  	s26 =	simm.s32 @!p0 $0xF080;
	[sflag:s25] =	ssyncadd.s32 @!p0 $0xFFFFF000  }
0xf1: {  	[hbm4b:s11+s23] =	stream.strided.scatter @!p0 [tilespmem:s26], [sflag:$0x1], $0x1000, s24, s23, $0x38;
	[tilespmem:$0x11100] =	vst v63  }
0xf2: {  	s22 =	sadd.s32 $0x1, s22;
	_ =	swait.ge @!p0 [sflag:s25], $0x1000  }
0xf3: {  	p1 =	sne.s32 s22, s13;
	[sflag:s25] =	ssyncset.done @!p0 $0x0  }
.Ltmp1:
0xf4: {  	s26 =	simm.s32 @!p0 $0x10080;
	[sflag:s25] =	ssyncadd.s32 @!p0 $0xFFFFF000;
	(pc) =	sbr.rel @p1 .LBB2_1-.Ltmp1, $4  }
0xf5: {  	[hbm4b:s12+s23] =	stream.strided.scatter @!p0 [tilespmem:s26], [sflag:$0x1], $0x1000, s24, s23, $0x38;
	[tilespmem:$0x11100] =	vst v63  }
0xf6: {  	_ =	swait.ge @!p0 [sflag:s25], $0x1000  }
0xf7: {  	[sflag:s25] =	ssyncset.done @!p0 $0x0  }
0xf8: {  	[sflag:s25] =	ssyncadd.s32 @!p0 $0xFFFFF000  }
0xf9: {  	_ =	sfence.sel $0x180000  }
0xfa: {  	[bflag:$0x0] =	sbarrier.arrive $0xFFFF  }
0xfb: {  	p0 =	sne.s32 s0, $0x0;
	_ =	strace $0x90000047  }
0xfc: {  	s0 =	sadd.s32 @!p0 $0x100000, s1;
	[bflag:$0x2] =	sbarrier.arrive $0xFFFF  }
0xfd: {  	[sflag:s0] =	ssyncadd.tile.s32 @!p0 $0x1;
	_ =	shalt  }
.Lfunc_end2:
_tile_overlayer_lowered:
.L_overlay_start_2:
0xfe: {  	(tag) =	ssettag $0x2  }
0xff: {  	s0 =	rddreg [dreg:$0x0];
	s2 =	stileid.u32  }
0x100: {  	s1 =	rddreg [dreg:$0x1];
	p0 =	sne.s32 s2, $0x0  }
0x101: {  	s3 =	rddreg [dreg:$0x2];
	[bflag:$0x3] =	sbarrier.arrive $0xFFFF;
	s2 =	simm.s32 @!p0 $0x1C01  }
0x102: {  	[timem:s3], [sflag:s2] =	dma.local @!p0 [hbm:s0], s1  }
0x103: {  	s0 =	simm.s32 @!p0 $0x1  }
0x104: {  	_ =	swait.ge @!p0 [sflag:s0], s1  }
0x105: {  	s1 =	ssub.s32 @!p0 $0x0, s1;
	[sflag:s0] =	ssyncset.done @!p0 $0x0  }
0x106: {  	[sflag:s0] =	ssyncadd.s32 @!p0 s1  }
0x107: {  	[bflag:$0x3] =	sbarrier.arrive $0xFFFF  }
0x108: {  	_ =	shalt  }

// kernel: kernel.8.cloned.1.call-start
scs
__scs_entry_jumppad:
0x0: {  	(pc) =	sbr.rel $0x88, $3  }
0x1: {  	(tag) =	ssettag $0x0;
	lr =	simm.s32 $0x1  }
0x2: {  	[smem:$0x3F9E] =	sst lr;
	_ =	strace $0xD0000000  }
0x3: {  	_ = 	snop  }
0x4: {  	_ = 	snop  }
0x5: {  	_ = 	snop  }
0x6: {  	_ = 	snop  }
0x7: {  	_ = 	snop  }
__scs_overlays_trampoline_lowered:
0x8: {  	[smem:$0x3FAD] =	sst s0  }
0x9: {  	[smem:$0x3FAE] =	sst s1  }
0xa: {  	[smem:$0x3FAF] =	sst s2  }
0xb: {  	[smem:$0x3FB0] =	sst s3  }
0xc: {  	[smem:$0x3FB1] =	sst s4  }
0xd: {  	[smem:$0x3FB2] =	sst s5  }
0xe: {  	[smem:$0x3FB3] =	sst s6  }
0xf: {  	[smem:$0x3FB4] =	sst s7  }
0x10: {  	[smem:$0x3FB5] =	sst s8  }
0x11: {  	[smem:$0x3FB6] =	sst s9;
	s0 =	simm.s32 @!p0 $0x0  }
0x12: {  	s1 =	sld [smem:$0x3F9C];
	s0 =	simm.s32 @p0 $0x1  }
0x13: {  	[smem:$0x3FB7] =	sst s0;
	s0 =	simm.s32 @!p1 $0x0  }
0x14: {  	s2 =	sld [smem:$0x3F9B];
	s0 =	simm.s32 @p1 $0x1  }
0x15: {  	[smem:$0x3FB8] =	sst s0;
	s0 =	simm.s32 @!p2 $0x0  }
0x16: {  	s3 =	sld [smem:$0x3FDB];
	s0 =	simm.s32 @p2 $0x1  }
0x17: {  	s4 =	simm.s32 $0x1BF5;
	[smem:$0x3FBA] =	sst s0  }
0x18: {  	s0 =	sld [smem:$0x3F9D];
	_ =	swait.ge [sflag:s4], $0x0  }
0x19: {  	s7 =	sld [smem:$0x3F9E]  }
0x1a: {  	s8 =	sadd.s32 $0xFFFFE003, lr  }
0x1b: {  	s9 =	sadd.s32 $0xFFFFFEF7, lr;
	s5 =	simm.s32 $0xFFFFFFFF;
	p2 =	slt.u32 s8, $0xFFFFF086  }
0x1c: {  	p1 =	slt.u32 s9, $0xF7A;
	s5 =	simm.s32 @!p2 $0x0  }
0x1d: {  	s5 =	simm.s32 @p1 $0x1;
	p0 =	seq.s32 s7, s2  }
0x1e: {  	s7 =	smul.u32 @!p0 $0xF7A, s2;
	p2 =	seq.s32 @!p0 s5, $0x0  }
0x1f: {  	s9 =	smul.u32 $0xF7A, s1;
	s8 =	simm.s32 @!p0 $0x1BF5;
	p2 =	por !p2, p0  }
0x20: {  	[sflag:s8] =	ssyncset.s32 @!p0 $0xFFFFF086;
	s6 =	sadd.s32 @!p0 s3, s7;
	s7 =	simm.s32 @!p0 $0x108  }
0x21: {  	s3 =	sadd.s32 s3, s9;
	s6 =	sadd.s32 @!p0 $0x88, s6;
	s7 =	simm.s32 @p2 $0x1082  }
0x22: {  	[simem:s7], [sflag:s8] =	dma.local @!p0 [hbm:s6], $0xF7A  }
0x23: {  	s9 =	sor.u32 $0xD0000000, s2;
	s6 =	simm.s32 $0x108;
	_ =	swait.ge @!p0 [sflag:s8], $0x0  }
0x24: {  	s3 =	sadd.s32 $0x88, s3;
	s6 =	simm.s32 @!p1 $0x1082;
	[sflag:s4] =	ssyncset.s32 $0xFFFFF086  }
0x25: {  	[simem:s6], [sflag:s4] =	dma.local [hbm:s3], $0xF7A  }
0x26: {  	[smem:$0x3F9E] =	sst s1;
	(tag) =	ssettag s2;
	_ =	strace s9  }
0x27: {  	s1 =	sld [smem:$0x3FAE]  }
0x28: {  	s2 =	sld [smem:$0x3FAF]  }
0x29: {  	s4 =	sld [smem:$0x3FB1]  }
0x2a: {  	p0 =	seq.s32 s5, $0x0;
	s5 =	sld [smem:$0x3FB2]  }
0x2b: {  	s6 =	sld [smem:$0x3FB3]  }
0x2c: {  	s7 =	sld [smem:$0x3FB4]  }
0x2d: {  	s3 =	simm.s32 $0x108;
	s8 =	sld [smem:$0x3FB5]  }
0x2e: {  	s3 =	simm.s32 @!p0 $0x1082;
	s9 =	sld [smem:$0x3FB6]  }
0x2f: {  	lr =	sadd.s32 s0, s3;
	s0 =	sld [smem:$0x3FAD]  }
0x30: {  	s3 =	sld [smem:$0x3FB0]  }
0x31: {  	[smem:$0x3FB9] =	sst s10  }
0x32: {  	s10 =	sld [smem:$0x3FB7];
	_ =	sdelay $0x3  }
0x33: {  	p0 =	seq.s32 s10, $0x1;
	s10 =	sld [smem:$0x3FB9];
	_ =	sdelay $0x3  }
0x34: {  	[smem:$0x3FB9] =	sst s10  }
0x35: {  	s10 =	sld [smem:$0x3FB8];
	_ =	sdelay $0x3  }
0x36: {  	p1 =	seq.s32 s10, $0x1;
	s10 =	sld [smem:$0x3FB9];
	_ =	sdelay $0x3  }
0x37: {  	[smem:$0x3FB9] =	sst s10  }
0x38: {  	s10 =	sld [smem:$0x3FBA]  }
0x39: {  	_ = 	snop;
	(pc) =	sbr.ind lr, $3  }
0x3a: {  	_ = 	snop  }
0x3b: {  	_ = 	snop  }
0x3c: {  	p2 =	seq.s32 s10, $0x1;
	s10 =	sld [smem:$0x3FB9]  }
0x3d: {  	_ =	shalt  }
0x3e: {  	_ =	shalt  }
0x3f: {  	_ =	shalt  }
0x40: {  	_ =	shalt  }
0x41: {  	_ =	shalt  }
0x42: {  	_ =	shalt  }
0x43: {  	_ =	shalt  }
0x44: {  	_ =	shalt  }
0x45: {  	_ =	shalt  }
0x46: {  	_ =	shalt  }
0x47: {  	_ =	shalt  }
0x48: {  	_ =	shalt  }
0x49: {  	_ =	shalt  }
0x4a: {  	_ =	shalt  }
0x4b: {  	_ =	shalt  }
0x4c: {  	_ =	shalt  }
0x4d: {  	_ =	shalt  }
0x4e: {  	_ =	shalt  }
0x4f: {  	_ =	shalt  }
0x50: {  	_ =	shalt  }
0x51: {  	_ =	shalt  }
0x52: {  	_ =	shalt  }
0x53: {  	_ =	shalt  }
0x54: {  	_ =	shalt  }
0x55: {  	_ =	shalt  }
0x56: {  	_ =	shalt  }
0x57: {  	_ =	shalt  }
0x58: {  	_ =	shalt  }
0x59: {  	_ =	shalt  }
0x5a: {  	_ =	shalt  }
0x5b: {  	_ =	shalt  }
0x5c: {  	_ =	shalt  }
0x5d: {  	_ =	shalt  }
0x5e: {  	_ =	shalt  }
0x5f: {  	_ =	shalt  }
0x60: {  	_ =	shalt  }
0x61: {  	_ =	shalt  }
0x62: {  	_ =	shalt  }
0x63: {  	_ =	shalt  }
0x64: {  	_ =	shalt  }
0x65: {  	_ =	shalt  }
0x66: {  	_ =	shalt  }
0x67: {  	_ =	shalt  }
0x68: {  	_ =	shalt  }
0x69: {  	_ =	shalt  }
0x6a: {  	_ =	shalt  }
0x6b: {  	_ =	shalt  }
0x6c: {  	_ =	shalt  }
0x6d: {  	_ =	shalt  }
0x6e: {  	_ =	shalt  }
0x6f: {  	_ =	shalt  }
0x70: {  	_ =	shalt  }
0x71: {  	_ =	shalt  }
0x72: {  	_ =	shalt  }
0x73: {  	_ =	shalt  }
0x74: {  	_ =	shalt  }
0x75: {  	_ =	shalt  }
0x76: {  	_ =	shalt  }
0x77: {  	_ =	shalt  }
0x78: {  	_ =	shalt  }
0x79: {  	_ =	shalt  }
0x7a: {  	_ =	shalt  }
0x7b: {  	_ =	shalt  }
0x7c: {  	_ =	shalt  }
0x7d: {  	_ =	shalt  }
0x7e: {  	_ =	shalt  }
0x7f: {  	_ =	shalt  }
0x80: {  	_ =	shalt  }
0x81: {  	_ =	shalt  }
0x82: {  	_ =	shalt  }
0x83: {  	_ =	shalt  }
0x84: {  	_ =	shalt  }
0x85: {  	_ =	shalt  }
0x86: {  	_ =	shalt  }
0x87: {  	_ =	shalt  }
.Lfunc_end0:
.L_simem_size_0:
called_computation.1_lowered:
.L_overlay_start_0:
0x88: {  	s2 =	sld [smem:$0x3FD9]  }
0x89: {  	s3 =	sld [smem:$0x3FFE];
	_ =	sdelay $0x1  }
0x8a: {  	s1 =	srdreg.scid  }
0x8b: {  	s0 =	sand.u32 $0x1, s1  }
0x8c: {  	s14 =	sshll.u32 s0, $0xA;
	s2 =	sadd.s32 s3, s2  }
0x8d: {  	s2 =	sadd.s32 s2, s14  }
0x8e: {  	[smem:$0x3FC5] =	sst s2  }
0x8f: {  	_ = 	snop  }
0x90: {  	s2 =	sld [smem:$0x3FD0];
	_ =	sdelay $0x2  }
0x91: {  	s15 =	simm.s32 $0xA;
	s4 =	simm.s32 $0x10  }
0x92: {  	[smem:s4], [sflag:s15] =	dma.local [hbm:s2], $0x1  }
0x93: {  	_ =	swait.eq [sflag:s15], $0x1  }
0x94: {  	s16 =	sld [smem:$0x10];
	[sflag:s15] =	ssyncset.done $0x0  }
0x95: {  	s17 =	sld [smem:$0x11];
	[sflag:s15] =	ssyncadd.s32 $0xFFFFFFFF  }
0x96: {  	s18 =	sld [smem:$0x12];
	(tm) =	ssettm $0x1  }
0x97: {  	s5 =	sld [smem:$0x3FFB];
	_ =	sdelay $0x3  }
0x98: {  	_ =	strace s5  }
0x99: {  	s5 =	sld [smem:$0x3FFC];
	_ =	sdelay $0x3  }
0x9a: {  	_ =	strace s5  }
0x9b: {  	s5 =	sld [smem:$0x3FFD];
	_ =	sdelay $0x3  }
0x9c: {  	_ =	strace s5  }
0x9d: {  	_ =	strace $0x8FFFFFFF  }
0x9e: {  	s19 =	sld [smem:$0x3FDB];
	_ =	sdelay $0x1  }
0x9f: {  	s6 =	simm.s32 $_scs_section_size  }
0xa0: {  	s7 =	simm.s32 $_size__tile_overlayer_lowered;
	s8 =	simm.s32 $_tile_overlayer_lowered  }
0xa1: {  	s22 =	simm.s32 $0x1BFF;
	s21 =	sshll.u32 s8, $0x1;
	s5 =	sadd.s32 s6, s19  }
0xa2: {  	s9 =	simm.s32 $0x0;
	s20 =	sshll.u32 s7, $0x1;
	s7 =	sadd.s32 s21, s5  }
0xa3: {  	[timem:s9], [sflag:s22] =	dma.local [hbm:s7], s20  }
0xa4: {  	_ =	swait.ge [sflag:s22], s20  }
0xa5: {  	s6 =	ssub.s32 $0x0, s20;
	[sflag:s22] =	ssyncset.done $0x0  }
0xa6: {  	[sflag:s22] =	ssyncadd.s32 s6;
	_ =	sdelay $0x1  }
0xa7: {  	s23 =	simm.s32 $0x1B8B  }
0xa8: {  	_ =	swait.ge [sflag:s23], $0x1  }
0xa9: {  	[sflag:s23] =	ssyncset.done $0x0  }
0xaa: {  	s25 =	simm.s32 $0x1B8E;
	s24 =	sld [smem:$0x3FFE];
	[sflag:s23] =	ssyncadd.s32 $0xFFFFFFFF  }
0xab: {  	s26 =	simm.s32 $execute0_lowered;
	[smem:$0x3FD2] =	sst s25  }
0xac: {  	s7 =	sshll.u32 s26, $0x1;
	_ =	strace $0x80000049;
	[dreg:$0x1] =	wrdreg $0xFFFFFFFF  }
0xad: {  	s28 =	simm.s32 $_size_execute0_lowered;
	s5 =	sadd.s32 s5, s7;
	[dreg:$0x0] =	wrdreg $0x0  }
0xae: {  	s7 =	sshll.u32 s28, $0x1;
	[dreg:$0x2] =	wrdreg s5  }
0xaf: {  	[dreg:$0x3] =	wrdreg s7  }
0xb0: {  	[dreg:$0x4] =	wrdreg $0xC0  }
0xb1: {  	_ =	task [dreg:s9], $0x5FFFF  }
0xb2: {  	[dreg:$0x1] =	wrdreg $0xFFFFFFFF  }
0xb3: {  	[dreg:$0x0] =	wrdreg $0x60  }
0xb4: {  	[dreg:$0x2] =	wrdreg s16  }
0xb5: {  	[dreg:$0x3] =	wrdreg s24  }
0xb6: {  	[dreg:$0x4] =	wrdreg s18  }
0xb7: {  	[dreg:$0x5] =	wrdreg s17  }
0xb8: {  	[dreg:$0x6] =	wrdreg $0x9  }
0xb9: {  	_ =	task.clear_ibuf [dreg:s9], $0x7FFFF;
	_ =	strace $0x90000049  }
0xba: {  	s29 =	simm.s32 $0x9;
	_ =	strace $0x8000004B  }
0xbb: {  	_ =	swait.ge [sflag:s29], $0x1  }
0xbc: {  	[sflag:s29] =	ssyncadd.s32 $0xFFFFFFFF  }
0xbd: {  	_ =	strace $0x9000004B  }
0xbe: {  	_ =	sfence  }
0xbf: {  	s30 =	sld [smem:$0x0];
	_ =	sdelay $0x2  }
0xc0: {  	s31 =	sshll.u32 s1, $0xD;
	s1 =	sshrl.u32 s1, $0x2  }
0xc1: {  	s3 =	sand.u32 $0x4000, s31;
	s1 =	sadd.s32 s1, s30  }
0xc2: {  	s0 =	sor.u32 s3, s0;
	s1 =	sshll.u32 s1, $0x11  }
0xc3: {  	s0 =	sor.u32 s1, s0  }
0xc4: {  	s0 =	sadd.s32 $0x8F2B, s0  }
0xc5: {  	[sflag:s0] =	ssyncadd.remote.s32 $0x1  }
0xc6: {  	_ =	sfence.sel $0xFFFF  }
0xc7: {  	[dreg:$0x0] =	wrdreg $0xFFFFFFFF;
	(pc) =	sbr.abs _section_cstart, $3  }
0xc8: {  	[dreg:$0x1] =	wrdreg $0xFFFFFFFF  }
0xc9: {  	_ =	task.clear_ibuf [dreg:s9], $0x2FFFF;
	_ =	strace $0x9FFFFFFF  }
0xca: {  	(tm) =	ssettm $0x7FFFFFFF  }
0xcb: {  	_ =	shalt  }
tec
execute0_lowered:
.L_overlay_start_1:
0x0: {  	(tag) =	ssettag $0x1  }
0x1: {  	s1 =	rddreg [dreg:$0x0]  }
0x2: {  	s0 =	srdreg.scid;
	s7 =	rddreg [dreg:$0x1]  }
0x3: {  	s3 =	stileid.u32;
	s8 =	rddreg [dreg:$0x3]  }
0x4: {  	s0 =	sand.u32 $0x1, s0;
	s2 =	sshll.u32 s3, $0x1;
	s17 =	sshrl.u32 s3, $0x2  }
0x5: {  	s3 =	simm.s32 $0x0;
	s5 =	sadd.s32 $0x2A000, s7;
	s6 =	sadd.s32 $0x2E000, s7  }
0x6: {  	s12 =	sadd.s32 $0x32000, s7;
	s19 =	sadd.s32 $0x32200, s7;
	s20 =	sadd.s32 $0x36400, s7  }
0x7: {  	s21 =	sadd.s32 $0x3A600, s7;
	s23 =	sadd.s32 $0x3E800, s7;
	[smem:$0x7FF] =	sst s3  }
0x8: {  	s25 =	sor.u32 s0, s2;
	_ =	strace $0x8000004A;
	[dreg:$0x5] =	wrdreg s12  }
0x9: {  	s4 =	sshll.u32 s17, $0xC;
	s2 =	sshll.u32 s17, $0xF;
	[dreg:$0x6] =	wrdreg s19  }
0xa: {  	s0 =	ssub.s32 $0x2, s0;
	s18 =	sshll.u32 s25, $0x7;
	[dreg:$0x7] =	wrdreg s20  }
0xb: {  	[dreg:$0x8] =	wrdreg s21;
	s22 =	sshrl.u32 s0, $0x1;
	s9 =	sand.u32 $0x380, s18  }
0xc: {  	[dreg:$0x9] =	wrdreg s23;
	s0 =	ssub.s32 s0, s22;
	s4 =	sor.u32 s4, s9  }
0xd: {  	s2 =	sor.u32 s2, s9;
	s0 =	smax.u32 s0, $0x1;
	s10 =	sshrl.u32 s4, $0x3  }
0xe: {  	s4 =	sadd.s32 $0x26000, s7;
	s2 =	sshrl.u32 s2, $0x3;
	[dreg:$0xf] =	wrdreg s0  }
0xf: {  	s11 =	sadd.s32 s10, s7;
	s7 =	sadd.s32 s2, s7;
	s24 =	sadd.s32 s8, s2  }
0x10: {  	[dreg:$0xa] =	wrdreg s24;
	s26 =	sadd.s32 $0x42A00, s7  }
0x11: {  	s31 =	sadd.s32 $0x46A00, s7;
	[dreg:$0xb] =	wrdreg s26  }
0x12: {  	s2 =	sadd.s32 $0x4AA00, s7;
	[dreg:$0xc] =	wrdreg s31  }
0x13: {  	s12 =	sadd.s32 s1, s10;
	s8 =	sadd.s32 $0x2000, s7;
	[dreg:$0xd] =	wrdreg s2  }
0x14: {  	s9 =	sadd.s32 $0x80, s12;
	[dreg:$0xe] =	wrdreg s8  }
0x15: {  	s13 =	sadd.s32 $0x6000, s11;
	s10 =	sadd.s32 $0x100, s12;
	[dreg:$0x10] =	wrdreg s9  }
0x16: {  	s14 =	sadd.s32 $0x16000, s11;
	s11 =	sadd.s32 $0x180, s12;
	[dreg:$0x11] =	wrdreg s10  }
0x17: {  	s15 =	sadd.s32 $0x4000, s12;
	[dreg:$0x12] =	wrdreg s11  }
0x18: {  	s16 =	sadd.s32 $0x4080, s12;
	[dreg:$0x13] =	wrdreg s15  }
0x19: {  	s17 =	sadd.s32 $0x4100, s12;
	[dreg:$0x14] =	wrdreg s16  }
0x1a: {  	s18 =	sadd.s32 $0x4180, s12;
	[dreg:$0x15] =	wrdreg s17  }
0x1b: {  	s19 =	sadd.s32 $0x8000, s12;
	[dreg:$0x16] =	wrdreg s18  }
0x1c: {  	s20 =	sadd.s32 $0x8080, s12;
	[dreg:$0x17] =	wrdreg s19  }
0x1d: {  	s21 =	sadd.s32 $0x8100, s12;
	[dreg:$0x18] =	wrdreg s20  }
0x1e: {  	s28 =	simm.s32 $0x18C00;
	s22 =	sadd.s32 $0x8180, s12;
	[dreg:$0x19] =	wrdreg s21  }
0x1f: {  	s29 =	simm.s32 $0x1;
	s23 =	sadd.s32 $0xC000, s12;
	[dreg:$0x1a] =	wrdreg s22  }
0x20: {  	s30 =	simm.s32 $0x0;
	s24 =	sadd.s32 $0xC080, s12;
	[dreg:$0x1b] =	wrdreg s23  }
0x21: {  	[dreg:$0x1c] =	wrdreg s24;
	s26 =	sadd.s32 $0xC100, s12;
	s31 =	sadd.s32 $0xC180, s12  }
0x22: {  	s9 =	simm.s32 $0x80;
	s10 =	simm.s32 $0x4000;
	s11 =	simm.s32 $0x2  }
0x23: {  	v0 =	vlaneseq.u32;
	s15 =	simm.s32 $0xF000;
	s16 =	simm.s32 $0x10000;
	s17 =	simm.s32 $0x400  }
0x24: {  	v1 =	vmul.u32 $0x80, v0;
	s18 =	simm.s32 $0x11C00;
	s19 =	simm.s32 $0x12C00;
	s20 =	simm.s32 $0x13C00  }
0x25: {  	v3 =	vimm.f32 $+Inf;
	v4 =	vimm.s32 $0x7FFFFFFF;
	s21 =	simm.s32 $0x2000;
	s22 =	simm.s32 $0x1000;
	[dreg:$0x1d] =	wrdreg s26  }
0x26: {  	v6 =	vimm.f32 $0.0e+00;
	v2 =	vmov s25;
	v5 =	vor.u32 $0x800, v1;
	s23 =	simm.s32 $0x14C00;
	[dreg:$0x1e] =	wrdreg s31;
	s26 =	simm.s32 $0x17C00  }
.LBB2_1:
0x27: {  	s0 =	simm.s32 $0x40;
	s1 =	simm.s32 $0x0  }
.LBB2_2:
0x28: {  	p0 =	sne.s32 s0, $0x3FC0;
	[tilespmem:s1+$0x0] =	vst v3;
	s2 =	smov.u32 s0;
	s0 =	sadd.s32 $0x40, s0  }
.Ltmp0:
0x29: {  	[tilespmem:s1+$0x1000] =	vst v4;
	(pc) =	sbr.rel @p0 .LBB2_2-.Ltmp0, $2  }
0x2a: {  	_ =	sdelay $0x2  }
0x2b: {  	s1 =	sshra.s32 s2, $0x2  }
0x2c: {  	[tilespmem:s1+$0x0] =	vst v3  }
0x2d: {  	[tilespmem:s1+$0x1000] =	vst v4;
	s0 =	simm.s32 $0x3000  }
0x2e: {  	[tilespmem:s0], [sflag:$0x2] =	stream.strided.gather [hbm4b:s12+s9], $0x400, s10, s9, $0x38;
	[tilespmem:$0x1AC00] =	vst v63  }
0x2f: {  	s1 =	rddreg [dreg:$0x10];
	s2 =	simm.s32 $0x3400  }
0x30: {  	[tilespmem:s2], [sflag:$0x2] =	stream.strided.gather [hbm4b:s1+s9], $0x400, s10, s9, $0x38;
	[tilespmem:$0x1AC00] =	vst v63  }
0x31: {  	s7 =	rddreg [dreg:$0x11];
	s8 =	simm.s32 $0x3800  }
0x32: {  	[tilespmem:s8], [sflag:$0x2] =	stream.strided.gather [hbm4b:s7+s9], $0x400, s10, s9, $0x38;
	[tilespmem:$0x1AC00] =	vst v63  }
0x33: {  	s24 =	rddreg [dreg:$0x12];
	s25 =	simm.s32 $0x3C00  }
0x34: {  	[tilespmem:s25], [sflag:$0x2] =	stream.strided.gather [hbm4b:s24+s9], $0x400, s10, s9, $0x38;
	[tilespmem:$0x1AC00] =	vst v63  }
0x35: {  	s2 =	rddreg [dreg:$0x13]  }
0x36: {  	[tilespmem:s10], [sflag:$0x2] =	stream.strided.gather [hbm4b:s2+s9], $0x400, s10, s9, $0x38;
	[tilespmem:$0x1AC00] =	vst v63  }
0x37: {  	s7 =	rddreg [dreg:$0x14];
	s8 =	simm.s32 $0x4400  }
0x38: {  	[tilespmem:s8], [sflag:$0x2] =	stream.strided.gather [hbm4b:s7+s9], $0x400, s10, s9, $0x38;
	[tilespmem:$0x1AC00] =	vst v63  }
0x39: {  	s24 =	rddreg [dreg:$0x15];
	s25 =	simm.s32 $0x4800  }
0x3a: {  	[tilespmem:s25], [sflag:$0x2] =	stream.strided.gather [hbm4b:s24+s9], $0x400, s10, s9, $0x38;
	[tilespmem:$0x1AC00] =	vst v63  }
0x3b: {  	s1 =	rddreg [dreg:$0x16];
	s2 =	simm.s32 $0x4C00  }
0x3c: {  	[tilespmem:s2], [sflag:$0x2] =	stream.strided.gather [hbm4b:s1+s9], $0x400, s10, s9, $0x38;
	[tilespmem:$0x1AC00] =	vst v63  }
0x3d: {  	s7 =	rddreg [dreg:$0x17];
	s8 =	simm.s32 $0x5000  }
0x3e: {  	[tilespmem:s8], [sflag:$0x2] =	stream.strided.gather [hbm4b:s7+s9], $0x400, s10, s9, $0x38;
	[tilespmem:$0x1AC00] =	vst v63  }
0x3f: {  	s24 =	rddreg [dreg:$0x18];
	s25 =	simm.s32 $0x5400  }
0x40: {  	[tilespmem:s25], [sflag:$0x2] =	stream.strided.gather [hbm4b:s24+s9], $0x400, s10, s9, $0x38;
	[tilespmem:$0x1AC00] =	vst v63  }
0x41: {  	s1 =	rddreg [dreg:$0x19];
	s2 =	simm.s32 $0x5800  }
0x42: {  	[tilespmem:s2], [sflag:$0x2] =	stream.strided.gather [hbm4b:s1+s9], $0x400, s10, s9, $0x38;
	[tilespmem:$0x1AC00] =	vst v63  }
0x43: {  	s7 =	rddreg [dreg:$0x1a];
	s8 =	simm.s32 $0x5C00  }
0x44: {  	[tilespmem:s8], [sflag:$0x2] =	stream.strided.gather [hbm4b:s7+s9], $0x400, s10, s9, $0x38;
	[tilespmem:$0x1AC00] =	vst v63  }
0x45: {  	s24 =	rddreg [dreg:$0x1b];
	s25 =	simm.s32 $0x6000  }
0x46: {  	[tilespmem:s25], [sflag:$0x2] =	stream.strided.gather [hbm4b:s24+s9], $0x400, s10, s9, $0x38;
	[tilespmem:$0x1AC00] =	vst v63  }
0x47: {  	s1 =	rddreg [dreg:$0x1c];
	s2 =	simm.s32 $0x6400  }
0x48: {  	[tilespmem:s2], [sflag:$0x2] =	stream.strided.gather [hbm4b:s1+s9], $0x400, s10, s9, $0x38;
	[tilespmem:$0x1AC00] =	vst v63  }
0x49: {  	s7 =	rddreg [dreg:$0x1d];
	s8 =	simm.s32 $0x6800  }
0x4a: {  	[tilespmem:s8], [sflag:$0x2] =	stream.strided.gather [hbm4b:s7+s9], $0x400, s10, s9, $0x38;
	[tilespmem:$0x1AC00] =	vst v63  }
0x4b: {  	s24 =	rddreg [dreg:$0x1e];
	s25 =	simm.s32 $0x6C00  }
0x4c: {  	[tilespmem:s25], [sflag:$0x2] =	stream.strided.gather [hbm4b:s24+s9], $0x400, s10, s9, $0x38;
	[tilespmem:$0x1AC00] =	vst v63  }
0x4d: {  	_ =	swait.ge [sflag:s11], $0x4000  }
0x4e: {  	[sflag:s11] =	ssyncset.done $0x0  }
0x4f: {  	s2 =	simm.s32 $0x7000;
	[sflag:s11] =	ssyncadd.s32 $0xFFFFC000  }
0x50: {  	[tilespmem:s2], [sflag:$0x2] =	stream.strided.gather [hbm4b:s13+s9], $0x400, s10, s9, $0x38;
	[tilespmem:$0x1AC00] =	vst v63  }
0x51: {  	s7 =	sadd.s32 $0x80, s13;
	s8 =	simm.s32 $0x7400  }
0x52: {  	[tilespmem:s8], [sflag:$0x2] =	stream.strided.gather [hbm4b:s7+s9], $0x400, s10, s9, $0x38;
	[tilespmem:$0x1AC00] =	vst v63  }
0x53: {  	s24 =	sadd.s32 $0x100, s13;
	s25 =	simm.s32 $0x7800  }
0x54: {  	[tilespmem:s25], [sflag:$0x2] =	stream.strided.gather [hbm4b:s24+s9], $0x400, s10, s9, $0x38;
	[tilespmem:$0x1AC00] =	vst v63  }
0x55: {  	s1 =	sadd.s32 $0x180, s13;
	s2 =	simm.s32 $0x7C00  }
0x56: {  	[tilespmem:s2], [sflag:$0x2] =	stream.strided.gather [hbm4b:s1+s9], $0x400, s10, s9, $0x38;
	[tilespmem:$0x1AC00] =	vst v63  }
0x57: {  	s7 =	sadd.s32 $0x4000, s13;
	s8 =	simm.s32 $0x8000  }
0x58: {  	[tilespmem:s8], [sflag:$0x2] =	stream.strided.gather [hbm4b:s7+s9], $0x400, s10, s9, $0x38;
	[tilespmem:$0x1AC00] =	vst v63  }
0x59: {  	s24 =	sadd.s32 $0x4080, s13;
	s25 =	simm.s32 $0x8400  }
0x5a: {  	[tilespmem:s25], [sflag:$0x2] =	stream.strided.gather [hbm4b:s24+s9], $0x400, s10, s9, $0x38;
	[tilespmem:$0x1AC00] =	vst v63  }
0x5b: {  	s1 =	sadd.s32 $0x4100, s13;
	s2 =	simm.s32 $0x8800  }
0x5c: {  	[tilespmem:s2], [sflag:$0x2] =	stream.strided.gather [hbm4b:s1+s9], $0x400, s10, s9, $0x38;
	[tilespmem:$0x1AC00] =	vst v63  }
0x5d: {  	s7 =	sadd.s32 $0x4180, s13;
	s8 =	simm.s32 $0x8C00  }
0x5e: {  	[tilespmem:s8], [sflag:$0x2] =	stream.strided.gather [hbm4b:s7+s9], $0x400, s10, s9, $0x38;
	[tilespmem:$0x1AC00] =	vst v63  }
0x5f: {  	s24 =	sadd.s32 $0x8000, s13;
	s25 =	simm.s32 $0x9000  }
0x60: {  	[tilespmem:s25], [sflag:$0x2] =	stream.strided.gather [hbm4b:s24+s9], $0x400, s10, s9, $0x38;
	[tilespmem:$0x1AC00] =	vst v63  }
0x61: {  	s1 =	sadd.s32 $0x8080, s13;
	s2 =	simm.s32 $0x9400  }
0x62: {  	[tilespmem:s2], [sflag:$0x2] =	stream.strided.gather [hbm4b:s1+s9], $0x400, s10, s9, $0x38;
	[tilespmem:$0x1AC00] =	vst v63  }
0x63: {  	s7 =	sadd.s32 $0x8100, s13;
	s8 =	simm.s32 $0x9800  }
0x64: {  	[tilespmem:s8], [sflag:$0x2] =	stream.strided.gather [hbm4b:s7+s9], $0x400, s10, s9, $0x38;
	[tilespmem:$0x1AC00] =	vst v63  }
0x65: {  	s24 =	sadd.s32 $0x8180, s13;
	s25 =	simm.s32 $0x9C00  }
0x66: {  	[tilespmem:s25], [sflag:$0x2] =	stream.strided.gather [hbm4b:s24+s9], $0x400, s10, s9, $0x38;
	[tilespmem:$0x1AC00] =	vst v63  }
0x67: {  	s1 =	sadd.s32 $0xC000, s13;
	s2 =	simm.s32 $0xA000  }
0x68: {  	[tilespmem:s2], [sflag:$0x2] =	stream.strided.gather [hbm4b:s1+s9], $0x400, s10, s9, $0x38;
	[tilespmem:$0x1AC00] =	vst v63  }
0x69: {  	s7 =	sadd.s32 $0xC080, s13;
	s8 =	simm.s32 $0xA400  }
0x6a: {  	[tilespmem:s8], [sflag:$0x2] =	stream.strided.gather [hbm4b:s7+s9], $0x400, s10, s9, $0x38;
	[tilespmem:$0x1AC00] =	vst v63  }
0x6b: {  	s24 =	sadd.s32 $0xC100, s13;
	s25 =	simm.s32 $0xA800  }
0x6c: {  	[tilespmem:s25], [sflag:$0x2] =	stream.strided.gather [hbm4b:s24+s9], $0x400, s10, s9, $0x38;
	[tilespmem:$0x1AC00] =	vst v63  }
0x6d: {  	s2 =	sadd.s32 $0xC180, s13;
	s7 =	simm.s32 $0xAC00  }
0x6e: {  	[tilespmem:s7], [sflag:$0x2] =	stream.strided.gather [hbm4b:s2+s9], $0x400, s10, s9, $0x38;
	[tilespmem:$0x1AC00] =	vst v63  }
0x6f: {  	_ =	swait.ge [sflag:s11], $0x4000  }
0x70: {  	[sflag:s11] =	ssyncset.done $0x0  }
0x71: {  	s8 =	simm.s32 $0xB000;
	[sflag:s11] =	ssyncadd.s32 $0xFFFFC000  }
0x72: {  	[tilespmem:s8], [sflag:$0x2] =	stream.strided.gather [hbm4b:s14+s9], $0x400, s10, s9, $0x38;
	[tilespmem:$0x1AC00] =	vst v63  }
0x73: {  	s24 =	sadd.s32 $0x80, s14;
	s25 =	simm.s32 $0xB400  }
0x74: {  	[tilespmem:s25], [sflag:$0x2] =	stream.strided.gather [hbm4b:s24+s9], $0x400, s10, s9, $0x38;
	[tilespmem:$0x1AC00] =	vst v63  }
0x75: {  	s1 =	sadd.s32 $0x100, s14;
	s2 =	simm.s32 $0xB800  }
0x76: {  	[tilespmem:s2], [sflag:$0x2] =	stream.strided.gather [hbm4b:s1+s9], $0x400, s10, s9, $0x38;
	[tilespmem:$0x1AC00] =	vst v63  }
0x77: {  	s7 =	sadd.s32 $0x180, s14;
	s8 =	simm.s32 $0xBC00  }
0x78: {  	[tilespmem:s8], [sflag:$0x2] =	stream.strided.gather [hbm4b:s7+s9], $0x400, s10, s9, $0x38;
	[tilespmem:$0x1AC00] =	vst v63  }
0x79: {  	s24 =	sadd.s32 $0x4000, s14;
	s25 =	simm.s32 $0xC000  }
0x7a: {  	[tilespmem:s25], [sflag:$0x2] =	stream.strided.gather [hbm4b:s24+s9], $0x400, s10, s9, $0x38;
	[tilespmem:$0x1AC00] =	vst v63  }
0x7b: {  	s1 =	sadd.s32 $0x4080, s14;
	s2 =	simm.s32 $0xC400  }
0x7c: {  	[tilespmem:s2], [sflag:$0x2] =	stream.strided.gather [hbm4b:s1+s9], $0x400, s10, s9, $0x38;
	[tilespmem:$0x1AC00] =	vst v63  }
0x7d: {  	s7 =	sadd.s32 $0x4100, s14;
	s8 =	simm.s32 $0xC800  }
0x7e: {  	[tilespmem:s8], [sflag:$0x2] =	stream.strided.gather [hbm4b:s7+s9], $0x400, s10, s9, $0x38;
	[tilespmem:$0x1AC00] =	vst v63  }
0x7f: {  	s24 =	sadd.s32 $0x4180, s14;
	s25 =	simm.s32 $0xCC00  }
0x80: {  	[tilespmem:s25], [sflag:$0x2] =	stream.strided.gather [hbm4b:s24+s9], $0x400, s10, s9, $0x38;
	[tilespmem:$0x1AC00] =	vst v63  }
0x81: {  	s1 =	sadd.s32 $0x8000, s14;
	s2 =	simm.s32 $0xD000  }
0x82: {  	[tilespmem:s2], [sflag:$0x2] =	stream.strided.gather [hbm4b:s1+s9], $0x400, s10, s9, $0x38;
	[tilespmem:$0x1AC00] =	vst v63  }
0x83: {  	s7 =	sadd.s32 $0x8080, s14;
	s8 =	simm.s32 $0xD400  }
0x84: {  	[tilespmem:s8], [sflag:$0x2] =	stream.strided.gather [hbm4b:s7+s9], $0x400, s10, s9, $0x38;
	[tilespmem:$0x1AC00] =	vst v63  }
0x85: {  	s24 =	sadd.s32 $0x8100, s14;
	s25 =	simm.s32 $0xD800  }
0x86: {  	[tilespmem:s25], [sflag:$0x2] =	stream.strided.gather [hbm4b:s24+s9], $0x400, s10, s9, $0x38;
	[tilespmem:$0x1AC00] =	vst v63  }
0x87: {  	s1 =	sadd.s32 $0x8180, s14;
	s2 =	simm.s32 $0xDC00  }
0x88: {  	[tilespmem:s2], [sflag:$0x2] =	stream.strided.gather [hbm4b:s1+s9], $0x400, s10, s9, $0x38;
	[tilespmem:$0x1AC00] =	vst v63  }
0x89: {  	s7 =	sadd.s32 $0xC000, s14;
	s8 =	simm.s32 $0xE000  }
0x8a: {  	[tilespmem:s8], [sflag:$0x2] =	stream.strided.gather [hbm4b:s7+s9], $0x400, s10, s9, $0x38;
	[tilespmem:$0x1AC00] =	vst v63  }
0x8b: {  	s24 =	sadd.s32 $0xC080, s14;
	s25 =	simm.s32 $0xE400  }
0x8c: {  	[tilespmem:s25], [sflag:$0x2] =	stream.strided.gather [hbm4b:s24+s9], $0x400, s10, s9, $0x38;
	[tilespmem:$0x1AC00] =	vst v63  }
0x8d: {  	s1 =	sadd.s32 $0xC100, s14;
	s2 =	simm.s32 $0xE800  }
0x8e: {  	[tilespmem:s2], [sflag:$0x2] =	stream.strided.gather [hbm4b:s1+s9], $0x400, s10, s9, $0x38;
	[tilespmem:$0x1AC00] =	vst v63  }
0x8f: {  	s7 =	sadd.s32 $0xC180, s14;
	s8 =	simm.s32 $0xEC00  }
0x90: {  	[tilespmem:s8], [sflag:$0x2] =	stream.strided.gather [hbm4b:s7+s9], $0x400, s10, s9, $0x38;
	[tilespmem:$0x1AC00] =	vst v63  }
0x91: {  	_ =	swait.ge [sflag:s11], $0x4000  }
0x92: {  	[sflag:s11] =	ssyncset.done $0x0  }
0x93: {  	[sflag:s11] =	ssyncadd.s32 $0xFFFFC000  }
0x94: {  	s31 =	simm.s32 $0x0;
	s24 =	rddreg [dreg:$0x2]  }
0x95: {  	[tilespmem:s15], [sflag:$0x2] =	stream.linear.gather [hbm4b:s24+s31], $0x1000, $0x38;
	[tilespmem:$0x1AC00] =	vst v63  }
0x96: {  	_ =	swait.ge [sflag:s11], $0x1000  }
0x97: {  	[sflag:s11] =	ssyncset.done $0x0  }
.Ltmp1:
0x98: {  	s25 =	rddreg [dreg:$0x5];
	[sflag:s11] =	ssyncadd.s32 $0xFFFFF000;
	(pc) =	sbr.rel .LBB2_4-.Ltmp1, $4  }
0x99: {  	[tilespmem:s16], [sflag:$0x2] =	stream.linear.gather [hbm4b:s25+s31], $0x1000, $0x38;
	[tilespmem:$0x1AC00] =	vst v63  }
0x9a: {  	_ =	swait.ge [sflag:s11], $0x1000  }
0x9b: {  	[sflag:s11] =	ssyncset.done $0x0  }
0x9c: {  	[sflag:s11] =	ssyncadd.s32 $0xFFFFF000  }
.LBB2_12:
0x9d: {  	s31 =	sadd.s32 $0x1, s31  }
0x9e: {  	p0 =	sne.s32 s31, $0x20  }
.Ltmp2:
0x9f: {  	_ = 	snop;
	(pc) =	sbr.rel @!p0 .LBB2_13-.Ltmp2, $1  }
0xa0: {  	_ =	sdelay $0x3  }
.LBB2_4:
0xa1: {  	s1 =	sshll.u32 s31, $0x7  }
0xa2: {  	v7 =	vor.u32 s1, v2  }
0xa3: {  	v7 =	vbroadcast v7, $0x0;
	_ =	sdelay $0x5  }
0xa4: {  	v7 =	vld.idx.msk [tilespmem:v7+s15+$0x0], $0xffff;
	_ =	sdelay $0x4  }
0xa5: {  	(v2sf) =	vpush v7, $0x0;
	_ =	sdelay $0xe  }
0xa6: {  	s7 =	spop (v2sf)  }
0xa7: {  	p0 =	slt.s32 s7, $0x200  }
0xa8: {  	s7 =	simm.s32 @!p0 $0x200  }
0xa9: {  	s0 =	sadd.s32 $0xF, s7  }
0xaa: {  	s0 =	sshrl.u32 s0, $0x4  }
0xab: {  	p0 =	seq.s32 s0, $0x0  }
.Ltmp3:
0xac: {  	_ = 	snop;
	(pc) =	sbr.rel @p0 .LBB2_12-.Ltmp3, $1  }
0xad: {  	_ =	sdelay $0x3  }
0xae: {  	s2 =	sshll.u32 s31, $0x9  }
0xaf: {  	s1 =	sand.u32 $0x380, s1;
	v7 =	vmov s7;
	s7 =	simm.s32 $0x0;
	s2 =	sand.u32 $0x3000, s2  }
0xb0: {  	s8 =	simm.s32 $0x0;
	s2 =	sor.u32 s1, s2;
	s1 =	simm.s32 $0x0  }
.LBB2_6:
0xb1: {  	s24 =	sand.u32 $0xFFFFFC00, s8  }
0xb2: {  	s25 =	sand.u32 $0x70, s7;
	s24 =	sadd.s32 s2, s24  }
0xb3: {  	s24 =	sor.u32 s25, s24  }
0xb4: {  	v8 =	vld [tilespmem:s24+$0x3000];
	_ =	sdelay $0x4  }
0xb5: {  	v9 =	vor.u32 s7, v0;
	v10 =	vshrl.u32 v8, $0x5  }
0xb6: {  	vm0 =	vlt.s32 v9, v7;
	v8 =	vand.u32 $0x7F, v8;
	v60 =	vand.u32 $0xF80, v10  }
0xb7: {  	v8 =	vor.u32 v8, v60;
	_ =	sdelay $0x3  }
0xb8: {  	v61 =	vld [tilespmem:s24+$0x7000]  }
0xb9: {  	v62 =	vld [tilespmem:s24+$0xB000];
	[tilespmem:v8+s21+$0x0] =	vst.idx.msk vm0, v0  }
0xba: {  	v11 =	vld.idx.msk [tilespmem:v8+s21+$0x0], vm0;
	_ =	sdelay $0x4  }
0xbb: {  	vm1 =	veq.s32 v11, v0  }
0xbc: {  	vm1 =	vmand vm0, vm1;
	_ =	sdelay $0x5  }
0xbd: {  	vm0 =	vmxor vm0, vm1;
	v63 =	vld.idx.msk [tilespmem:v8+s3+$0x0], vm1  }
0xbe: {  	v13 =	vmpcnt.ones.xlane vm0;
	v12 =	vld.idx.msk [tilespmem:v8+s22+$0x0], vm1;
	_ =	sdelay $0x1  }
0xbf: {  	(v2sf) =	vpush v13, $0x0;
	_ =	sdelay $0x2  }
0xc0: {  	vm2 =	veq.f32 v61, v63;
	vm3 =	vlt.s32 v62, v12  }
0xc1: {  	vm4 =	vlt.f32 v61, v63;
	vm2 =	vmand vm2, vm3  }
0xc2: {  	vm2 =	vmor vm4, vm2  }
0xc3: {  	vm1 =	vmand vm1, vm2;
	_ =	sdelay $0x4  }
0xc4: {  	p0 =	sne.s32 s0, $0x1  }
.Ltmp4:
0xc5: {  	[tilespmem:v8+s3+$0x0] =	vst.idx.msk vm1, v61;
	(pc) =	sbr.rel @p0 .LBB2_6-.Ltmp4, $4  }
0xc6: {  	[tilespmem:v8+s22+$0x0] =	vst.idx.msk vm1, v62  }
0xc7: {  	[tilespmem:s1+$0x11000] =	vst.msk vm0, v8  }
0xc8: {  	s8 =	sadd.s32 $0x80, s8;
	s25 =	spop (v2sf);
	[tilespmem:s1+$0x11400] =	vst.msk vm0, v61  }
0xc9: {  	s7 =	sadd.s32 $0x10, s7;
	s0 =	sadd.s32 $0xFFFFFFFF, s0;
	[tilespmem:s1+$0x11800] =	vst.msk vm0, v62;
	s1 =	sadd.s32 s1, s25  }
0xca: {  	p0 =	slt.s32 s1, $0x1  }
.Ltmp5:
0xcb: {  	_ = 	snop;
	(pc) =	sbr.rel @p0 .LBB2_12-.Ltmp5, $1  }
0xcc: {  	_ =	sdelay $0x3  }
.Ltmp6:
0xcd: {  	(pc) =	sbr.rel .LBB2_9-.Ltmp6, $3  }
0xce: {  	_ =	sdelay $0x1  }
0xcf: {  	s0 =	sadd.s32 $0xF, s1  }
0xd0: {  	v7 =	vmov s1;
	s1 =	simm.s32 $0x0;
	s0 =	sshrl.u32 s0, $0x4  }
.LBB2_11:
0xd1: {  	s1 =	sadd.s32 $0x1, s1  }
0xd2: {  	p0 =	sne.s32 s1, s0  }
.Ltmp7:
0xd3: {  	_ = 	snop;
	(pc) =	sbr.rel @!p0 .LBB2_12-.Ltmp7, $1  }
0xd4: {  	_ =	sdelay $0x3  }
.LBB2_9:
0xd5: {  	s2 =	sshll.u32 s1, $0x4  }
0xd6: {  	v8 =	vld [tilespmem:s2+$0x11000]  }
0xd7: {  	v9 =	vor.u32 s2, v0  }
0xd8: {  	vm0 =	vlt.s32 v9, v7;
	_ =	sdelay $0x4  }
0xd9: {  	v10 =	vld [tilespmem:s2+$0x11800]  }
0xda: {  	v9 =	vld [tilespmem:s2+$0x11400];
	[tilespmem:v8+s21+$0x0] =	vst.idx.msk vm0, v0  }
0xdb: {  	v11 =	vld.idx.msk [tilespmem:v8+s21+$0x0], vm0;
	_ =	sdelay $0x4  }
0xdc: {  	vm1 =	veq.s32 v11, v0  }
0xdd: {  	vm1 =	vmand vm0, vm1  }
0xde: {  	vm0 =	vmxor vm0, vm1  }
0xdf: {  	v11 =	vsel vm0, $0x3F800000, v6  }
0xe0: {  	(xrf0) =	vmax.scan.msk.f32 $0xffff, v11;
	_ =	sdelay $0x5  }
0xe1: {  	v11, _, _ =	vpop (xrf0)  }
0xe2: {  	(v2sf) =	vpush v11, $0xF;
	_ =	sdelay $0x4  }
0xe3: {  	v12 =	vld.idx.msk [tilespmem:v8+s22+$0x0], vm1  }
0xe4: {  	v11 =	vld.idx.msk [tilespmem:v8+s3+$0x0], vm1;
	_ =	sdelay $0x4  }
0xe5: {  	vm3 =	vlt.s32 v10, v12;
	vm2 =	veq.f32 v9, v11  }
0xe6: {  	vm4 =	vlt.f32 v9, v11;
	vm2 =	vmand vm2, vm3  }
0xe7: {  	vm2 =	vmor vm4, vm2  }
0xe8: {  	vm1 =	vmand vm1, vm2  }
0xe9: {  	s25 =	spop (v2sf)  }
0xea: {  	p0 =	sgt.f32 s25, $0.0e+00  }
.Ltmp8:
0xeb: {  	_ = 	snop;
	(pc) =	sbr.rel @!p0 .LBB2_11-.Ltmp8, $3  }
0xec: {  	_ =	sdelay $0x1  }
0xed: {  	[tilespmem:v8+s3+$0x0] =	vst.idx.msk vm1, v9  }
0xee: {  	[tilespmem:v8+s22+$0x0] =	vst.idx.msk vm1, v10  }
.LBB2_10:
0xef: {  	[tilespmem:v8+s21+$0x0] =	vst.idx.msk vm0, v0  }
0xf0: {  	v11 =	vld.idx.msk [tilespmem:v8+s21+$0x0], vm0;
	_ =	sdelay $0x4  }
0xf1: {  	vm1 =	veq.s32 v11, v0  }
0xf2: {  	vm1 =	vmand vm0, vm1  }
0xf3: {  	vm0 =	vmxor vm0, vm1  }
0xf4: {  	v11 =	vsel vm0, $0x3F800000, v6  }
0xf5: {  	(xrf0) =	vmax.scan.msk.f32 $0xffff, v11;
	_ =	sdelay $0x5  }
0xf6: {  	v11, _, _ =	vpop (xrf0)  }
0xf7: {  	(v2sf) =	vpush v11, $0xF;
	_ =	sdelay $0x4  }
0xf8: {  	v12 =	vld.idx.msk [tilespmem:v8+s22+$0x0], vm1  }
0xf9: {  	v11 =	vld.idx.msk [tilespmem:v8+s3+$0x0], vm1;
	_ =	sdelay $0x4  }
0xfa: {  	vm3 =	vlt.s32 v10, v12;
	vm2 =	veq.f32 v9, v11  }
0xfb: {  	vm4 =	vlt.f32 v9, v11;
	vm2 =	vmand vm2, vm3  }
0xfc: {  	vm2 =	vmor vm4, vm2  }
0xfd: {  	vm1 =	vmand vm1, vm2  }
0xfe: {  	s2 =	spop (v2sf)  }
0xff: {  	p0 =	sgt.f32 s2, $0.0e+00  }
.Ltmp9:
0x100: {  	_ = 	snop;
	(pc) =	sbr.rel @p0 .LBB2_10-.Ltmp9, $3  }
0x101: {  	_ =	sdelay $0x1  }
0x102: {  	[tilespmem:v8+s3+$0x0] =	vst.idx.msk vm1, v9  }
0x103: {  	[tilespmem:v8+s22+$0x0] =	vst.idx.msk vm1, v10  }
.Ltmp10:
0x104: {  	_ = 	snop;
	(pc) =	sbr.rel .LBB2_11-.Ltmp10, $1  }
0x105: {  	_ =	sdelay $0x3  }
.LBB2_13:
0x106: {  	_ =	sdelay $0x3  }
0x107: {  	v7 =	vld.idx.msk [tilespmem:v1+s16+$0x0], $0xffff  }
0x108: {  	v8 =	vld.idx.msk [tilespmem:v5+s16+$0x0], $0xffff;
	_ =	sdelay $0x4  }
0x109: {  	vm0 =	vgt.s32 v7, $0x0;
	vm1 =	vgt.s32 v8, $0x0  }
0x10a: {  	vm0 =	vmor vm0, vm1  }
0x10b: {  	v7 =	vsel vm0, $0x3F800000, v6  }
0x10c: {  	(xrf0) =	vmax.scan.msk.f32 $0xffff, v7;
	_ =	sdelay $0x5  }
0x10d: {  	v7, _, _ =	vpop (xrf0)  }
0x10e: {  	(v2sf) =	vpush v7, $0xF;
	_ =	sdelay $0xe  }
0x10f: {  	s0 =	spop (v2sf)  }
0x110: {  	p0 =	sgt.f32 s0, $0.0e+00  }
.Ltmp11:
0x111: {  	_ = 	snop;
	(pc) =	sbr.rel @p0 .LBB2_14-.Ltmp11, $2  }
0x112: {  	_ =	sdelay $0x2  }
0x113: {  	s1 =	simm.s32 $0x0  }
.LBB2_20:
0x114: {  	s31 =	simm.s32 $0x0  }
0x115: {  	v7 =	vld [tilespmem:s31+$0x1070]  }
0x116: {  	v8 =	vld [tilespmem:s31+$0x70]  }
0x117: {  	v9 =	vld [tilespmem:s31+$0x1000]  }
0x118: {  	v11 =	vld [tilespmem:s31+$0x1020]  }
0x119: {  	v10 =	vld [tilespmem:s31+$0x1010]  }
0x11a: {  	v13 =	vld [tilespmem:s31+$0x1040];
	vm0 =	veq.s32 v7, $0x7FFFFFFF  }
0x11b: {  	v12 =	vld [tilespmem:s31+$0x1030];
	v8 =	vsel vm0, $0x0, v8  }
0x11c: {  	v14 =	vld [tilespmem:s31+$0x1050];
	vm4 =	veq.s32 v9, $0x7FFFFFFF;
	v7 =	vsel vm0, $0x20000, v7;
	[tilespmem:s31+$0x19C70] =	vst v8  }
0x11d: {  	v15 =	vld [tilespmem:s31+$0x1060];
	vm0 =	veq.s32 v11, $0x7FFFFFFF;
	[tilespmem:s31+$0x14C70] =	vst v7;
	v7 =	vsel vm4, $0x20000, v9  }
0x11e: {  	vm5 =	veq.s32 v10, $0x7FFFFFFF;
	v9 =	vld [tilespmem:s31+$0x0];
	v8 =	vsel vm0, $0x20000, v11;
	[tilespmem:s31+$0x14C00] =	vst v7  }
0x11f: {  	v16 =	vld [tilespmem:s31+$0x10];
	vm2 =	veq.s32 v13, $0x7FFFFFFF;
	v7 =	vsel vm5, $0x20000, v10;
	[tilespmem:s31+$0x14C20] =	vst v8  }
0x120: {  	vm1 =	veq.s32 v12, $0x7FFFFFFF;
	v11 =	vsel vm2, $0x20000, v13;
	[tilespmem:s31+$0x14C10] =	vst v7;
	v7 =	vld [tilespmem:s31+$0x20]  }
0x121: {  	vm3 =	veq.s32 v14, $0x7FFFFFFF;
	v10 =	vsel vm1, $0x20000, v12;
	v8 =	vld [tilespmem:s31+$0x30];
	[tilespmem:s31+$0x14C40] =	vst v11  }
0x122: {  	v12 =	vsel vm3, $0x20000, v14;
	[tilespmem:s31+$0x14C30] =	vst v10;
	v10 =	vld [tilespmem:s31+$0x40]  }
0x123: {  	v11 =	vld [tilespmem:s31+$0x50];
	[tilespmem:s31+$0x14C50] =	vst v12;
	v9 =	vsel vm4, $0x0, v9;
	vm4 =	veq.s32 v15, $0x7FFFFFFF  }
0x124: {  	s1 =	simm.s32 $0x80;
	s0 =	simm.s32 $0x400;
	v13 =	vsel vm5, $0x0, v16;
	v12 =	vld [tilespmem:s31+$0x60];
	[tilespmem:s31+$0x19C00] =	vst v9;
	v9 =	vsel vm4, $0x20000, v15  }
.LBB2_21:
0x125: {  	p0 =	sne.s32 s0, $0x3E00;
	v14 =	vld [tilespmem:s1+$0x1070];
	[tilespmem:s31+$0x19C10] =	vst v13;
	v7 =	vsel vm0, $0x0, v7  }
0x126: {  	v13 =	vld [tilespmem:s1+$0x70];
	[tilespmem:s31+$0x19C20] =	vst v7;
	v7 =	vsel vm1, $0x0, v8  }
0x127: {  	v8 =	vld [tilespmem:s1+$0x1000];
	[tilespmem:s31+$0x19C30] =	vst v7;
	v7 =	vsel vm2, $0x0, v10  }
0x128: {  	v10 =	vld [tilespmem:s1+$0x1010];
	[tilespmem:s31+$0x19C40] =	vst v7;
	v7 =	vsel vm3, $0x0, v11  }
0x129: {  	v11 =	vld [tilespmem:s1+$0x1020];
	[tilespmem:s31+$0x19C50] =	vst v7;
	v7 =	vsel vm4, $0x0, v12  }
0x12a: {  	v12 =	vld [tilespmem:s1+$0x1030];
	vm0 =	veq.s32 v14, $0x7FFFFFFF;
	[tilespmem:s31+$0x14C60] =	vst v9  }
0x12b: {  	v9 =	vld [tilespmem:s1+$0x1040];
	v14 =	vsel vm0, $0x20000, v14;
	v13 =	vsel vm0, $0x0, v13;
	[tilespmem:s31+$0x19C60] =	vst v7;
	s31 =	smov.u32 s1  }
0x12c: {  	vm6 =	veq.s32 v8, $0x7FFFFFFF;
	v15 =	vld [tilespmem:s31+$0x1050];
	[tilespmem:s31+$0x19C70] =	vst v13  }
0x12d: {  	v7 =	vsel vm6, $0x20000, v8;
	vm5 =	veq.s32 v10, $0x7FFFFFFF;
	v13 =	vld [tilespmem:s31+$0x1060];
	[tilespmem:s31+$0x14C70] =	vst v14  }
0x12e: {  	v14 =	vld [tilespmem:s31+$0x0];
	[tilespmem:s31+$0x14C00] =	vst v7;
	v7 =	vsel vm5, $0x20000, v10;
	vm0 =	veq.s32 v11, $0x7FFFFFFF  }
0x12f: {  	v16 =	vld [tilespmem:s31+$0x10];
	[tilespmem:s31+$0x14C10] =	vst v7;
	v8 =	vsel vm0, $0x20000, v11;
	vm1 =	veq.s32 v12, $0x7FFFFFFF  }
.Ltmp12:
0x130: {  	v7 =	vld [tilespmem:s31+$0x20];
	[tilespmem:s31+$0x14C20] =	vst v8;
	v10 =	vsel vm1, $0x20000, v12;
	vm2 =	veq.s32 v9, $0x7FFFFFFF;
	(pc) =	sbr.rel @p0 .LBB2_21-.Ltmp12, $4  }
0x131: {  	v8 =	vld [tilespmem:s31+$0x30];
	[tilespmem:s31+$0x14C30] =	vst v10;
	v9 =	vsel vm2, $0x20000, v9;
	vm3 =	veq.s32 v15, $0x7FFFFFFF  }
0x132: {  	v10 =	vld [tilespmem:s31+$0x40];
	[tilespmem:s31+$0x14C40] =	vst v9;
	v9 =	vsel vm3, $0x20000, v15;
	vm4 =	veq.s32 v13, $0x7FFFFFFF  }
0x133: {  	v12 =	vsel vm6, $0x0, v14;
	v11 =	vld [tilespmem:s31+$0x50];
	[tilespmem:s31+$0x14C50] =	vst v9;
	v9 =	vsel vm4, $0x20000, v13  }
0x134: {  	s1 =	sshra.s32 s0, $0x2;
	s0 =	sadd.s32 $0x200, s0;
	[tilespmem:s31+$0x19C00] =	vst v12;
	v13 =	vsel vm5, $0x0, v16;
	v12 =	vld [tilespmem:s31+$0x60]  }
0x135: {  	v14 =	vld [tilespmem:s1+$0x1070];
	[tilespmem:s31+$0x19C10] =	vst v13;
	v7 =	vsel vm0, $0x0, v7  }
0x136: {  	v13 =	vld [tilespmem:s1+$0x70];
	[tilespmem:s31+$0x19C20] =	vst v7;
	v7 =	vsel vm1, $0x0, v8  }
0x137: {  	v8 =	vld [tilespmem:s1+$0x1000];
	[tilespmem:s31+$0x19C30] =	vst v7;
	v7 =	vsel vm2, $0x0, v10  }
0x138: {  	v50 =	vld [tilespmem:s1+$0x1010];
	[tilespmem:s31+$0x19C40] =	vst v7;
	v7 =	vsel vm3, $0x0, v11  }
0x139: {  	v51 =	vld [tilespmem:s1+$0x1020];
	[tilespmem:s31+$0x19C50] =	vst v7  }
0x13a: {  	v52 =	vsel vm4, $0x0, v12;
	v7 =	vld [tilespmem:s1+$0x1030];
	[tilespmem:s31+$0x14C60] =	vst v9;
	vm9 =	veq.s32 v14, $0x7FFFFFFF  }
0x13b: {  	v53 =	vld [tilespmem:s1+$0x1040];
	[tilespmem:s31+$0x19C60] =	vst v52;
	v54 =	vsel vm9, $0x0, v13  }
0x13c: {  	v56 =	vsel vm9, $0x20000, v14;
	v55 =	vld [tilespmem:s1+$0x1050];
	[tilespmem:s1+$0x19C70] =	vst v54;
	vm10 =	veq.s32 v8, $0x7FFFFFFF  }
0x13d: {  	[tilespmem:s1+$0x14C70] =	vst v56;
	v58 =	vld [tilespmem:s1+$0x0];
	v8 =	vsel vm10, $0x20000, v8;
	vm11 =	veq.s32 v50, $0x7FFFFFFF  }
0x13e: {  	v57 =	vld [tilespmem:s1+$0x1060];
	[tilespmem:s1+$0x14C00] =	vst v8;
	v8 =	vsel vm11, $0x20000, v50;
	vm12 =	veq.s32 v51, $0x7FFFFFFF  }
0x13f: {  	v59 =	vld [tilespmem:s1+$0x10];
	[tilespmem:s1+$0x14C10] =	vst v8;
	v8 =	vsel vm12, $0x20000, v51;
	vm13 =	veq.s32 v7, $0x7FFFFFFF  }
0x140: {  	v60 =	vld [tilespmem:s1+$0x20];
	[tilespmem:s1+$0x14C20] =	vst v8;
	v7 =	vsel vm13, $0x20000, v7;
	vm14 =	veq.s32 v53, $0x7FFFFFFF  }
0x141: {  	v8 =	vld [tilespmem:s1+$0x30];
	[tilespmem:s1+$0x14C30] =	vst v7;
	v7 =	vsel vm14, $0x20000, v53  }
0x142: {  	vm5 =	veq.s32 v55, $0x7FFFFFFF;
	v9 =	vsel vm10, $0x0, v58;
	[tilespmem:s1+$0x14C40] =	vst v7  }
0x143: {  	v61 =	vld [tilespmem:s1+$0x40];
	v7 =	vsel vm5, $0x20000, v55;
	[tilespmem:s1+$0x19C00] =	vst v9  }
0x144: {  	v62 =	vld [tilespmem:s1+$0x50];
	[tilespmem:s1+$0x14C50] =	vst v7;
	v7 =	vsel vm11, $0x0, v59  }
0x145: {  	v63 =	vld [tilespmem:s1+$0x60];
	[tilespmem:s1+$0x19C10] =	vst v7;
	v7 =	vsel vm12, $0x0, v60  }
0x146: {  	vm15 =	veq.s32 v57, $0x7FFFFFFF;
	[tilespmem:s1+$0x19C20] =	vst v7;
	v7 =	vsel vm13, $0x0, v8  }
0x147: {  	v8 =	vsel vm15, $0x20000, v57;
	[tilespmem:s1+$0x19C30] =	vst v7  }
0x148: {  	v7 =	vsel vm14, $0x0, v61;
	[tilespmem:s1+$0x14C60] =	vst v8  }
0x149: {  	[tilespmem:s1+$0x19C40] =	vst v7;
	v7 =	vsel vm5, $0x0, v62  }
0x14a: {  	[tilespmem:s1+$0x19C50] =	vst v7;
	v7 =	vsel vm15, $0x0, v63  }
0x14b: {  	s0 =	rddreg [dreg:$0x6];
	s7 =	simm.s32 $0x15C00;
	[tilespmem:s1+$0x19C60] =	vst v7  }
0x14c: {  	[tilespmem:s7], [sflag:$0x1] =	stream.indirect.gather [hbm4b:s0+s22], $0x1, s23, s22, $0xb8;
	[tilespmem:$0x1AC00] =	vst v63  }
0x14d: {  	s8 =	rddreg [dreg:$0x7];
	s2 =	simm.s32 $0x16C00  }
0x14e: {  	[tilespmem:s2], [sflag:$0x1] =	stream.indirect.gather [hbm4b:s8+s22], $0x1, s23, s22, $0xb8;
	[tilespmem:$0x1AC00] =	vst v63  }
0x14f: {  	s24 =	rddreg [dreg:$0x8]  }
0x150: {  	[tilespmem:s26], [sflag:$0x1] =	stream.indirect.gather [hbm4b:s24+s22], $0x1, s23, s22, $0xb8;
	[tilespmem:$0x1AC00] =	vst v63  }
0x151: {  	s25 =	rddreg [dreg:$0x9]  }
0x152: {  	[tilespmem:s28], [sflag:$0x1] =	stream.indirect.gather [hbm4b:s25+s22], $0x1, s23, s22, $0xb8;
	[tilespmem:$0x1AC00] =	vst v63  }
0x153: {  	_ =	swait.ge [sflag:s29], $0x1000  }
0x154: {  	[sflag:s29] =	ssyncset.done $0x0  }
0x155: {  	[sflag:s29] =	ssyncadd.s32 $0xFFFFF000  }
0x156: {  	_ =	swait.ge [sflag:s29], $0x1000  }
0x157: {  	[sflag:s29] =	ssyncset.done $0x0  }
0x158: {  	[sflag:s29] =	ssyncadd.s32 $0xFFFFF000  }
0x159: {  	_ =	swait.ge [sflag:s29], $0x1000  }
0x15a: {  	[sflag:s29] =	ssyncset.done $0x0  }
0x15b: {  	[sflag:s29] =	ssyncadd.s32 $0xFFFFF000  }
0x15c: {  	_ =	swait.ge [sflag:s29], $0x1000  }
0x15d: {  	[sflag:s29] =	ssyncset.done $0x0  }
0x15e: {  	s31 =	rddreg [dreg:$0xa];
	[sflag:s29] =	ssyncadd.s32 $0xFFFFF000  }
0x15f: {  	[hbm4b:s31+s9] =	stream.strided.scatter [tilespmem:s7], [sflag:$0x2], $0x1000, s17, s9, $0x38;
	[tilespmem:$0x1AC00] =	vst v63  }
0x160: {  	_ =	swait.ge [sflag:s11], $0x1000  }
0x161: {  	[sflag:s11] =	ssyncset.done $0x0  }
0x162: {  	s1 =	rddreg [dreg:$0xb];
	[sflag:s11] =	ssyncadd.s32 $0xFFFFF000  }
0x163: {  	[hbm4b:s1+s9] =	stream.strided.scatter [tilespmem:s2], [sflag:$0x2], $0x1000, s17, s9, $0x38;
	[tilespmem:$0x1AC00] =	vst v63  }
0x164: {  	_ =	swait.ge [sflag:s11], $0x1000  }
0x165: {  	[sflag:s11] =	ssyncset.done $0x0  }
0x166: {  	s7 =	rddreg [dreg:$0xc];
	[sflag:s11] =	ssyncadd.s32 $0xFFFFF000  }
0x167: {  	[hbm4b:s7+s9] =	stream.strided.scatter [tilespmem:s26], [sflag:$0x2], $0x1000, s17, s9, $0x38;
	[tilespmem:$0x1AC00] =	vst v63  }
0x168: {  	_ =	swait.ge [sflag:s11], $0x1000  }
0x169: {  	[sflag:s11] =	ssyncset.done $0x0  }
0x16a: {  	s24 =	simm.s32 $0x19C00;
	s8 =	rddreg [dreg:$0xd];
	[sflag:s11] =	ssyncadd.s32 $0xFFFFF000  }
0x16b: {  	[hbm4b:s8+s9] =	stream.strided.scatter [tilespmem:s24], [sflag:$0x2], $0x1000, s17, s9, $0x38;
	[tilespmem:$0x1AC00] =	vst v63  }
0x16c: {  	_ =	swait.ge [sflag:s11], $0x1000  }
0x16d: {  	[sflag:s11] =	ssyncset.done $0x0  }
0x16e: {  	s25 =	rddreg [dreg:$0xe];
	[sflag:s11] =	ssyncadd.s32 $0xFFFFF000  }
0x16f: {  	[hbm4b:s25+s9] =	stream.strided.scatter [tilespmem:s28], [sflag:$0x2], $0x1000, s17, s9, $0x38;
	[tilespmem:$0x1AC00] =	vst v63  }
0x170: {  	_ =	swait.ge [sflag:s11], $0x1000  }
0x171: {  	s30 =	sadd.s32 $0x1, s30;
	s31 =	rddreg [dreg:$0xf]  }
0x172: {  	p0 =	sne.s32 s30, s31  }
.Ltmp13:
0x173: {  	_ = 	snop;
	(pc) =	sbr.rel @p0 .LBB2_1-.Ltmp13, $4  }
.Ltmp14:
0x174: {  	_ = 	snop;
	(pc) =	sbr.rel @!p0 .LBB2_23-.Ltmp14, $4  }
0x175: {  	_ = 	snop  }
0x176: {  	[sflag:s11] =	ssyncset.done $0x0  }
0x177: {  	[sflag:s11] =	ssyncadd.s32 $0xFFFFF000  }
0x178: {  	_ = 	snop  }
.LBB2_19:
0x179: {  	s1 =	sadd.s32 $0x1, s1  }
0x17a: {  	p0 =	sne.s32 s1, $0x20  }
.Ltmp15:
0x17b: {  	_ = 	snop;
	(pc) =	sbr.rel @!p0 .LBB2_20-.Ltmp15, $1  }
0x17c: {  	_ =	sdelay $0x3  }
.LBB2_14:
0x17d: {  	s2 =	sshll.u32 s1, $0x9  }
0x17e: {  	s0 =	sshrl.u32 s2, $0x2  }
0x17f: {  	v7 =	vld [tilespmem:s0+$0x10000];
	_ =	sdelay $0x4  }
0x180: {  	(v2sf) =	vpush v7, $0x0;
	_ =	sdelay $0xe  }
0x181: {  	s0 =	spop (v2sf)  }
0x182: {  	p0 =	slt.s32 s0, $0x1  }
.Ltmp16:
0x183: {  	_ = 	snop;
	(pc) =	sbr.rel @p0 .LBB2_19-.Ltmp16, $1  }
0x184: {  	_ =	sdelay $0x3  }
0x185: {  	s7 =	sshll.u32 s1, $0x4  }
0x186: {  	s2 =	sand.u32 $0x3000, s2;
	s7 =	sand.u32 $0x70, s7  }
0x187: {  	s2 =	sor.u32 s7, s2  }
0x188: {  	s7 =	sadd.s32 s4, s2  }
0x189: {  	[tilespmem:s18], [sflag:$0x2] =	stream.strided.gather [hbm4b:s7+s9], $0x1000, s17, s9, $0x38;
	[tilespmem:$0x1AC00] =	vst v63  }
0x18a: {  	_ =	swait.ge [sflag:s11], $0x1000  }
0x18b: {  	[sflag:s11] =	ssyncset.done $0x0  }
0x18c: {  	s25 =	sadd.s32 s5, s2;
	[sflag:s11] =	ssyncadd.s32 $0xFFFFF000  }
0x18d: {  	[tilespmem:s19], [sflag:$0x2] =	stream.strided.gather [hbm4b:s25+s9], $0x1000, s17, s9, $0x38;
	[tilespmem:$0x1AC00] =	vst v63  }
0x18e: {  	_ =	swait.ge [sflag:s11], $0x1000  }
0x18f: {  	[sflag:s11] =	ssyncset.done $0x0  }
.Ltmp17:
0x190: {  	s2 =	sadd.s32 s6, s2;
	[sflag:s11] =	ssyncadd.s32 $0xFFFFF000;
	(pc) =	sbr.rel .LBB2_16-.Ltmp17, $4  }
0x191: {  	[tilespmem:s20], [sflag:$0x2] =	stream.strided.gather [hbm4b:s2+s9], $0x1000, s17, s9, $0x38;
	[tilespmem:$0x1AC00] =	vst v63  }
0x192: {  	_ =	swait.ge [sflag:s11], $0x1000  }
0x193: {  	s0 =	sadd.s32 $0xF, s0;
	[sflag:s11] =	ssyncset.done $0x0  }
0x194: {  	v7 =	vbroadcast v7, $0x0;
	s31 =	simm.s32 $0x0;
	s0 =	sshrl.u32 s0, $0x4;
	[sflag:s11] =	ssyncadd.s32 $0xFFFFF000  }
.LBB2_18:
0x195: {  	s31 =	sadd.s32 $0x1, s31  }
0x196: {  	p0 =	sne.s32 s31, s0  }
.Ltmp18:
0x197: {  	_ = 	snop;
	(pc) =	sbr.rel @!p0 .LBB2_19-.Ltmp18, $1  }
0x198: {  	_ =	sdelay $0x3  }
.LBB2_16:
0x199: {  	s2 =	sshll.u32 s31, $0x4  }
0x19a: {  	v8 =	vld [tilespmem:s2+$0x11C00];
	_ =	sdelay $0x4  }
0x19b: {  	v9 =	vshrl.u32 v8, $0x7  }
0x19c: {  	v10 =	vor.u32 s2, v0;
	v9 =	vand.u32 $0x1F, v9  }
0x19d: {  	vm0 =	vlt.s32 v10, v7;
	vm1 =	veq.s32 v9, v2;
	v9 =	vshrl.u32 v8, $0x5  }
0x19e: {  	v8 =	vand.u32 $0x7F, v8;
	vm0 =	vmand vm0, vm1;
	v9 =	vand.u32 $0xF80, v9  }
0x19f: {  	v8 =	vor.u32 v8, v9;
	_ =	sdelay $0x3  }
0x1a0: {  	v10 =	vld [tilespmem:s2+$0x13C00]  }
0x1a1: {  	v9 =	vld [tilespmem:s2+$0x12C00];
	[tilespmem:v8+s21+$0x0] =	vst.idx.msk vm0, v0  }
0x1a2: {  	v11 =	vld.idx.msk [tilespmem:v8+s21+$0x0], vm0;
	_ =	sdelay $0x4  }
0x1a3: {  	vm1 =	veq.s32 v11, v0  }
0x1a4: {  	vm1 =	vmand vm0, vm1  }
0x1a5: {  	vm0 =	vmxor vm0, vm1  }
0x1a6: {  	v11 =	vsel vm0, $0x3F800000, v6  }
0x1a7: {  	(xrf0) =	vmax.scan.msk.f32 $0xffff, v11;
	_ =	sdelay $0x5  }
0x1a8: {  	v11, _, _ =	vpop (xrf0)  }
0x1a9: {  	(v2sf) =	vpush v11, $0xF;
	_ =	sdelay $0x4  }
0x1aa: {  	v12 =	vld.idx.msk [tilespmem:v8+s22+$0x0], vm1  }
0x1ab: {  	v11 =	vld.idx.msk [tilespmem:v8+s3+$0x0], vm1;
	_ =	sdelay $0x4  }
0x1ac: {  	vm3 =	vlt.s32 v10, v12;
	vm2 =	veq.f32 v9, v11  }
0x1ad: {  	vm4 =	vlt.f32 v9, v11;
	vm2 =	vmand vm2, vm3  }
0x1ae: {  	vm2 =	vmor vm4, vm2  }
0x1af: {  	vm1 =	vmand vm1, vm2  }
0x1b0: {  	s25 =	spop (v2sf)  }
0x1b1: {  	p0 =	sgt.f32 s25, $0.0e+00  }
.Ltmp19:
0x1b2: {  	_ = 	snop;
	(pc) =	sbr.rel @!p0 .LBB2_18-.Ltmp19, $3  }
0x1b3: {  	_ =	sdelay $0x1  }
0x1b4: {  	[tilespmem:v8+s3+$0x0] =	vst.idx.msk vm1, v9  }
0x1b5: {  	[tilespmem:v8+s22+$0x0] =	vst.idx.msk vm1, v10  }
.LBB2_17:
0x1b6: {  	[tilespmem:v8+s21+$0x0] =	vst.idx.msk vm0, v0  }
0x1b7: {  	v11 =	vld.idx.msk [tilespmem:v8+s21+$0x0], vm0;
	_ =	sdelay $0x4  }
0x1b8: {  	vm1 =	veq.s32 v11, v0  }
0x1b9: {  	vm1 =	vmand vm0, vm1  }
0x1ba: {  	vm0 =	vmxor vm0, vm1  }
0x1bb: {  	v11 =	vsel vm0, $0x3F800000, v6  }
0x1bc: {  	(xrf0) =	vmax.scan.msk.f32 $0xffff, v11;
	_ =	sdelay $0x5  }
0x1bd: {  	v11, _, _ =	vpop (xrf0)  }
0x1be: {  	(v2sf) =	vpush v11, $0xF;
	_ =	sdelay $0x4  }
0x1bf: {  	v12 =	vld.idx.msk [tilespmem:v8+s22+$0x0], vm1  }
0x1c0: {  	v11 =	vld.idx.msk [tilespmem:v8+s3+$0x0], vm1;
	_ =	sdelay $0x4  }
0x1c1: {  	vm3 =	vlt.s32 v10, v12;
	vm2 =	veq.f32 v9, v11  }
0x1c2: {  	vm4 =	vlt.f32 v9, v11;
	vm2 =	vmand vm2, vm3  }
0x1c3: {  	vm2 =	vmor vm4, vm2  }
0x1c4: {  	vm1 =	vmand vm1, vm2  }
0x1c5: {  	s2 =	spop (v2sf)  }
0x1c6: {  	p0 =	sgt.f32 s2, $0.0e+00  }
.Ltmp20:
0x1c7: {  	_ = 	snop;
	(pc) =	sbr.rel @p0 .LBB2_17-.Ltmp20, $3  }
0x1c8: {  	_ =	sdelay $0x1  }
0x1c9: {  	[tilespmem:v8+s3+$0x0] =	vst.idx.msk vm1, v9  }
0x1ca: {  	[tilespmem:v8+s22+$0x0] =	vst.idx.msk vm1, v10  }
.Ltmp21:
0x1cb: {  	_ = 	snop;
	(pc) =	sbr.rel .LBB2_18-.Ltmp21, $1  }
0x1cc: {  	_ =	sdelay $0x3  }
.LBB2_23:
0x1cd: {  	_ =	sfence.sel $0x180000  }
0x1ce: {  	[bflag:$0x0] =	sbarrier.arrive $0xFFFF  }
0x1cf: {  	_ =	strace $0x9000004A  }
0x1d0: {  	s0 =	stileid.u32;
	[bflag:$0x2] =	sbarrier.arrive $0xFFFF  }
0x1d1: {  	p0 =	sne.s32 s0, $0x0;
	s0 =	rddreg [dreg:$0x4]  }
0x1d2: {  	s0 =	sadd.s32 @!p0 $0x100000, s0  }
0x1d3: {  	[sflag:s0] =	ssyncadd.tile.s32 @!p0 $0x1;
	_ =	shalt  }
.Lfunc_end2:
_tile_overlayer_lowered:
.L_overlay_start_2:
0x1d4: {  	(tag) =	ssettag $0x2  }
0x1d5: {  	s0 =	rddreg [dreg:$0x0];
	s2 =	stileid.u32  }
0x1d6: {  	s1 =	rddreg [dreg:$0x1];
	p0 =	sne.s32 s2, $0x0  }
0x1d7: {  	s3 =	rddreg [dreg:$0x2];
	[bflag:$0x3] =	sbarrier.arrive $0xFFFF;
	s2 =	simm.s32 @!p0 $0x1C02  }
0x1d8: {  	[timem:s3], [sflag:s2] =	dma.local @!p0 [hbm:s0], s1  }
0x1d9: {  	s0 =	simm.s32 @!p0 $0x2  }
0x1da: {  	_ =	swait.ge @!p0 [sflag:s0], s1  }
0x1db: {  	s1 =	ssub.s32 @!p0 $0x0, s1;
	[sflag:s0] =	ssyncset.done @!p0 $0x0  }
0x1dc: {  	[sflag:s0] =	ssyncadd.s32 @!p0 s1  }
0x1dd: {  	[bflag:$0x3] =	sbarrier.arrive $0xFFFF  }
0x1de: {  	_ =	shalt  }

</sc_bundles>
